<compile_context>
chip_gen: v7x
topology: tpu7x:2x2x1
jax: 0.10.2.dev20260603
libtpu: 0.0.44.dev20260713+nightly
codegen_flags: <defaults>
</compile_context>

<pallas_src>
import functools
import jax
import jax.numpy as jnp
from jax import lax
from jax.experimental import pallas as pl
from jax.experimental.pallas import tpu as pltpu
from jax.experimental.pallas import tpu_sc as plsc

NC = 2
NS = 16
NW = NC * NS

BATCH = 16384
HIST = 200
DIM = 64
VOCAB = 1000

HT = HIST // 8
BT = BATCH // 128
BT_PER_W = BT // NW
N_TILES = HT * BT_PER_W


@functools.partial(
    pl.kernel,
    out_type=jax.ShapeDtypeStruct((HIST, DIM, BATCH), jnp.float32),
    mesh=plsc.VectorSubcoreMesh(core_axis_name="c", subcore_axis_name="s"),
    scratch_types=[
        pltpu.VMEM((VOCAB // 2, 128), jnp.float32),
        pltpu.VMEM((2, 8, 128), jnp.int32),
        pltpu.VMEM((2, DIM, 128), jnp.float32),
        pltpu.SemaphoreType.DMA,
        pltpu.SemaphoreType.DMA,
    ],
    compiler_params=pltpu.CompilerParams(needs_layout_passes=False),
)
def _emb_lookup(xt_hbm, tab_hbm, out_hbm, tab_v, idx_v, trans_v, sem_i, sem_o):
    wid = lax.axis_index("s") * NC + lax.axis_index("c")
    c0 = wid * BT_PER_W

    pltpu.sync_copy(tab_hbm, tab_v)

    def idx_slice(k):
        ht = k >> 2
        c = c0 + (k & 3)
        return xt_hbm.at[pl.ds(ht * 8, 8), pl.ds(c * 128, 128)]

    def fire_idx(k, b):
        return pltpu.async_copy(idx_slice(k), idx_v.at[b], sem_i)

    def out_slice(hh, c):
        return out_hbm.at[hh].at[:, pl.ds(c * 128, 128)]

    fire_idx(0, 0)

    def tile_body(k, carry):
        b = k & 1
        pltpu.make_async_copy(idx_slice(k), idx_v.at[b], sem_i).wait()

        @pl.when(k < N_TILES - 1)
        def _():
            fire_idx(k + 1, 1 - b)

        ht = k >> 2
        c = c0 + (k & 3)

        def h_body(hl, carry2):
            tb = hl & 1

            @pl.when(k * 8 + hl >= 2)
            def _():
                pltpu.make_async_copy(
                    trans_v.at[tb], out_slice(0, 0), sem_o
                ).wait()

            @plsc.parallel_loop(0, 8, 1, unroll=2)
            def bg_body(bg):
                idx16 = idx_v[b, hl, pl.ds(bg * 16, 16)]
                r16 = idx16 >> 1
                cb = (idx16 & 1) << 6
                for tc in range(0, DIM, 8):
                    vs = [
                        plsc.load_gather(
                            tab_v,
                            [r16, cb + (((tc + i) - idx16) & (DIM - 1))],
                        )
                        for i in range(8)
                    ]
                    for i in range(8):
                        trans_v[tb, tc + i, pl.ds(bg * 16, 16)] = vs[i]

            pltpu.async_copy(trans_v.at[tb], out_slice(ht * 8 + hl, c), sem_o)
            return carry2

        lax.fori_loop(0, 8, h_body, 0)
        return carry

    lax.fori_loop(0, N_TILES, tile_body, 0)

    pltpu.make_async_copy(trans_v.at[0], out_slice(0, 0), sem_o).wait()
    pltpu.make_async_copy(trans_v.at[1], out_slice(0, 0), sem_o).wait()


def kernel(x, table):
    col = (jnp.arange(DIM)[None, :] + jnp.arange(VOCAB)[:, None]) % DIM
    tabs = jnp.take_along_axis(table, col, axis=1)
    tab2 = tabs.reshape(VOCAB // 2, 128)
    xt = jnp.swapaxes(x.astype(jnp.int32), 0, 1)
    out_t = _emb_lookup(xt, tab2)
    return jnp.transpose(out_t, (2, 0, 1))

# --- scband reference (transcript-rebuilt; emitter-appended) ---
"""Pipeline reference for scband-emb-73177652790007 (READ-ONLY COPY).

The authoritative reference and input builder live on the scoring server;
editing this copy changes nothing except your own understanding.
"""

import jax, jax.numpy as jnp
import numpy as np

VOCAB = 1000
WV_DIM = 64
BATCH = 16384
HIST = 200

def setup_inputs(seed: int = 0) -> dict:
    key = jax.random.key(seed)
    k_idx, k_tab = jax.random.split(key)
    x = jax.random.randint(k_idx, (BATCH, HIST), 0, VOCAB, dtype=jnp.int64 if jax.config.read('jax_enable_x64') else jnp.int32)
    table = jax.random.normal(k_tab, (VOCAB, WV_DIM), dtype=jnp.float32)
    return {"x": x, "table": table}

def reference(x, table):
    # Faithful translation of torch.nn.Embedding lookup: out = table[x]
    out = jnp.take(table, x, axis=0)
    return out

if __name__ == "__main__":
    import jax
    _d = setup_inputs()
    print(jax.jit(kernel)(*tuple(_d.values())))

</pallas_src>

<mosaic_0001>
#map = affine_map<(d0, d1) -> (0, 0)>
#map1 = affine_map<(d0, d1) -> (0, 0, 0)>
module attributes {stable_mosaic.version = 14 : i64} {
  func.func @_emb_lookup(%arg0: i32, %arg1: i32, %arg2: memref<200x16384xi32, #tpu.memory_space<hbm>>, %arg3: memref<500x128xf32, #tpu.memory_space<hbm>>, %arg4: memref<200x64x16384xf32, #tpu.memory_space<hbm>>, %arg5: memref<500x128xf32, #tpu.memory_space<vmem>>, %arg6: memref<2x8x128xi32, #tpu.memory_space<vmem>>, %arg7: memref<2x64x128xf32, #tpu.memory_space<vmem>>, %arg8: memref<!tpu.dma_semaphore, #tpu.memory_space<semaphore_mem>>, %arg9: memref<!tpu.dma_semaphore, #tpu.memory_space<semaphore_mem>>) attributes {dimension_semantics = [#tpu.dimension_semantics<core_parallel>, #tpu.dimension_semantics<subcore_parallel>], iteration_bounds = array<i64: 2, 16>, scalar_prefetch = 0 : i64, scratch_operands = 5 : i64, tpu.core_type = #tpu.core_type<sc_vector_subcore>, window_params = [{transform_indices = #map}, {transform_indices = #map}, {transform_indices = #map1}]} {
    %mul3A = arith.constant 2 : i32
    %mul3A_0 = arith.muli %arg1, %mul3A : i32
    %add3A = arith.addi %mul3A_0, %arg0 : i32
    %mul3A_1 = arith.constant 4 : i32
    %mul3A_2 = arith.muli %add3A, %mul3A_1 : i32
    "tpu.region"() ({
      %run_scoped3A = tpu.sem_alloc : memref<!tpu.dma_semaphore, #tpu.memory_space<semaphore_mem>>
      tpu.enqueue_dma source(%arg3 : memref<500x128xf32, #tpu.memory_space<hbm>>) target(%arg5 : memref<500x128xf32, #tpu.memory_space<vmem>>) target_semaphore(%run_scoped3A : memref<!tpu.dma_semaphore, #tpu.memory_space<semaphore_mem>>)
      tpu.wait_dma2 semaphore(%run_scoped3A : memref<!tpu.dma_semaphore, #tpu.memory_space<semaphore_mem>>) src(%arg3 : memref<500x128xf32, #tpu.memory_space<hbm>>) dst(%arg5 : memref<500x128xf32, #tpu.memory_space<vmem>>)
      tpu.yield
    }) : () -> ()
    %add3A_3 = arith.constant 0 : i32
    %add3A_4 = arith.addi %mul3A_2, %add3A_3 : i32
    %mul3A_5 = arith.constant 128 : i32
    %mul3A_6 = arith.muli %add3A_4, %mul3A_5 : i32
    %dma_start3A = arith.constant 0 : i32
    %dma_start3A_7 = arith.constant 0 : i32
    %dma_start3A_8 = arith.constant 0 : i32
    %dma_start3A_9 = tpu.memref_slice %arg6[%dma_start3A, %dma_start3A_7, %dma_start3A_8] : memref<2x8x128xi32, #tpu.memory_space<vmem>> -> memref<1x8x128xi32, #tpu.memory_space<vmem>>
    %dma_start3A_10 = tpu.memref_squeeze %dma_start3A_9 : memref<1x8x128xi32, #tpu.memory_space<vmem>> -> memref<8x128xi32, #tpu.memory_space<vmem>>
    %dma_start3A_11 = arith.constant 0 : i32
    %dma_start3A_12 = tpu.memref_slice %arg2[%dma_start3A_11, %mul3A_6] : memref<200x16384xi32, #tpu.memory_space<hbm>> -> memref<8x128xi32, #tpu.memory_space<hbm>>
    %dma_start3A_13 = arith.constant 0 : i32
    %dma_start3A_14 = arith.constant 0 : i32
    %dma_start3A_15 = tpu.memref_slice %arg6[%dma_start3A, %dma_start3A_13, %dma_start3A_14] : memref<2x8x128xi32, #tpu.memory_space<vmem>> -> memref<1x8x128xi32, #tpu.memory_space<vmem>>
    %dma_start3A_16 = tpu.memref_squeeze %dma_start3A_15 : memref<1x8x128xi32, #tpu.memory_space<vmem>> -> memref<8x128xi32, #tpu.memory_space<vmem>>
    %dma_start3A_17 = arith.constant 0 : i32
    %dma_start3A_18 = tpu.memref_slice %arg2[%dma_start3A_17, %mul3A_6] : memref<200x16384xi32, #tpu.memory_space<hbm>> -> memref<8x128xi32, #tpu.memory_space<hbm>>
    tpu.enqueue_dma source(%dma_start3A_18 : memref<8x128xi32, #tpu.memory_space<hbm>>) target(%dma_start3A_16 : memref<8x128xi32, #tpu.memory_space<vmem>>) target_semaphore(%arg8 : memref<!tpu.dma_semaphore, #tpu.memory_space<semaphore_mem>>)
    %scan3A = arith.constant 0 : i32
    %scan3A_19 = arith.constant 0 : i32
    %scan3A_20 = arith.constant 100 : i32
    %scan3A_21 = arith.addi %scan3A_19, %scan3A_20 : i32
    %scan3A_22 = arith.constant 1 : i32
    scf.for %scan3A_71 = %scan3A_19 to %scan3A_21 step %scan3A_22  : i32 {
      %and3A = arith.constant 1 : i32
      %and3A_72 = arith.andi %scan3A_71, %and3A : i32
      %shift_right_arithmetic3A = arith.constant 2 : i32
      %shift_right_arithmetic3A_73 = arith.shrsi %scan3A_71, %shift_right_arithmetic3A : i32
      %and3A_74 = arith.constant 3 : i32
      %and3A_75 = arith.andi %scan3A_71, %and3A_74 : i32
      %add3A_76 = arith.addi %mul3A_2, %and3A_75 : i32
      %mul3A_77 = arith.constant 8 : i32
      %mul3A_78 = arith.muli %shift_right_arithmetic3A_73, %mul3A_77 : i32
      %mul3A_79 = arith.constant 128 : i32
      %mul3A_80 = arith.muli %add3A_76, %mul3A_79 : i32
      %dma_wait3A_81 = arith.constant 0 : i32
      %dma_wait3A_82 = arith.constant 0 : i32
      %dma_wait3A_83 = tpu.memref_slice %arg6[%and3A_72, %dma_wait3A_81, %dma_wait3A_82] : memref<2x8x128xi32, #tpu.memory_space<vmem>> -> memref<1x8x128xi32, #tpu.memory_space<vmem>>
      %dma_wait3A_84 = tpu.memref_squeeze %dma_wait3A_83 : memref<1x8x128xi32, #tpu.memory_space<vmem>> -> memref<8x128xi32, #tpu.memory_space<vmem>>
      %dma_wait3A_85 = tpu.memref_slice %arg2[%mul3A_78, %mul3A_80] : memref<200x16384xi32, #tpu.memory_space<hbm>> -> memref<8x128xi32, #tpu.memory_space<hbm>>
      %dma_wait3A_86 = arith.constant 0 : i32
      %dma_wait3A_87 = arith.constant 0 : i32
      %dma_wait3A_88 = tpu.memref_slice %arg6[%and3A_72, %dma_wait3A_86, %dma_wait3A_87] : memref<2x8x128xi32, #tpu.memory_space<vmem>> -> memref<1x8x128xi32, #tpu.memory_space<vmem>>
      %dma_wait3A_89 = tpu.memref_squeeze %dma_wait3A_88 : memref<1x8x128xi32, #tpu.memory_space<vmem>> -> memref<8x128xi32, #tpu.memory_space<vmem>>
      %dma_wait3A_90 = tpu.memref_slice %arg2[%mul3A_78, %mul3A_80] : memref<200x16384xi32, #tpu.memory_space<hbm>> -> memref<8x128xi32, #tpu.memory_space<hbm>>
      tpu.wait_dma2 semaphore(%arg8 : memref<!tpu.dma_semaphore, #tpu.memory_space<semaphore_mem>>) src(%dma_wait3A_90 : memref<8x128xi32, #tpu.memory_space<hbm>>) dst(%dma_wait3A_89 : memref<8x128xi32, #tpu.memory_space<vmem>>)
      %lt3A = arith.constant 99 : i32
      %lt3A_91 = arith.cmpi slt, %scan3A_71, %lt3A : i32
      %convert_element_type3A = arith.extui %lt3A_91 : i1 to i32
      %cond3A = arith.constant 0 : i32
      %cond3A_92 = arith.cmpi ne, %convert_element_type3A, %cond3A : i32
      scf.if %cond3A_92 {
        %add3A_104 = arith.constant 1 : i32
        %add3A_105 = arith.addi %scan3A_71, %add3A_104 : i32
        %sub3A = arith.constant 1 : i32
        %sub3A_106 = arith.subi %sub3A, %and3A_72 : i32
        %shift_right_arithmetic3A_107 = arith.constant 2 : i32
        %shift_right_arithmetic3A_108 = arith.shrsi %add3A_105, %shift_right_arithmetic3A_107 : i32
        %and3A_109 = arith.constant 3 : i32
        %and3A_110 = arith.andi %add3A_105, %and3A_109 : i32
        %add3A_111 = arith.addi %mul3A_2, %and3A_110 : i32
        %mul3A_112 = arith.constant 8 : i32
        %mul3A_113 = arith.muli %shift_right_arithmetic3A_108, %mul3A_112 : i32
        %mul3A_114 = arith.constant 128 : i32
        %mul3A_115 = arith.muli %add3A_111, %mul3A_114 : i32
        %dma_start3A_116 = arith.constant 0 : i32
        %dma_start3A_117 = arith.constant 0 : i32
        %dma_start3A_118 = tpu.memref_slice %arg6[%sub3A_106, %dma_start3A_116, %dma_start3A_117] : memref<2x8x128xi32, #tpu.memory_space<vmem>> -> memref<1x8x128xi32, #tpu.memory_space<vmem>>
        %dma_start3A_119 = tpu.memref_squeeze %dma_start3A_118 : memref<1x8x128xi32, #tpu.memory_space<vmem>> -> memref<8x128xi32, #tpu.memory_space<vmem>>
        %dma_start3A_120 = tpu.memref_slice %arg2[%mul3A_113, %mul3A_115] : memref<200x16384xi32, #tpu.memory_space<hbm>> -> memref<8x128xi32, #tpu.memory_space<hbm>>
        %dma_start3A_121 = arith.constant 0 : i32
        %dma_start3A_122 = arith.constant 0 : i32
        %dma_start3A_123 = tpu.memref_slice %arg6[%sub3A_106, %dma_start3A_121, %dma_start3A_122] : memref<2x8x128xi32, #tpu.memory_space<vmem>> -> memref<1x8x128xi32, #tpu.memory_space<vmem>>
        %dma_start3A_124 = tpu.memref_squeeze %dma_start3A_123 : memref<1x8x128xi32, #tpu.memory_space<vmem>> -> memref<8x128xi32, #tpu.memory_space<vmem>>
        %dma_start3A_125 = tpu.memref_slice %arg2[%mul3A_113, %mul3A_115] : memref<200x16384xi32, #tpu.memory_space<hbm>> -> memref<8x128xi32, #tpu.memory_space<hbm>>
        tpu.enqueue_dma source(%dma_start3A_125 : memref<8x128xi32, #tpu.memory_space<hbm>>) target(%dma_start3A_124 : memref<8x128xi32, #tpu.memory_space<vmem>>) target_semaphore(%arg8 : memref<!tpu.dma_semaphore, #tpu.memory_space<semaphore_mem>>)
      } else {
      }
      %shift_right_arithmetic3A_93 = arith.constant 2 : i32
      %shift_right_arithmetic3A_94 = arith.shrsi %scan3A_71, %shift_right_arithmetic3A_93 : i32
      %and3A_95 = arith.constant 3 : i32
      %and3A_96 = arith.andi %scan3A_71, %and3A_95 : i32
      %add3A_97 = arith.addi %mul3A_2, %and3A_96 : i32
      %scan3A_98 = arith.constant 0 : i32
      %scan3A_99 = arith.constant 0 : i32
      %scan3A_100 = arith.constant 8 : i32
      %scan3A_101 = arith.addi %scan3A_99, %scan3A_100 : i32
      %scan3A_102 = arith.constant 1 : i32
      scf.for %scan3A_104 = %scan3A_99 to %scan3A_101 step %scan3A_102  : i32 {
        %and3A_105 = arith.constant 1 : i32
        %and3A_106 = arith.andi %scan3A_104, %and3A_105 : i32
        %mul3A_107 = arith.constant 8 : i32
        %mul3A_108 = arith.muli %scan3A_71, %mul3A_107 : i32
        %add3A_109 = arith.addi %mul3A_108, %scan3A_104 : i32
        %ge3A = arith.constant 2 : i32
        %ge3A_110 = arith.cmpi sge, %add3A_109, %ge3A : i32
        %convert_element_type3A_111 = arith.extui %ge3A_110 : i1 to i32
        %cond3A_112 = arith.constant 0 : i32
        %cond3A_113 = arith.cmpi ne, %convert_element_type3A_111, %cond3A_112 : i32
        scf.if %cond3A_113 {
          %dma_wait3A_141 = arith.constant 0 : i32
          %dma_wait3A_142 = arith.constant 0 : i32
          %dma_wait3A_143 = arith.constant 0 : i32
          %dma_wait3A_144 = tpu.memref_slice %arg7[%and3A_106, %dma_wait3A_142, %dma_wait3A_143] : memref<2x64x128xf32, #tpu.memory_space<vmem>> -> memref<1x64x128xf32, #tpu.memory_space<vmem>>
          %dma_wait3A_145 = tpu.memref_squeeze %dma_wait3A_144 : memref<1x64x128xf32, #tpu.memory_space<vmem>> -> memref<64x128xf32, #tpu.memory_space<vmem>>
          %dma_wait3A_146 = arith.constant 0 : i32
          %dma_wait3A_147 = arith.constant 0 : i32
          %dma_wait3A_148 = tpu.memref_slice %arg4[%dma_wait3A_141, %dma_wait3A_146, %dma_wait3A_147] : memref<200x64x16384xf32, #tpu.memory_space<hbm>> -> memref<1x64x16384xf32, #tpu.memory_space<hbm>>
          %dma_wait3A_149 = tpu.memref_squeeze %dma_wait3A_148 : memref<1x64x16384xf32, #tpu.memory_space<hbm>> -> memref<64x16384xf32, #tpu.memory_space<hbm>>
          %dma_wait3A_150 = arith.constant 0 : i32
          %dma_wait3A_151 = arith.constant 0 : i32
          %dma_wait3A_152 = tpu.memref_slice %dma_wait3A_149[%dma_wait3A_150, %dma_wait3A_151] : memref<64x16384xf32, #tpu.memory_space<hbm>> -> memref<64x128xf32, #tpu.memory_space<hbm>>
          %dma_wait3A_153 = arith.constant 0 : i32
          %dma_wait3A_154 = arith.constant 0 : i32
          %dma_wait3A_155 = tpu.memref_slice %arg4[%dma_wait3A_141, %dma_wait3A_153, %dma_wait3A_154] : memref<200x64x16384xf32, #tpu.memory_space<hbm>> -> memref<1x64x16384xf32, #tpu.memory_space<hbm>>
          %dma_wait3A_156 = tpu.memref_squeeze %dma_wait3A_155 : memref<1x64x16384xf32, #tpu.memory_space<hbm>> -> memref<64x16384xf32, #tpu.memory_space<hbm>>
          %dma_wait3A_157 = arith.constant 0 : i32
          %dma_wait3A_158 = arith.constant 0 : i32
          %dma_wait3A_159 = tpu.memref_slice %dma_wait3A_156[%dma_wait3A_157, %dma_wait3A_158] : memref<64x16384xf32, #tpu.memory_space<hbm>> -> memref<64x128xf32, #tpu.memory_space<hbm>>
          %dma_wait3A_160 = arith.constant 0 : i32
          %dma_wait3A_161 = arith.constant 0 : i32
          %dma_wait3A_162 = tpu.memref_slice %arg7[%and3A_106, %dma_wait3A_160, %dma_wait3A_161] : memref<2x64x128xf32, #tpu.memory_space<vmem>> -> memref<1x64x128xf32, #tpu.memory_space<vmem>>
          %dma_wait3A_163 = tpu.memref_squeeze %dma_wait3A_162 : memref<1x64x128xf32, #tpu.memory_space<vmem>> -> memref<64x128xf32, #tpu.memory_space<vmem>>
          tpu.wait_dma2 semaphore(%arg9 : memref<!tpu.dma_semaphore, #tpu.memory_space<semaphore_mem>>) src(%dma_wait3A_163 : memref<64x128xf32, #tpu.memory_space<vmem>>) dst(%dma_wait3A_159 : memref<64x128xf32, #tpu.memory_space<hbm>>)
        } else {
        }
        %parallel_loop3A = arith.constant 0 : i32
        %parallel_loop3A_114 = arith.constant 8 : i32
        %parallel_loop3A_115 = arith.constant 1 : i32
        scf.for %parallel_loop3A_141 = %parallel_loop3A to %parallel_loop3A_114 step %parallel_loop3A_115  : i32 {
          %parallel_loop3A_142 = arith.constant 16 : i32
          %parallel_loop3A_143 = arith.muli %parallel_loop3A_141, %parallel_loop3A_142 : i32
          %parallel_loop3A_144 = arith.index_cast %and3A_72 : i32 to index
          %parallel_loop3A_145 = arith.index_cast %scan3A_104 : i32 to index
          %parallel_loop3A_146 = arith.index_cast %parallel_loop3A_143 : i32 to index
          %parallel_loop3A_147 = tpu.vector_load %arg6[%parallel_loop3A_144, %parallel_loop3A_145, %parallel_loop3A_146] {strides = array<i32>} : memref<2x8x128xi32, #tpu.memory_space<vmem>>, vector<16xi32>,
          %parallel_loop3A_148 = arith.constant 1 : i32
          %parallel_loop3A_149 = vector.broadcast %parallel_loop3A_148 : i32 to vector<16xi32>
          %parallel_loop3A_150 = arith.shrsi %parallel_loop3A_147, %parallel_loop3A_149 : vector<16xi32>
          %parallel_loop3A_151 = arith.constant 1 : i32
          %parallel_loop3A_152 = vector.broadcast %parallel_loop3A_151 : i32 to vector<16xi32>
          %parallel_loop3A_153 = arith.andi %parallel_loop3A_147, %parallel_loop3A_152 : vector<16xi32>
          %parallel_loop3A_154 = arith.constant 6 : i32
          %parallel_loop3A_155 = vector.broadcast %parallel_loop3A_154 : i32 to vector<16xi32>
          %parallel_loop3A_156 = arith.shli %parallel_loop3A_153, %parallel_loop3A_155 : vector<16xi32>
          %parallel_loop3A_157 = arith.constant 0 : i32
          %parallel_loop3A_158 = vector.broadcast %parallel_loop3A_157 : i32 to vector<16xi32>
          %parallel_loop3A_159 = arith.subi %parallel_loop3A_158, %parallel_loop3A_147 : vector<16xi32>
          %parallel_loop3A_160 = arith.constant 63 : i32
          %parallel_loop3A_161 = vector.broadcast %parallel_loop3A_160 : i32 to vector<16xi32>
          %parallel_loop3A_162 = arith.andi %parallel_loop3A_159, %parallel_loop3A_161 : vector<16xi32>
          %parallel_loop3A_163 = arith.addi %parallel_loop3A_156, %parallel_loop3A_162 : vector<16xi32>
          %parallel_loop3A_164 = tpu.vector_load_idx %arg5[%parallel_loop3A_150, %parallel_loop3A_163] : memref<500x128xf32, #tpu.memory_space<vmem>>[vector<16xi32>, vector<16xi32>], vector<16xf32>,
          %parallel_loop3A_165 = arith.constant 1 : i32
          %parallel_loop3A_166 = vector.broadcast %parallel_loop3A_165 : i32 to vector<16xi32>
          %parallel_loop3A_167 = arith.subi %parallel_loop3A_166, %parallel_loop3A_147 : vector<16xi32>
          %parallel_loop3A_168 = arith.constant 63 : i32
          %parallel_loop3A_169 = vector.broadcast %parallel_loop3A_168 : i32 to vector<16xi32>
          %parallel_loop3A_170 = arith.andi %parallel_loop3A_167, %parallel_loop3A_169 : vector<16xi32>
          %parallel_loop3A_171 = arith.addi %parallel_loop3A_156, %parallel_loop3A_170 : vector<16xi32>
          %parallel_loop3A_172 = tpu.vector_load_idx %arg5[%parallel_loop3A_150, %parallel_loop3A_171] : memref<500x128xf32, #tpu.memory_space<vmem>>[vector<16xi32>, vector<16xi32>], vector<16xf32>,
          %parallel_loop3A_173 = arith.constant 2 : i32
          %parallel_loop3A_174 = vector.broadcast %parallel_loop3A_173 : i32 to vector<16xi32>
          %parallel_loop3A_175 = arith.subi %parallel_loop3A_174, %parallel_loop3A_147 : vector<16xi32>
          %parallel_loop3A_176 = arith.constant 63 : i32
          %parallel_loop3A_177 = vector.broadcast %parallel_loop3A_176 : i32 to vector<16xi32>
          %parallel_loop3A_178 = arith.andi %parallel_loop3A_175, %parallel_loop3A_177 : vector<16xi32>
          %parallel_loop3A_179 = arith.addi %parallel_loop3A_156, %parallel_loop3A_178 : vector<16xi32>
          %parallel_loop3A_180 = tpu.vector_load_idx %arg5[%parallel_loop3A_150, %parallel_loop3A_179] : memref<500x128xf32, #tpu.memory_space<vmem>>[vector<16xi32>, vector<16xi32>], vector<16xf32>,
          %parallel_loop3A_181 = arith.constant 3 : i32
          %parallel_loop3A_182 = vector.broadcast %parallel_loop3A_181 : i32 to vector<16xi32>
          %parallel_loop3A_183 = arith.subi %parallel_loop3A_182, %parallel_loop3A_147 : vector<16xi32>
          %parallel_loop3A_184 = arith.constant 63 : i32
          %parallel_loop3A_185 = vector.broadcast %parallel_loop3A_184 : i32 to vector<16xi32>
          %parallel_loop3A_186 = arith.andi %parallel_loop3A_183, %parallel_loop3A_185 : vector<16xi32>
          %parallel_loop3A_187 = arith.addi %parallel_loop3A_156, %parallel_loop3A_186 : vector<16xi32>
          %parallel_loop3A_188 = tpu.vector_load_idx %arg5[%parallel_loop3A_150, %parallel_loop3A_187] : memref<500x128xf32, #tpu.memory_space<vmem>>[vector<16xi32>, vector<16xi32>], vector<16xf32>,
          %parallel_loop3A_189 = arith.constant 4 : i32
          %parallel_loop3A_190 = vector.broadcast %parallel_loop3A_189 : i32 to vector<16xi32>
          %parallel_loop3A_191 = arith.subi %parallel_loop3A_190, %parallel_loop3A_147 : vector<16xi32>
          %parallel_loop3A_192 = arith.constant 63 : i32
          %parallel_loop3A_193 = vector.broadcast %parallel_loop3A_192 : i32 to vector<16xi32>
          %parallel_loop3A_194 = arith.andi %parallel_loop3A_191, %parallel_loop3A_193 : vector<16xi32>
          %parallel_loop3A_195 = arith.addi %parallel_loop3A_156, %parallel_loop3A_194 : vector<16xi32>
          %parallel_loop3A_196 = tpu.vector_load_idx %arg5[%parallel_loop3A_150, %parallel_loop3A_195] : memref<500x128xf32, #tpu.memory_space<vmem>>[vector<16xi32>, vector<16xi32>], vector<16xf32>,
          %parallel_loop3A_197 = arith.constant 5 : i32
          %parallel_loop3A_198 = vector.broadcast %parallel_loop3A_197 : i32 to vector<16xi32>
          %parallel_loop3A_199 = arith.subi %parallel_loop3A_198, %parallel_loop3A_147 : vector<16xi32>
          %parallel_loop3A_200 = arith.constant 63 : i32
          %parallel_loop3A_201 = vector.broadcast %parallel_loop3A_200 : i32 to vector<16xi32>
          %parallel_loop3A_202 = arith.andi %parallel_loop3A_199, %parallel_loop3A_201 : vector<16xi32>
          %parallel_loop3A_203 = arith.addi %parallel_loop3A_156, %parallel_loop3A_202 : vector<16xi32>
          %parallel_loop3A_204 = tpu.vector_load_idx %arg5[%parallel_loop3A_150, %parallel_loop3A_203] : memref<500x128xf32, #tpu.memory_space<vmem>>[vector<16xi32>, vector<16xi32>], vector<16xf32>,
          %parallel_loop3A_205 = arith.constant 6 : i32
          %parallel_loop3A_206 = vector.broadcast %parallel_loop3A_205 : i32 to vector<16xi32>
          %parallel_loop3A_207 = arith.subi %parallel_loop3A_206, %parallel_loop3A_147 : vector<16xi32>
          %parallel_loop3A_208 = arith.constant 63 : i32
          %parallel_loop3A_209 = vector.broadcast %parallel_loop3A_208 : i32 to vector<16xi32>
          %parallel_loop3A_210 = arith.andi %parallel_loop3A_207, %parallel_loop3A_209 : vector<16xi32>
          %parallel_loop3A_211 = arith.addi %parallel_loop3A_156, %parallel_loop3A_210 : vector<16xi32>
          %parallel_loop3A_212 = tpu.vector_load_idx %arg5[%parallel_loop3A_150, %parallel_loop3A_211] : memref<500x128xf32, #tpu.memory_space<vmem>>[vector<16xi32>, vector<16xi32>], vector<16xf32>,
          %parallel_loop3A_213 = arith.constant 7 : i32
          %parallel_loop3A_214 = vector.broadcast %parallel_loop3A_213 : i32 to vector<16xi32>
          %parallel_loop3A_215 = arith.subi %parallel_loop3A_214, %parallel_loop3A_147 : vector<16xi32>
          %parallel_loop3A_216 = arith.constant 63 : i32
          %parallel_loop3A_217 = vector.broadcast %parallel_loop3A_216 : i32 to vector<16xi32>
          %parallel_loop3A_218 = arith.andi %parallel_loop3A_215, %parallel_loop3A_217 : vector<16xi32>
          %parallel_loop3A_219 = arith.addi %parallel_loop3A_156, %parallel_loop3A_218 : vector<16xi32>
          %parallel_loop3A_220 = tpu.vector_load_idx %arg5[%parallel_loop3A_150, %parallel_loop3A_219] : memref<500x128xf32, #tpu.memory_space<vmem>>[vector<16xi32>, vector<16xi32>], vector<16xf32>,
          %parallel_loop3A_221 = arith.constant 16 : i32
          %parallel_loop3A_222 = arith.muli %parallel_loop3A_141, %parallel_loop3A_221 : i32
          %parallel_loop3A_223 = arith.constant 0 : i32
          %parallel_loop3A_224 = arith.index_cast %and3A_106 : i32 to index
          %parallel_loop3A_225 = arith.index_cast %parallel_loop3A_223 : i32 to index
          %parallel_loop3A_226 = arith.index_cast %parallel_loop3A_222 : i32 to index
          %parallel_loop3A_227 = tpu.vector_load %arg7[%parallel_loop3A_224, %parallel_loop3A_225, %parallel_loop3A_226] {strides = array<i32>} : memref<2x64x128xf32, #tpu.memory_space<vmem>>, vector<16xf32>,
          tpu.vector_store %arg7[%parallel_loop3A_224, %parallel_loop3A_225, %parallel_loop3A_226], %parallel_loop3A_164 {strides = array<i32>} : memref<2x64x128xf32, #tpu.memory_space<vmem>>, vector<16xf32>,
          %parallel_loop3A_228 = arith.constant 16 : i32
          %parallel_loop3A_229 = arith.muli %parallel_loop3A_141, %parallel_loop3A_228 : i32
          %parallel_loop3A_230 = arith.constant 1 : i32
          %parallel_loop3A_231 = arith.index_cast %and3A_106 : i32 to index
          %parallel_loop3A_232 = arith.index_cast %parallel_loop3A_230 : i32 to index
          %parallel_loop3A_233 = arith.index_cast %parallel_loop3A_229 : i32 to index
          %parallel_loop3A_234 = tpu.vector_load %arg7[%parallel_loop3A_231, %parallel_loop3A_232, %parallel_loop3A_233] {strides = array<i32>} : memref<2x64x128xf32, #tpu.memory_space<vmem>>, vector<16xf32>,
          tpu.vector_store %arg7[%parallel_loop3A_231, %parallel_loop3A_232, %parallel_loop3A_233], %parallel_loop3A_172 {strides = array<i32>} : memref<2x64x128xf32, #tpu.memory_space<vmem>>, vector<16xf32>,
          %parallel_loop3A_235 = arith.constant 16 : i32
          %parallel_loop3A_236 = arith.muli %parallel_loop3A_141, %parallel_loop3A_235 : i32
          %parallel_loop3A_237 = arith.constant 2 : i32
          %parallel_loop3A_238 = arith.index_cast %and3A_106 : i32 to index
          %parallel_loop3A_239 = arith.index_cast %parallel_loop3A_237 : i32 to index
          %parallel_loop3A_240 = arith.index_cast %parallel_loop3A_236 : i32 to index
          %parallel_loop3A_241 = tpu.vector_load %arg7[%parallel_loop3A_238, %parallel_loop3A_239, %parallel_loop3A_240] {strides = array<i32>} : memref<2x64x128xf32, #tpu.memory_space<vmem>>, vector<16xf32>,
          tpu.vector_store %arg7[%parallel_loop3A_238, %parallel_loop3A_239, %parallel_loop3A_240], %parallel_loop3A_180 {strides = array<i32>} : memref<2x64x128xf32, #tpu.memory_space<vmem>>, vector<16xf32>,
          %parallel_loop3A_242 = arith.constant 16 : i32
          %parallel_loop3A_243 = arith.muli %parallel_loop3A_141, %parallel_loop3A_242 : i32
          %parallel_loop3A_244 = arith.constant 3 : i32
          %parallel_loop3A_245 = arith.index_cast %and3A_106 : i32 to index
          %parallel_loop3A_246 = arith.index_cast %parallel_loop3A_244 : i32 to index
          %parallel_loop3A_247 = arith.index_cast %parallel_loop3A_243 : i32 to index
          %parallel_loop3A_248 = tpu.vector_load %arg7[%parallel_loop3A_245, %parallel_loop3A_246, %parallel_loop3A_247] {strides = array<i32>} : memref<2x64x128xf32, #tpu.memory_space<vmem>>, vector<16xf32>,
          tpu.vector_store %arg7[%parallel_loop3A_245, %parallel_loop3A_246, %parallel_loop3A_247], %parallel_loop3A_188 {strides = array<i32>} : memref<2x64x128xf32, #tpu.memory_space<vmem>>, vector<16xf32>,
          %parallel_loop3A_249 = arith.constant 16 : i32
          %parallel_loop3A_250 = arith.muli %parallel_loop3A_141, %parallel_loop3A_249 : i32
          %parallel_loop3A_251 = arith.constant 4 : i32
          %parallel_loop3A_252 = arith.index_cast %and3A_106 : i32 to index
          %parallel_loop3A_253 = arith.index_cast %parallel_loop3A_251 : i32 to index
          %parallel_loop3A_254 = arith.index_cast %parallel_loop3A_250 : i32 to index
          %parallel_loop3A_255 = tpu.vector_load %arg7[%parallel_loop3A_252, %parallel_loop3A_253, %parallel_loop3A_254] {strides = array<i32>} : memref<2x64x128xf32, #tpu.memory_space<vmem>>, vector<16xf32>,
          tpu.vector_store %arg7[%parallel_loop3A_252, %parallel_loop3A_253, %parallel_loop3A_254], %parallel_loop3A_196 {strides = array<i32>} : memref<2x64x128xf32, #tpu.memory_space<vmem>>, vector<16xf32>,
          %parallel_loop3A_256 = arith.constant 16 : i32
          %parallel_loop3A_257 = arith.muli %parallel_loop3A_141, %parallel_loop3A_256 : i32
          %parallel_loop3A_258 = arith.constant 5 : i32
          %parallel_loop3A_259 = arith.index_cast %and3A_106 : i32 to index
          %parallel_loop3A_260 = arith.index_cast %parallel_loop3A_258 : i32 to index
          %parallel_loop3A_261 = arith.index_cast %parallel_loop3A_257 : i32 to index
          %parallel_loop3A_262 = tpu.vector_load %arg7[%parallel_loop3A_259, %parallel_loop3A_260, %parallel_loop3A_261] {strides = array<i32>} : memref<2x64x128xf32, #tpu.memory_space<vmem>>, vector<16xf32>,
          tpu.vector_store %arg7[%parallel_loop3A_259, %parallel_loop3A_260, %parallel_loop3A_261], %parallel_loop3A_204 {strides = array<i32>} : memref<2x64x128xf32, #tpu.memory_space<vmem>>, vector<16xf32>,
          %parallel_loop3A_263 = arith.constant 16 : i32
          %parallel_loop3A_264 = arith.muli %parallel_loop3A_141, %parallel_loop3A_263 : i32
          %parallel_loop3A_265 = arith.constant 6 : i32
          %parallel_loop3A_266 = arith.index_cast %and3A_106 : i32 to index
          %parallel_loop3A_267 = arith.index_cast %parallel_loop3A_265 : i32 to index
          %parallel_loop3A_268 = arith.index_cast %parallel_loop3A_264 : i32 to index
          %parallel_loop3A_269 = tpu.vector_load %arg7[%parallel_loop3A_266, %parallel_loop3A_267, %parallel_loop3A_268] {strides = array<i32>} : memref<2x64x128xf32, #tpu.memory_space<vmem>>, vector<16xf32>,
          tpu.vector_store %arg7[%parallel_loop3A_266, %parallel_loop3A_267, %parallel_loop3A_268], %parallel_loop3A_212 {strides = array<i32>} : memref<2x64x128xf32, #tpu.memory_space<vmem>>, vector<16xf32>,
          %parallel_loop3A_270 = arith.constant 16 : i32
          %parallel_loop3A_271 = arith.muli %parallel_loop3A_141, %parallel_loop3A_270 : i32
          %parallel_loop3A_272 = arith.constant 7 : i32
          %parallel_loop3A_273 = arith.index_cast %and3A_106 : i32 to index
          %parallel_loop3A_274 = arith.index_cast %parallel_loop3A_272 : i32 to index
          %parallel_loop3A_275 = arith.index_cast %parallel_loop3A_271 : i32 to index
          %parallel_loop3A_276 = tpu.vector_load %arg7[%parallel_loop3A_273, %parallel_loop3A_274, %parallel_loop3A_275] {strides = array<i32>} : memref<2x64x128xf32, #tpu.memory_space<vmem>>, vector<16xf32>,
          tpu.vector_store %arg7[%parallel_loop3A_273, %parallel_loop3A_274, %parallel_loop3A_275], %parallel_loop3A_220 {strides = array<i32>} : memref<2x64x128xf32, #tpu.memory_space<vmem>>, vector<16xf32>,
          %parallel_loop3A_277 = arith.constant 8 : i32
          %parallel_loop3A_278 = vector.broadcast %parallel_loop3A_277 : i32 to vector<16xi32>
          %parallel_loop3A_279 = arith.subi %parallel_loop3A_278, %parallel_loop3A_147 : vector<16xi32>
          %parallel_loop3A_280 = arith.constant 63 : i32
          %parallel_loop3A_281 = vector.broadcast %parallel_loop3A_280 : i32 to vector<16xi32>
          %parallel_loop3A_282 = arith.andi %parallel_loop3A_279, %parallel_loop3A_281 : vector<16xi32>
          %parallel_loop3A_283 = arith.addi %parallel_loop3A_156, %parallel_loop3A_282 : vector<16xi32>
          %parallel_loop3A_284 = tpu.vector_load_idx %arg5[%parallel_loop3A_150, %parallel_loop3A_283] : memref<500x128xf32, #tpu.memory_space<vmem>>[vector<16xi32>, vector<16xi32>], vector<16xf32>,
          %parallel_loop3A_285 = arith.constant 9 : i32
          %parallel_loop3A_286 = vector.broadcast %parallel_loop3A_285 : i32 to vector<16xi32>
          %parallel_loop3A_287 = arith.subi %parallel_loop3A_286, %parallel_loop3A_147 : vector<16xi32>
          %parallel_loop3A_288 = arith.constant 63 : i32
          %parallel_loop3A_289 = vector.broadcast %parallel_loop3A_288 : i32 to vector<16xi32>
          %parallel_loop3A_290 = arith.andi %parallel_loop3A_287, %parallel_loop3A_289 : vector<16xi32>
          %parallel_loop3A_291 = arith.addi %parallel_loop3A_156, %parallel_loop3A_290 : vector<16xi32>
          %parallel_loop3A_292 = tpu.vector_load_idx %arg5[%parallel_loop3A_150, %parallel_loop3A_291] : memref<500x128xf32, #tpu.memory_space<vmem>>[vector<16xi32>, vector<16xi32>], vector<16xf32>,
          %parallel_loop3A_293 = arith.constant 10 : i32
          %parallel_loop3A_294 = vector.broadcast %parallel_loop3A_293 : i32 to vector<16xi32>
          %parallel_loop3A_295 = arith.subi %parallel_loop3A_294, %parallel_loop3A_147 : vector<16xi32>
          %parallel_loop3A_296 = arith.constant 63 : i32
          %parallel_loop3A_297 = vector.broadcast %parallel_loop3A_296 : i32 to vector<16xi32>
          %parallel_loop3A_298 = arith.andi %parallel_loop3A_295, %parallel_loop3A_297 : vector<16xi32>
          %parallel_loop3A_299 = arith.addi %parallel_loop3A_156, %parallel_loop3A_298 : vector<16xi32>
          %parallel_loop3A_300 = tpu.vector_load_idx %arg5[%parallel_loop3A_150, %parallel_loop3A_299] : memref<500x128xf32, #tpu.memory_space<vmem>>[vector<16xi32>, vector<16xi32>], vector<16xf32>,
          %parallel_loop3A_301 = arith.constant 11 : i32
          %parallel_loop3A_302 = vector.broadcast %parallel_loop3A_301 : i32 to vector<16xi32>
          %parallel_loop3A_303 = arith.subi %parallel_loop3A_302, %parallel_loop3A_147 : vector<16xi32>
          %parallel_loop3A_304 = arith.constant 63 : i32
          %parallel_loop3A_305 = vector.broadcast %parallel_loop3A_304 : i32 to vector<16xi32>
          %parallel_loop3A_306 = arith.andi %parallel_loop3A_303, %parallel_loop3A_305 : vector<16xi32>
          %parallel_loop3A_307 = arith.addi %parallel_loop3A_156, %parallel_loop3A_306 : vector<16xi32>
          %parallel_loop3A_308 = tpu.vector_load_idx %arg5[%parallel_loop3A_150, %parallel_loop3A_307] : memref<500x128xf32, #tpu.memory_space<vmem>>[vector<16xi32>, vector<16xi32>], vector<16xf32>,
          %parallel_loop3A_309 = arith.constant 12 : i32
          %parallel_loop3A_310 = vector.broadcast %parallel_loop3A_309 : i32 to vector<16xi32>
          %parallel_loop3A_311 = arith.subi %parallel_loop3A_310, %parallel_loop3A_147 : vector<16xi32>
          %parallel_loop3A_312 = arith.constant 63 : i32
          %parallel_loop3A_313 = vector.broadcast %parallel_loop3A_312 : i32 to vector<16xi32>
          %parallel_loop3A_314 = arith.andi %parallel_loop3A_311, %parallel_loop3A_313 : vector<16xi32>
          %parallel_loop3A_315 = arith.addi %parallel_loop3A_156, %parallel_loop3A_314 : vector<16xi32>
          %parallel_loop3A_316 = tpu.vector_load_idx %arg5[%parallel_loop3A_150, %parallel_loop3A_315] : memref<500x128xf32, #tpu.memory_space<vmem>>[vector<16xi32>, vector<16xi32>], vector<16xf32>,
          %parallel_loop3A_317 = arith.constant 13 : i32
          %parallel_loop3A_318 = vector.broadcast %parallel_loop3A_317 : i32 to vector<16xi32>
          %parallel_loop3A_319 = arith.subi %parallel_loop3A_318, %parallel_loop3A_147 : vector<16xi32>
          %parallel_loop3A_320 = arith.constant 63 : i32
          %parallel_loop3A_321 = vector.broadcast %parallel_loop3A_320 : i32 to vector<16xi32>
          %parallel_loop3A_322 = arith.andi %parallel_loop3A_319, %parallel_loop3A_321 : vector<16xi32>
          %parallel_loop3A_323 = arith.addi %parallel_loop3A_156, %parallel_loop3A_322 : vector<16xi32>
          %parallel_loop3A_324 = tpu.vector_load_idx %arg5[%parallel_loop3A_150, %parallel_loop3A_323] : memref<500x128xf32, #tpu.memory_space<vmem>>[vector<16xi32>, vector<16xi32>], vector<16xf32>,
          %parallel_loop3A_325 = arith.constant 14 : i32
          %parallel_loop3A_326 = vector.broadcast %parallel_loop3A_325 : i32 to vector<16xi32>
          %parallel_loop3A_327 = arith.subi %parallel_loop3A_326, %parallel_loop3A_147 : vector<16xi32>
          %parallel_loop3A_328 = arith.constant 63 : i32
          %parallel_loop3A_329 = vector.broadcast %parallel_loop3A_328 : i32 to vector<16xi32>
          %parallel_loop3A_330 = arith.andi %parallel_loop3A_327, %parallel_loop3A_329 : vector<16xi32>
          %parallel_loop3A_331 = arith.addi %parallel_loop3A_156, %parallel_loop3A_330 : vector<16xi32>
          %parallel_loop3A_332 = tpu.vector_load_idx %arg5[%parallel_loop3A_150, %parallel_loop3A_331] : memref<500x128xf32, #tpu.memory_space<vmem>>[vector<16xi32>, vector<16xi32>], vector<16xf32>,
          %parallel_loop3A_333 = arith.constant 15 : i32
          %parallel_loop3A_334 = vector.broadcast %parallel_loop3A_333 : i32 to vector<16xi32>
          %parallel_loop3A_335 = arith.subi %parallel_loop3A_334, %parallel_loop3A_147 : vector<16xi32>
          %parallel_loop3A_336 = arith.constant 63 : i32
          %parallel_loop3A_337 = vector.broadcast %parallel_loop3A_336 : i32 to vector<16xi32>
          %parallel_loop3A_338 = arith.andi %parallel_loop3A_335, %parallel_loop3A_337 : vector<16xi32>
          %parallel_loop3A_339 = arith.addi %parallel_loop3A_156, %parallel_loop3A_338 : vector<16xi32>
          %parallel_loop3A_340 = tpu.vector_load_idx %arg5[%parallel_loop3A_150, %parallel_loop3A_339] : memref<500x128xf32, #tpu.memory_space<vmem>>[vector<16xi32>, vector<16xi32>], vector<16xf32>,
          %parallel_loop3A_341 = arith.constant 16 : i32
          %parallel_loop3A_342 = arith.muli %parallel_loop3A_141, %parallel_loop3A_341 : i32
          %parallel_loop3A_343 = arith.constant 8 : i32
          %parallel_loop3A_344 = arith.index_cast %and3A_106 : i32 to index
          %parallel_loop3A_345 = arith.index_cast %parallel_loop3A_343 : i32 to index
          %parallel_loop3A_346 = arith.index_cast %parallel_loop3A_342 : i32 to index
          %parallel_loop3A_347 = tpu.vector_load %arg7[%parallel_loop3A_344, %parallel_loop3A_345, %parallel_loop3A_346] {strides = array<i32>} : memref<2x64x128xf32, #tpu.memory_space<vmem>>, vector<16xf32>,
          tpu.vector_store %arg7[%parallel_loop3A_344, %parallel_loop3A_345, %parallel_loop3A_346], %parallel_loop3A_284 {strides = array<i32>} : memref<2x64x128xf32, #tpu.memory_space<vmem>>, vector<16xf32>,
          %parallel_loop3A_348 = arith.constant 16 : i32
          %parallel_loop3A_349 = arith.muli %parallel_loop3A_141, %parallel_loop3A_348 : i32
          %parallel_loop3A_350 = arith.constant 9 : i32
          %parallel_loop3A_351 = arith.index_cast %and3A_106 : i32 to index
          %parallel_loop3A_352 = arith.index_cast %parallel_loop3A_350 : i32 to index
          %parallel_loop3A_353 = arith.index_cast %parallel_loop3A_349 : i32 to index
          %parallel_loop3A_354 = tpu.vector_load %arg7[%parallel_loop3A_351, %parallel_loop3A_352, %parallel_loop3A_353] {strides = array<i32>} : memref<2x64x128xf32, #tpu.memory_space<vmem>>, vector<16xf32>,
          tpu.vector_store %arg7[%parallel_loop3A_351, %parallel_loop3A_352, %parallel_loop3A_353], %parallel_loop3A_292 {strides = array<i32>} : memref<2x64x128xf32, #tpu.memory_space<vmem>>, vector<16xf32>,
          %parallel_loop3A_355 = arith.constant 16 : i32
          %parallel_loop3A_356 = arith.muli %parallel_loop3A_141, %parallel_loop3A_355 : i32
          %parallel_loop3A_357 = arith.constant 10 : i32
          %parallel_loop3A_358 = arith.index_cast %and3A_106 : i32 to index
          %parallel_loop3A_359 = arith.index_cast %parallel_loop3A_357 : i32 to index
          %parallel_loop3A_360 = arith.index_cast %parallel_loop3A_356 : i32 to index
          %parallel_loop3A_361 = tpu.vector_load %arg7[%parallel_loop3A_358, %parallel_loop3A_359, %parallel_loop3A_360] {strides = array<i32>} : memref<2x64x128xf32, #tpu.memory_space<vmem>>, vector<16xf32>,
          tpu.vector_store %arg7[%parallel_loop3A_358, %parallel_loop3A_359, %parallel_loop3A_360], %parallel_loop3A_300 {strides = array<i32>} : memref<2x64x128xf32, #tpu.memory_space<vmem>>, vector<16xf32>,
          %parallel_loop3A_362 = arith.constant 16 : i32
          %parallel_loop3A_363 = arith.muli %parallel_loop3A_141, %parallel_loop3A_362 : i32
          %parallel_loop3A_364 = arith.constant 11 : i32
          %parallel_loop3A_365 = arith.index_cast %and3A_106 : i32 to index
          %parallel_loop3A_366 = arith.index_cast %parallel_loop3A_364 : i32 to index
          %parallel_loop3A_367 = arith.index_cast %parallel_loop3A_363 : i32 to index
          %parallel_loop3A_368 = tpu.vector_load %arg7[%parallel_loop3A_365, %parallel_loop3A_366, %parallel_loop3A_367] {strides = array<i32>} : memref<2x64x128xf32, #tpu.memory_space<vmem>>, vector<16xf32>,
          tpu.vector_store %arg7[%parallel_loop3A_365, %parallel_loop3A_366, %parallel_loop3A_367], %parallel_loop3A_308 {strides = array<i32>} : memref<2x64x128xf32, #tpu.memory_space<vmem>>, vector<16xf32>,
          %parallel_loop3A_369 = arith.constant 16 : i32
          %parallel_loop3A_370 = arith.muli %parallel_loop3A_141, %parallel_loop3A_369 : i32
          %parallel_loop3A_371 = arith.constant 12 : i32
          %parallel_loop3A_372 = arith.index_cast %and3A_106 : i32 to index
          %parallel_loop3A_373 = arith.index_cast %parallel_loop3A_371 : i32 to index
          %parallel_loop3A_374 = arith.index_cast %parallel_loop3A_370 : i32 to index
          %parallel_loop3A_375 = tpu.vector_load %arg7[%parallel_loop3A_372, %parallel_loop3A_373, %parallel_loop3A_374] {strides = array<i32>} : memref<2x64x128xf32, #tpu.memory_space<vmem>>, vector<16xf32>,
          tpu.vector_store %arg7[%parallel_loop3A_372, %parallel_loop3A_373, %parallel_loop3A_374], %parallel_loop3A_316 {strides = array<i32>} : memref<2x64x128xf32, #tpu.memory_space<vmem>>, vector<16xf32>,
          %parallel_loop3A_376 = arith.constant 16 : i32
          %parallel_loop3A_377 = arith.muli %parallel_loop3A_141, %parallel_loop3A_376 : i32
          %parallel_loop3A_378 = arith.constant 13 : i32
          %parallel_loop3A_379 = arith.index_cast %and3A_106 : i32 to index
          %parallel_loop3A_380 = arith.index_cast %parallel_loop3A_378 : i32 to index
          %parallel_loop3A_381 = arith.index_cast %parallel_loop3A_377 : i32 to index
          %parallel_loop3A_382 = tpu.vector_load %arg7[%parallel_loop3A_379, %parallel_loop3A_380, %parallel_loop3A_381] {strides = array<i32>} : memref<2x64x128xf32, #tpu.memory_space<vmem>>, vector<16xf32>,
          tpu.vector_store %arg7[%parallel_loop3A_379, %parallel_loop3A_380, %parallel_loop3A_381], %parallel_loop3A_324 {strides = array<i32>} : memref<2x64x128xf32, #tpu.memory_space<vmem>>, vector<16xf32>,
          %parallel_loop3A_383 = arith.constant 16 : i32
          %parallel_loop3A_384 = arith.muli %parallel_loop3A_141, %parallel_loop3A_383 : i32
          %parallel_loop3A_385 = arith.constant 14 : i32
          %parallel_loop3A_386 = arith.index_cast %and3A_106 : i32 to index
          %parallel_loop3A_387 = arith.index_cast %parallel_loop3A_385 : i32 to index
          %parallel_loop3A_388 = arith.index_cast %parallel_loop3A_384 : i32 to index
          %parallel_loop3A_389 = tpu.vector_load %arg7[%parallel_loop3A_386, %parallel_loop3A_387, %parallel_loop3A_388] {strides = array<i32>} : memref<2x64x128xf32, #tpu.memory_space<vmem>>, vector<16xf32>,
          tpu.vector_store %arg7[%parallel_loop3A_386, %parallel_loop3A_387, %parallel_loop3A_388], %parallel_loop3A_332 {strides = array<i32>} : memref<2x64x128xf32, #tpu.memory_space<vmem>>, vector<16xf32>,
          %parallel_loop3A_390 = arith.constant 16 : i32
          %parallel_loop3A_391 = arith.muli %parallel_loop3A_141, %parallel_loop3A_390 : i32
          %parallel_loop3A_392 = arith.constant 15 : i32
          %parallel_loop3A_393 = arith.index_cast %and3A_106 : i32 to index
          %parallel_loop3A_394 = arith.index_cast %parallel_loop3A_392 : i32 to index
          %parallel_loop3A_395 = arith.index_cast %parallel_loop3A_391 : i32 to index
          %parallel_loop3A_396 = tpu.vector_load %arg7[%parallel_loop3A_393, %parallel_loop3A_394, %parallel_loop3A_395] {strides = array<i32>} : memref<2x64x128xf32, #tpu.memory_space<vmem>>, vector<16xf32>,
          tpu.vector_store %arg7[%parallel_loop3A_393, %parallel_loop3A_394, %parallel_loop3A_395], %parallel_loop3A_340 {strides = array<i32>} : memref<2x64x128xf32, #tpu.memory_space<vmem>>, vector<16xf32>,
          %parallel_loop3A_397 = arith.constant 16 : i32
          %parallel_loop3A_398 = vector.broadcast %parallel_loop3A_397 : i32 to vector<16xi32>
          %parallel_loop3A_399 = arith.subi %parallel_loop3A_398, %parallel_loop3A_147 : vector<16xi32>
          %parallel_loop3A_400 = arith.constant 63 : i32
          %parallel_loop3A_401 = vector.broadcast %parallel_loop3A_400 : i32 to vector<16xi32>
          %parallel_loop3A_402 = arith.andi %parallel_loop3A_399, %parallel_loop3A_401 : vector<16xi32>
          %parallel_loop3A_403 = arith.addi %parallel_loop3A_156, %parallel_loop3A_402 : vector<16xi32>
          %parallel_loop3A_404 = tpu.vector_load_idx %arg5[%parallel_loop3A_150, %parallel_loop3A_403] : memref<500x128xf32, #tpu.memory_space<vmem>>[vector<16xi32>, vector<16xi32>], vector<16xf32>,
          %parallel_loop3A_405 = arith.constant 17 : i32
          %parallel_loop3A_406 = vector.broadcast %parallel_loop3A_405 : i32 to vector<16xi32>
          %parallel_loop3A_407 = arith.subi %parallel_loop3A_406, %parallel_loop3A_147 : vector<16xi32>
          %parallel_loop3A_408 = arith.constant 63 : i32
          %parallel_loop3A_409 = vector.broadcast %parallel_loop3A_408 : i32 to vector<16xi32>
          %parallel_loop3A_410 = arith.andi %parallel_loop3A_407, %parallel_loop3A_409 : vector<16xi32>
          %parallel_loop3A_411 = arith.addi %parallel_loop3A_156, %parallel_loop3A_410 : vector<16xi32>
          %parallel_loop3A_412 = tpu.vector_load_idx %arg5[%parallel_loop3A_150, %parallel_loop3A_411] : memref<500x128xf32, #tpu.memory_space<vmem>>[vector<16xi32>, vector<16xi32>], vector<16xf32>,
          %parallel_loop3A_413 = arith.constant 18 : i32
          %parallel_loop3A_414 = vector.broadcast %parallel_loop3A_413 : i32 to vector<16xi32>
          %parallel_loop3A_415 = arith.subi %parallel_loop3A_414, %parallel_loop3A_147 : vector<16xi32>
          %parallel_loop3A_416 = arith.constant 63 : i32
          %parallel_loop3A_417 = vector.broadcast %parallel_loop3A_416 : i32 to vector<16xi32>
          %parallel_loop3A_418 = arith.andi %parallel_loop3A_415, %parallel_loop3A_417 : vector<16xi32>
          %parallel_loop3A_419 = arith.addi %parallel_loop3A_156, %parallel_loop3A_418 : vector<16xi32>
          %parallel_loop3A_420 = tpu.vector_load_idx %arg5[%parallel_loop3A_150, %parallel_loop3A_419] : memref<500x128xf32, #tpu.memory_space<vmem>>[vector<16xi32>, vector<16xi32>], vector<16xf32>,
          %parallel_loop3A_421 = arith.constant 19 : i32
          %parallel_loop3A_422 = vector.broadcast %parallel_loop3A_421 : i32 to vector<16xi32>
          %parallel_loop3A_423 = arith.subi %parallel_loop3A_422, %parallel_loop3A_147 : vector<16xi32>
          %parallel_loop3A_424 = arith.constant 63 : i32
          %parallel_loop3A_425 = vector.broadcast %parallel_loop3A_424 : i32 to vector<16xi32>
          %parallel_loop3A_426 = arith.andi %parallel_loop3A_423, %parallel_loop3A_425 : vector<16xi32>
          %parallel_loop3A_427 = arith.addi %parallel_loop3A_156, %parallel_loop3A_426 : vector<16xi32>
          %parallel_loop3A_428 = tpu.vector_load_idx %arg5[%parallel_loop3A_150, %parallel_loop3A_427] : memref<500x128xf32, #tpu.memory_space<vmem>>[vector<16xi32>, vector<16xi32>], vector<16xf32>,
          %parallel_loop3A_429 = arith.constant 20 : i32
          %parallel_loop3A_430 = vector.broadcast %parallel_loop3A_429 : i32 to vector<16xi32>
          %parallel_loop3A_431 = arith.subi %parallel_loop3A_430, %parallel_loop3A_147 : vector<16xi32>
          %parallel_loop3A_432 = arith.constant 63 : i32
          %parallel_loop3A_433 = vector.broadcast %parallel_loop3A_432 : i32 to vector<16xi32>
          %parallel_loop3A_434 = arith.andi %parallel_loop3A_431, %parallel_loop3A_433 : vector<16xi32>
          %parallel_loop3A_435 = arith.addi %parallel_loop3A_156, %parallel_loop3A_434 : vector<16xi32>
          %parallel_loop3A_436 = tpu.vector_load_idx %arg5[%parallel_loop3A_150, %parallel_loop3A_435] : memref<500x128xf32, #tpu.memory_space<vmem>>[vector<16xi32>, vector<16xi32>], vector<16xf32>,
          %parallel_loop3A_437 = arith.constant 21 : i32
          %parallel_loop3A_438 = vector.broadcast %parallel_loop3A_437 : i32 to vector<16xi32>
          %parallel_loop3A_439 = arith.subi %parallel_loop3A_438, %parallel_loop3A_147 : vector<16xi32>
          %parallel_loop3A_440 = arith.constant 63 : i32
          %parallel_loop3A_441 = vector.broadcast %parallel_loop3A_440 : i32 to vector<16xi32>
          %parallel_loop3A_442 = arith.andi %parallel_loop3A_439, %parallel_loop3A_441 : vector<16xi32>
          %parallel_loop3A_443 = arith.addi %parallel_loop3A_156, %parallel_loop3A_442 : vector<16xi32>
          %parallel_loop3A_444 = tpu.vector_load_idx %arg5[%parallel_loop3A_150, %parallel_loop3A_443] : memref<500x128xf32, #tpu.memory_space<vmem>>[vector<16xi32>, vector<16xi32>], vector<16xf32>,
          %parallel_loop3A_445 = arith.constant 22 : i32
          %parallel_loop3A_446 = vector.broadcast %parallel_loop3A_445 : i32 to vector<16xi32>
          %parallel_loop3A_447 = arith.subi %parallel_loop3A_446, %parallel_loop3A_147 : vector<16xi32>
          %parallel_loop3A_448 = arith.constant 63 : i32
          %parallel_loop3A_449 = vector.broadcast %parallel_loop3A_448 : i32 to vector<16xi32>
          %parallel_loop3A_450 = arith.andi %parallel_loop3A_447, %parallel_loop3A_449 : vector<16xi32>
          %parallel_loop3A_451 = arith.addi %parallel_loop3A_156, %parallel_loop3A_450 : vector<16xi32>
          %parallel_loop3A_452 = tpu.vector_load_idx %arg5[%parallel_loop3A_150, %parallel_loop3A_451] : memref<500x128xf32, #tpu.memory_space<vmem>>[vector<16xi32>, vector<16xi32>], vector<16xf32>,
          %parallel_loop3A_453 = arith.constant 23 : i32
          %parallel_loop3A_454 = vector.broadcast %parallel_loop3A_453 : i32 to vector<16xi32>
          %parallel_loop3A_455 = arith.subi %parallel_loop3A_454, %parallel_loop3A_147 : vector<16xi32>
          %parallel_loop3A_456 = arith.constant 63 : i32
          %parallel_loop3A_457 = vector.broadcast %parallel_loop3A_456 : i32 to vector<16xi32>
          %parallel_loop3A_458 = arith.andi %parallel_loop3A_455, %parallel_loop3A_457 : vector<16xi32>
          %parallel_loop3A_459 = arith.addi %parallel_loop3A_156, %parallel_loop3A_458 : vector<16xi32>
          %parallel_loop3A_460 = tpu.vector_load_idx %arg5[%parallel_loop3A_150, %parallel_loop3A_459] : memref<500x128xf32, #tpu.memory_space<vmem>>[vector<16xi32>, vector<16xi32>], vector<16xf32>,
          %parallel_loop3A_461 = arith.constant 16 : i32
          %parallel_loop3A_462 = arith.muli %parallel_loop3A_141, %parallel_loop3A_461 : i32
          %parallel_loop3A_463 = arith.constant 16 : i32
          %parallel_loop3A_464 = arith.index_cast %and3A_106 : i32 to index
          %parallel_loop3A_465 = arith.index_cast %parallel_loop3A_463 : i32 to index
          %parallel_loop3A_466 = arith.index_cast %parallel_loop3A_462 : i32 to index
          %parallel_loop3A_467 = tpu.vector_load %arg7[%parallel_loop3A_464, %parallel_loop3A_465, %parallel_loop3A_466] {strides = array<i32>} : memref<2x64x128xf32, #tpu.memory_space<vmem>>, vector<16xf32>,
          tpu.vector_store %arg7[%parallel_loop3A_464, %parallel_loop3A_465, %parallel_loop3A_466], %parallel_loop3A_404 {strides = array<i32>} : memref<2x64x128xf32, #tpu.memory_space<vmem>>, vector<16xf32>,
          %parallel_loop3A_468 = arith.constant 16 : i32
          %parallel_loop3A_469 = arith.muli %parallel_loop3A_141, %parallel_loop3A_468 : i32
          %parallel_loop3A_470 = arith.constant 17 : i32
          %parallel_loop3A_471 = arith.index_cast %and3A_106 : i32 to index
          %parallel_loop3A_472 = arith.index_cast %parallel_loop3A_470 : i32 to index
          %parallel_loop3A_473 = arith.index_cast %parallel_loop3A_469 : i32 to index
          %parallel_loop3A_474 = tpu.vector_load %arg7[%parallel_loop3A_471, %parallel_loop3A_472, %parallel_loop3A_473] {strides = array<i32>} : memref<2x64x128xf32, #tpu.memory_space<vmem>>, vector<16xf32>,
          tpu.vector_store %arg7[%parallel_loop3A_471, %parallel_loop3A_472, %parallel_loop3A_473], %parallel_loop3A_412 {strides = array<i32>} : memref<2x64x128xf32, #tpu.memory_space<vmem>>, vector<16xf32>,
          %parallel_loop3A_475 = arith.constant 16 : i32
          %parallel_loop3A_476 = arith.muli %parallel_loop3A_141, %parallel_loop3A_475 : i32
          %parallel_loop3A_477 = arith.constant 18 : i32
          %parallel_loop3A_478 = arith.index_cast %and3A_106 : i32 to index
          %parallel_loop3A_479 = arith.index_cast %parallel_loop3A_477 : i32 to index
          %parallel_loop3A_480 = arith.index_cast %parallel_loop3A_476 : i32 to index
          %parallel_loop3A_481 = tpu.vector_load %arg7[%parallel_loop3A_478, %parallel_loop3A_479, %parallel_loop3A_480] {strides = array<i32>} : memref<2x64x128xf32, #tpu.memory_space<vmem>>, vector<16xf32>,
          tpu.vector_store %arg7[%parallel_loop3A_478, %parallel_loop3A_479, %parallel_loop3A_480], %parallel_loop3A_420 {strides = array<i32>} : memref<2x64x128xf32, #tpu.memory_space<vmem>>, vector<16xf32>,
          %parallel_loop3A_482 = arith.constant 16 : i32
          %parallel_loop3A_483 = arith.muli %parallel_loop3A_141, %parallel_loop3A_482 : i32
          %parallel_loop3A_484 = arith.constant 19 : i32
          %parallel_loop3A_485 = arith.index_cast %and3A_106 : i32 to index
          %parallel_loop3A_486 = arith.index_cast %parallel_loop3A_484 : i32 to index
          %parallel_loop3A_487 = arith.index_cast %parallel_loop3A_483 : i32 to index
          %parallel_loop3A_488 = tpu.vector_load %arg7[%parallel_loop3A_485, %parallel_loop3A_486, %parallel_loop3A_487] {strides = array<i32>} : memref<2x64x128xf32, #tpu.memory_space<vmem>>, vector<16xf32>,
          tpu.vector_store %arg7[%parallel_loop3A_485, %parallel_loop3A_486, %parallel_loop3A_487], %parallel_loop3A_428 {strides = array<i32>} : memref<2x64x128xf32, #tpu.memory_space<vmem>>, vector<16xf32>,
          %parallel_loop3A_489 = arith.constant 16 : i32
          %parallel_loop3A_490 = arith.muli %parallel_loop3A_141, %parallel_loop3A_489 : i32
          %parallel_loop3A_491 = arith.constant 20 : i32
          %parallel_loop3A_492 = arith.index_cast %and3A_106 : i32 to index
          %parallel_loop3A_493 = arith.index_cast %parallel_loop3A_491 : i32 to index
          %parallel_loop3A_494 = arith.index_cast %parallel_loop3A_490 : i32 to index
          %parallel_loop3A_495 = tpu.vector_load %arg7[%parallel_loop3A_492, %parallel_loop3A_493, %parallel_loop3A_494] {strides = array<i32>} : memref<2x64x128xf32, #tpu.memory_space<vmem>>, vector<16xf32>,
          tpu.vector_store %arg7[%parallel_loop3A_492, %parallel_loop3A_493, %parallel_loop3A_494], %parallel_loop3A_436 {strides = array<i32>} : memref<2x64x128xf32, #tpu.memory_space<vmem>>, vector<16xf32>,
          %parallel_loop3A_496 = arith.constant 16 : i32
          %parallel_loop3A_497 = arith.muli %parallel_loop3A_141, %parallel_loop3A_496 : i32
          %parallel_loop3A_498 = arith.constant 21 : i32
          %parallel_loop3A_499 = arith.index_cast %and3A_106 : i32 to index
          %parallel_loop3A_500 = arith.index_cast %parallel_loop3A_498 : i32 to index
          %parallel_loop3A_501 = arith.index_cast %parallel_loop3A_497 : i32 to index
          %parallel_loop3A_502 = tpu.vector_load %arg7[%parallel_loop3A_499, %parallel_loop3A_500, %parallel_loop3A_501] {strides = array<i32>} : memref<2x64x128xf32, #tpu.memory_space<vmem>>, vector<16xf32>,
          tpu.vector_store %arg7[%parallel_loop3A_499, %parallel_loop3A_500, %parallel_loop3A_501], %parallel_loop3A_444 {strides = array<i32>} : memref<2x64x128xf32, #tpu.memory_space<vmem>>, vector<16xf32>,
          %parallel_loop3A_503 = arith.constant 16 : i32
          %parallel_loop3A_504 = arith.muli %parallel_loop3A_141, %parallel_loop3A_503 : i32
          %parallel_loop3A_505 = arith.constant 22 : i32
          %parallel_loop3A_506 = arith.index_cast %and3A_106 : i32 to index
          %parallel_loop3A_507 = arith.index_cast %parallel_loop3A_505 : i32 to index
          %parallel_loop3A_508 = arith.index_cast %parallel_loop3A_504 : i32 to index
          %parallel_loop3A_509 = tpu.vector_load %arg7[%parallel_loop3A_506, %parallel_loop3A_507, %parallel_loop3A_508] {strides = array<i32>} : memref<2x64x128xf32, #tpu.memory_space<vmem>>, vector<16xf32>,
          tpu.vector_store %arg7[%parallel_loop3A_506, %parallel_loop3A_507, %parallel_loop3A_508], %parallel_loop3A_452 {strides = array<i32>} : memref<2x64x128xf32, #tpu.memory_space<vmem>>, vector<16xf32>,
          %parallel_loop3A_510 = arith.constant 16 : i32
          %parallel_loop3A_511 = arith.muli %parallel_loop3A_141, %parallel_loop3A_510 : i32
          %parallel_loop3A_512 = arith.constant 23 : i32
          %parallel_loop3A_513 = arith.index_cast %and3A_106 : i32 to index
          %parallel_loop3A_514 = arith.index_cast %parallel_loop3A_512 : i32 to index
          %parallel_loop3A_515 = arith.index_cast %parallel_loop3A_511 : i32 to index
          %parallel_loop3A_516 = tpu.vector_load %arg7[%parallel_loop3A_513, %parallel_loop3A_514, %parallel_loop3A_515] {strides = array<i32>} : memref<2x64x128xf32, #tpu.memory_space<vmem>>, vector<16xf32>,
          tpu.vector_store %arg7[%parallel_loop3A_513, %parallel_loop3A_514, %parallel_loop3A_515], %parallel_loop3A_460 {strides = array<i32>} : memref<2x64x128xf32, #tpu.memory_space<vmem>>, vector<16xf32>,
          %parallel_loop3A_517 = arith.constant 24 : i32
          %parallel_loop3A_518 = vector.broadcast %parallel_loop3A_517 : i32 to vector<16xi32>
          %parallel_loop3A_519 = arith.subi %parallel_loop3A_518, %parallel_loop3A_147 : vector<16xi32>
          %parallel_loop3A_520 = arith.constant 63 : i32
          %parallel_loop3A_521 = vector.broadcast %parallel_loop3A_520 : i32 to vector<16xi32>
          %parallel_loop3A_522 = arith.andi %parallel_loop3A_519, %parallel_loop3A_521 : vector<16xi32>
          %parallel_loop3A_523 = arith.addi %parallel_loop3A_156, %parallel_loop3A_522 : vector<16xi32>
          %parallel_loop3A_524 = tpu.vector_load_idx %arg5[%parallel_loop3A_150, %parallel_loop3A_523] : memref<500x128xf32, #tpu.memory_space<vmem>>[vector<16xi32>, vector<16xi32>], vector<16xf32>,
          %parallel_loop3A_525 = arith.constant 25 : i32
          %parallel_loop3A_526 = vector.broadcast %parallel_loop3A_525 : i32 to vector<16xi32>
          %parallel_loop3A_527 = arith.subi %parallel_loop3A_526, %parallel_loop3A_147 : vector<16xi32>
          %parallel_loop3A_528 = arith.constant 63 : i32
          %parallel_loop3A_529 = vector.broadcast %parallel_loop3A_528 : i32 to vector<16xi32>
          %parallel_loop3A_530 = arith.andi %parallel_loop3A_527, %parallel_loop3A_529 : vector<16xi32>
          %parallel_loop3A_531 = arith.addi %parallel_loop3A_156, %parallel_loop3A_530 : vector<16xi32>
          %parallel_loop3A_532 = tpu.vector_load_idx %arg5[%parallel_loop3A_150, %parallel_loop3A_531] : memref<500x128xf32, #tpu.memory_space<vmem>>[vector<16xi32>, vector<16xi32>], vector<16xf32>,
          %parallel_loop3A_533 = arith.constant 26 : i32
          %parallel_loop3A_534 = vector.broadcast %parallel_loop3A_533 : i32 to vector<16xi32>
          %parallel_loop3A_535 = arith.subi %parallel_loop3A_534, %parallel_loop3A_147 : vector<16xi32>
          %parallel_loop3A_536 = arith.constant 63 : i32
          %parallel_loop3A_537 = vector.broadcast %parallel_loop3A_536 : i32 to vector<16xi32>
          %parallel_loop3A_538 = arith.andi %parallel_loop3A_535, %parallel_loop3A_537 : vector<16xi32>
          %parallel_loop3A_539 = arith.addi %parallel_loop3A_156, %parallel_loop3A_538 : vector<16xi32>
          %parallel_loop3A_540 = tpu.vector_load_idx %arg5[%parallel_loop3A_150, %parallel_loop3A_539] : memref<500x128xf32, #tpu.memory_space<vmem>>[vector<16xi32>, vector<16xi32>], vector<16xf32>,
          %parallel_loop3A_541 = arith.constant 27 : i32
          %parallel_loop3A_542 = vector.broadcast %parallel_loop3A_541 : i32 to vector<16xi32>
          %parallel_loop3A_543 = arith.subi %parallel_loop3A_542, %parallel_loop3A_147 : vector<16xi32>
          %parallel_loop3A_544 = arith.constant 63 : i32
          %parallel_loop3A_545 = vector.broadcast %parallel_loop3A_544 : i32 to vector<16xi32>
          %parallel_loop3A_546 = arith.andi %parallel_loop3A_543, %parallel_loop3A_545 : vector<16xi32>
          %parallel_loop3A_547 = arith.addi %parallel_loop3A_156, %parallel_loop3A_546 : vector<16xi32>
          %parallel_loop3A_548 = tpu.vector_load_idx %arg5[%parallel_loop3A_150, %parallel_loop3A_547] : memref<500x128xf32, #tpu.memory_space<vmem>>[vector<16xi32>, vector<16xi32>], vector<16xf32>,
          %parallel_loop3A_549 = arith.constant 28 : i32
          %parallel_loop3A_550 = vector.broadcast %parallel_loop3A_549 : i32 to vector<16xi32>
          %parallel_loop3A_551 = arith.subi %parallel_loop3A_550, %parallel_loop3A_147 : vector<16xi32>
          %parallel_loop3A_552 = arith.constant 63 : i32
          %parallel_loop3A_553 = vector.broadcast %parallel_loop3A_552 : i32 to vector<16xi32>
          %parallel_loop3A_554 = arith.andi %parallel_loop3A_551, %parallel_loop3A_553 : vector<16xi32>
          %parallel_loop3A_555 = arith.addi %parallel_loop3A_156, %parallel_loop3A_554 : vector<16xi32>
          %parallel_loop3A_556 = tpu.vector_load_idx %arg5[%parallel_loop3A_150, %parallel_loop3A_555] : memref<500x128xf32, #tpu.memory_space<vmem>>[vector<16xi32>, vector<16xi32>], vector<16xf32>,
          %parallel_loop3A_557 = arith.constant 29 : i32
          %parallel_loop3A_558 = vector.broadcast %parallel_loop3A_557 : i32 to vector<16xi32>
          %parallel_loop3A_559 = arith.subi %parallel_loop3A_558, %parallel_loop3A_147 : vector<16xi32>
          %parallel_loop3A_560 = arith.constant 63 : i32
          %parallel_loop3A_561 = vector.broadcast %parallel_loop3A_560 : i32 to vector<16xi32>
          %parallel_loop3A_562 = arith.andi %parallel_loop3A_559, %parallel_loop3A_561 : vector<16xi32>
          %parallel_loop3A_563 = arith.addi %parallel_loop3A_156, %parallel_loop3A_562 : vector<16xi32>
          %parallel_loop3A_564 = tpu.vector_load_idx %arg5[%parallel_loop3A_150, %parallel_loop3A_563] : memref<500x128xf32, #tpu.memory_space<vmem>>[vector<16xi32>, vector<16xi32>], vector<16xf32>,
          %parallel_loop3A_565 = arith.constant 30 : i32
          %parallel_loop3A_566 = vector.broadcast %parallel_loop3A_565 : i32 to vector<16xi32>
          %parallel_loop3A_567 = arith.subi %parallel_loop3A_566, %parallel_loop3A_147 : vector<16xi32>
          %parallel_loop3A_568 = arith.constant 63 : i32
          %parallel_loop3A_569 = vector.broadcast %parallel_loop3A_568 : i32 to vector<16xi32>
          %parallel_loop3A_570 = arith.andi %parallel_loop3A_567, %parallel_loop3A_569 : vector<16xi32>
          %parallel_loop3A_571 = arith.addi %parallel_loop3A_156, %parallel_loop3A_570 : vector<16xi32>
          %parallel_loop3A_572 = tpu.vector_load_idx %arg5[%parallel_loop3A_150, %parallel_loop3A_571] : memref<500x128xf32, #tpu.memory_space<vmem>>[vector<16xi32>, vector<16xi32>], vector<16xf32>,
          %parallel_loop3A_573 = arith.constant 31 : i32
          %parallel_loop3A_574 = vector.broadcast %parallel_loop3A_573 : i32 to vector<16xi32>
          %parallel_loop3A_575 = arith.subi %parallel_loop3A_574, %parallel_loop3A_147 : vector<16xi32>
          %parallel_loop3A_576 = arith.constant 63 : i32
          %parallel_loop3A_577 = vector.broadcast %parallel_loop3A_576 : i32 to vector<16xi32>
          %parallel_loop3A_578 = arith.andi %parallel_loop3A_575, %parallel_loop3A_577 : vector<16xi32>
          %parallel_loop3A_579 = arith.addi %parallel_loop3A_156, %parallel_loop3A_578 : vector<16xi32>
          %parallel_loop3A_580 = tpu.vector_load_idx %arg5[%parallel_loop3A_150, %parallel_loop3A_579] : memref<500x128xf32, #tpu.memory_space<vmem>>[vector<16xi32>, vector<16xi32>], vector<16xf32>,
          %parallel_loop3A_581 = arith.constant 16 : i32
          %parallel_loop3A_582 = arith.muli %parallel_loop3A_141, %parallel_loop3A_581 : i32
          %parallel_loop3A_583 = arith.constant 24 : i32
          %parallel_loop3A_584 = arith.index_cast %and3A_106 : i32 to index
          %parallel_loop3A_585 = arith.index_cast %parallel_loop3A_583 : i32 to index
          %parallel_loop3A_586 = arith.index_cast %parallel_loop3A_582 : i32 to index
          %parallel_loop3A_587 = tpu.vector_load %arg7[%parallel_loop3A_584, %parallel_loop3A_585, %parallel_loop3A_586] {strides = array<i32>} : memref<2x64x128xf32, #tpu.memory_space<vmem>>, vector<16xf32>,
          tpu.vector_store %arg7[%parallel_loop3A_584, %parallel_loop3A_585, %parallel_loop3A_586], %parallel_loop3A_524 {strides = array<i32>} : memref<2x64x128xf32, #tpu.memory_space<vmem>>, vector<16xf32>,
          %parallel_loop3A_588 = arith.constant 16 : i32
          %parallel_loop3A_589 = arith.muli %parallel_loop3A_141, %parallel_loop3A_588 : i32
          %parallel_loop3A_590 = arith.constant 25 : i32
          %parallel_loop3A_591 = arith.index_cast %and3A_106 : i32 to index
          %parallel_loop3A_592 = arith.index_cast %parallel_loop3A_590 : i32 to index
          %parallel_loop3A_593 = arith.index_cast %parallel_loop3A_589 : i32 to index
          %parallel_loop3A_594 = tpu.vector_load %arg7[%parallel_loop3A_591, %parallel_loop3A_592, %parallel_loop3A_593] {strides = array<i32>} : memref<2x64x128xf32, #tpu.memory_space<vmem>>, vector<16xf32>,
          tpu.vector_store %arg7[%parallel_loop3A_591, %parallel_loop3A_592, %parallel_loop3A_593], %parallel_loop3A_532 {strides = array<i32>} : memref<2x64x128xf32, #tpu.memory_space<vmem>>, vector<16xf32>,
          %parallel_loop3A_595 = arith.constant 16 : i32
          %parallel_loop3A_596 = arith.muli %parallel_loop3A_141, %parallel_loop3A_595 : i32
          %parallel_loop3A_597 = arith.constant 26 : i32
          %parallel_loop3A_598 = arith.index_cast %and3A_106 : i32 to index
          %parallel_loop3A_599 = arith.index_cast %parallel_loop3A_597 : i32 to index
          %parallel_loop3A_600 = arith.index_cast %parallel_loop3A_596 : i32 to index
          %parallel_loop3A_601 = tpu.vector_load %arg7[%parallel_loop3A_598, %parallel_loop3A_599, %parallel_loop3A_600] {strides = array<i32>} : memref<2x64x128xf32, #tpu.memory_space<vmem>>, vector<16xf32>,
          tpu.vector_store %arg7[%parallel_loop3A_598, %parallel_loop3A_599, %parallel_loop3A_600], %parallel_loop3A_540 {strides = array<i32>} : memref<2x64x128xf32, #tpu.memory_space<vmem>>, vector<16xf32>,
          %parallel_loop3A_602 = arith.constant 16 : i32
          %parallel_loop3A_603 = arith.muli %parallel_loop3A_141, %parallel_loop3A_602 : i32
          %parallel_loop3A_604 = arith.constant 27 : i32
          %parallel_loop3A_605 = arith.index_cast %and3A_106 : i32 to index
          %parallel_loop3A_606 = arith.index_cast %parallel_loop3A_604 : i32 to index
          %parallel_loop3A_607 = arith.index_cast %parallel_loop3A_603 : i32 to index
          %parallel_loop3A_608 = tpu.vector_load %arg7[%parallel_loop3A_605, %parallel_loop3A_606, %parallel_loop3A_607] {strides = array<i32>} : memref<2x64x128xf32, #tpu.memory_space<vmem>>, vector<16xf32>,
          tpu.vector_store %arg7[%parallel_loop3A_605, %parallel_loop3A_606, %parallel_loop3A_607], %parallel_loop3A_548 {strides = array<i32>} : memref<2x64x128xf32, #tpu.memory_space<vmem>>, vector<16xf32>,
          %parallel_loop3A_609 = arith.constant 16 : i32
          %parallel_loop3A_610 = arith.muli %parallel_loop3A_141, %parallel_loop3A_609 : i32
          %parallel_loop3A_611 = arith.constant 28 : i32
          %parallel_loop3A_612 = arith.index_cast %and3A_106 : i32 to index
          %parallel_loop3A_613 = arith.index_cast %parallel_loop3A_611 : i32 to index
          %parallel_loop3A_614 = arith.index_cast %parallel_loop3A_610 : i32 to index
          %parallel_loop3A_615 = tpu.vector_load %arg7[%parallel_loop3A_612, %parallel_loop3A_613, %parallel_loop3A_614] {strides = array<i32>} : memref<2x64x128xf32, #tpu.memory_space<vmem>>, vector<16xf32>,
          tpu.vector_store %arg7[%parallel_loop3A_612, %parallel_loop3A_613, %parallel_loop3A_614], %parallel_loop3A_556 {strides = array<i32>} : memref<2x64x128xf32, #tpu.memory_space<vmem>>, vector<16xf32>,
          %parallel_loop3A_616 = arith.constant 16 : i32
          %parallel_loop3A_617 = arith.muli %parallel_loop3A_141, %parallel_loop3A_616 : i32
          %parallel_loop3A_618 = arith.constant 29 : i32
          %parallel_loop3A_619 = arith.index_cast %and3A_106 : i32 to index
          %parallel_loop3A_620 = arith.index_cast %parallel_loop3A_618 : i32 to index
          %parallel_loop3A_621 = arith.index_cast %parallel_loop3A_617 : i32 to index
          %parallel_loop3A_622 = tpu.vector_load %arg7[%parallel_loop3A_619, %parallel_loop3A_620, %parallel_loop3A_621] {strides = array<i32>} : memref<2x64x128xf32, #tpu.memory_space<vmem>>, vector<16xf32>,
          tpu.vector_store %arg7[%parallel_loop3A_619, %parallel_loop3A_620, %parallel_loop3A_621], %parallel_loop3A_564 {strides = array<i32>} : memref<2x64x128xf32, #tpu.memory_space<vmem>>, vector<16xf32>,
          %parallel_loop3A_623 = arith.constant 16 : i32
          %parallel_loop3A_624 = arith.muli %parallel_loop3A_141, %parallel_loop3A_623 : i32
          %parallel_loop3A_625 = arith.constant 30 : i32
          %parallel_loop3A_626 = arith.index_cast %and3A_106 : i32 to index
          %parallel_loop3A_627 = arith.index_cast %parallel_loop3A_625 : i32 to index
          %parallel_loop3A_628 = arith.index_cast %parallel_loop3A_624 : i32 to index
          %parallel_loop3A_629 = tpu.vector_load %arg7[%parallel_loop3A_626, %parallel_loop3A_627, %parallel_loop3A_628] {strides = array<i32>} : memref<2x64x128xf32, #tpu.memory_space<vmem>>, vector<16xf32>,
          tpu.vector_store %arg7[%parallel_loop3A_626, %parallel_loop3A_627, %parallel_loop3A_628], %parallel_loop3A_572 {strides = array<i32>} : memref<2x64x128xf32, #tpu.memory_space<vmem>>, vector<16xf32>,
          %parallel_loop3A_630 = arith.constant 16 : i32
          %parallel_loop3A_631 = arith.muli %parallel_loop3A_141, %parallel_loop3A_630 : i32
          %parallel_loop3A_632 = arith.constant 31 : i32
          %parallel_loop3A_633 = arith.index_cast %and3A_106 : i32 to index
          %parallel_loop3A_634 = arith.index_cast %parallel_loop3A_632 : i32 to index
          %parallel_loop3A_635 = arith.index_cast %parallel_loop3A_631 : i32 to index
          %parallel_loop3A_636 = tpu.vector_load %arg7[%parallel_loop3A_633, %parallel_loop3A_634, %parallel_loop3A_635] {strides = array<i32>} : memref<2x64x128xf32, #tpu.memory_space<vmem>>, vector<16xf32>,
          tpu.vector_store %arg7[%parallel_loop3A_633, %parallel_loop3A_634, %parallel_loop3A_635], %parallel_loop3A_580 {strides = array<i32>} : memref<2x64x128xf32, #tpu.memory_space<vmem>>, vector<16xf32>,
          %parallel_loop3A_637 = arith.constant 32 : i32
          %parallel_loop3A_638 = vector.broadcast %parallel_loop3A_637 : i32 to vector<16xi32>
          %parallel_loop3A_639 = arith.subi %parallel_loop3A_638, %parallel_loop3A_147 : vector<16xi32>
          %parallel_loop3A_640 = arith.constant 63 : i32
          %parallel_loop3A_641 = vector.broadcast %parallel_loop3A_640 : i32 to vector<16xi32>
          %parallel_loop3A_642 = arith.andi %parallel_loop3A_639, %parallel_loop3A_641 : vector<16xi32>
          %parallel_loop3A_643 = arith.addi %parallel_loop3A_156, %parallel_loop3A_642 : vector<16xi32>
          %parallel_loop3A_644 = tpu.vector_load_idx %arg5[%parallel_loop3A_150, %parallel_loop3A_643] : memref<500x128xf32, #tpu.memory_space<vmem>>[vector<16xi32>, vector<16xi32>], vector<16xf32>,
          %parallel_loop3A_645 = arith.constant 33 : i32
          %parallel_loop3A_646 = vector.broadcast %parallel_loop3A_645 : i32 to vector<16xi32>
          %parallel_loop3A_647 = arith.subi %parallel_loop3A_646, %parallel_loop3A_147 : vector<16xi32>
          %parallel_loop3A_648 = arith.constant 63 : i32
          %parallel_loop3A_649 = vector.broadcast %parallel_loop3A_648 : i32 to vector<16xi32>
          %parallel_loop3A_650 = arith.andi %parallel_loop3A_647, %parallel_loop3A_649 : vector<16xi32>
          %parallel_loop3A_651 = arith.addi %parallel_loop3A_156, %parallel_loop3A_650 : vector<16xi32>
          %parallel_loop3A_652 = tpu.vector_load_idx %arg5[%parallel_loop3A_150, %parallel_loop3A_651] : memref<500x128xf32, #tpu.memory_space<vmem>>[vector<16xi32>, vector<16xi32>], vector<16xf32>,
          %parallel_loop3A_653 = arith.constant 34 : i32
          %parallel_loop3A_654 = vector.broadcast %parallel_loop3A_653 : i32 to vector<16xi32>
          %parallel_loop3A_655 = arith.subi %parallel_loop3A_654, %parallel_loop3A_147 : vector<16xi32>
          %parallel_loop3A_656 = arith.constant 63 : i32
          %parallel_loop3A_657 = vector.broadcast %parallel_loop3A_656 : i32 to vector<16xi32>
          %parallel_loop3A_658 = arith.andi %parallel_loop3A_655, %parallel_loop3A_657 : vector<16xi32>
          %parallel_loop3A_659 = arith.addi %parallel_loop3A_156, %parallel_loop3A_658 : vector<16xi32>
          %parallel_loop3A_660 = tpu.vector_load_idx %arg5[%parallel_loop3A_150, %parallel_loop3A_659] : memref<500x128xf32, #tpu.memory_space<vmem>>[vector<16xi32>, vector<16xi32>], vector<16xf32>,
          %parallel_loop3A_661 = arith.constant 35 : i32
          %parallel_loop3A_662 = vector.broadcast %parallel_loop3A_661 : i32 to vector<16xi32>
          %parallel_loop3A_663 = arith.subi %parallel_loop3A_662, %parallel_loop3A_147 : vector<16xi32>
          %parallel_loop3A_664 = arith.constant 63 : i32
          %parallel_loop3A_665 = vector.broadcast %parallel_loop3A_664 : i32 to vector<16xi32>
          %parallel_loop3A_666 = arith.andi %parallel_loop3A_663, %parallel_loop3A_665 : vector<16xi32>
          %parallel_loop3A_667 = arith.addi %parallel_loop3A_156, %parallel_loop3A_666 : vector<16xi32>
          %parallel_loop3A_668 = tpu.vector_load_idx %arg5[%parallel_loop3A_150, %parallel_loop3A_667] : memref<500x128xf32, #tpu.memory_space<vmem>>[vector<16xi32>, vector<16xi32>], vector<16xf32>,
          %parallel_loop3A_669 = arith.constant 36 : i32
          %parallel_loop3A_670 = vector.broadcast %parallel_loop3A_669 : i32 to vector<16xi32>
          %parallel_loop3A_671 = arith.subi %parallel_loop3A_670, %parallel_loop3A_147 : vector<16xi32>
          %parallel_loop3A_672 = arith.constant 63 : i32
          %parallel_loop3A_673 = vector.broadcast %parallel_loop3A_672 : i32 to vector<16xi32>
          %parallel_loop3A_674 = arith.andi %parallel_loop3A_671, %parallel_loop3A_673 : vector<16xi32>
          %parallel_loop3A_675 = arith.addi %parallel_loop3A_156, %parallel_loop3A_674 : vector<16xi32>
          %parallel_loop3A_676 = tpu.vector_load_idx %arg5[%parallel_loop3A_150, %parallel_loop3A_675] : memref<500x128xf32, #tpu.memory_space<vmem>>[vector<16xi32>, vector<16xi32>], vector<16xf32>,
          %parallel_loop3A_677 = arith.constant 37 : i32
          %parallel_loop3A_678 = vector.broadcast %parallel_loop3A_677 : i32 to vector<16xi32>
          %parallel_loop3A_679 = arith.subi %parallel_loop3A_678, %parallel_loop3A_147 : vector<16xi32>
          %parallel_loop3A_680 = arith.constant 63 : i32
          %parallel_loop3A_681 = vector.broadcast %parallel_loop3A_680 : i32 to vector<16xi32>
          %parallel_loop3A_682 = arith.andi %parallel_loop3A_679, %parallel_loop3A_681 : vector<16xi32>
          %parallel_loop3A_683 = arith.addi %parallel_loop3A_156, %parallel_loop3A_682 : vector<16xi32>
          %parallel_loop3A_684 = tpu.vector_load_idx %arg5[%parallel_loop3A_150, %parallel_loop3A_683] : memref<500x128xf32, #tpu.memory_space<vmem>>[vector<16xi32>, vector<16xi32>], vector<16xf32>,
          %parallel_loop3A_685 = arith.constant 38 : i32
          %parallel_loop3A_686 = vector.broadcast %parallel_loop3A_685 : i32 to vector<16xi32>
          %parallel_loop3A_687 = arith.subi %parallel_loop3A_686, %parallel_loop3A_147 : vector<16xi32>
          %parallel_loop3A_688 = arith.constant 63 : i32
          %parallel_loop3A_689 = vector.broadcast %parallel_loop3A_688 : i32 to vector<16xi32>
          %parallel_loop3A_690 = arith.andi %parallel_loop3A_687, %parallel_loop3A_689 : vector<16xi32>
          %parallel_loop3A_691 = arith.addi %parallel_loop3A_156, %parallel_loop3A_690 : vector<16xi32>
          %parallel_loop3A_692 = tpu.vector_load_idx %arg5[%parallel_loop3A_150, %parallel_loop3A_691] : memref<500x128xf32, #tpu.memory_space<vmem>>[vector<16xi32>, vector<16xi32>], vector<16xf32>,
          %parallel_loop3A_693 = arith.constant 39 : i32
          %parallel_loop3A_694 = vector.broadcast %parallel_loop3A_693 : i32 to vector<16xi32>
          %parallel_loop3A_695 = arith.subi %parallel_loop3A_694, %parallel_loop3A_147 : vector<16xi32>
          %parallel_loop3A_696 = arith.constant 63 : i32
          %parallel_loop3A_697 = vector.broadcast %parallel_loop3A_696 : i32 to vector<16xi32>
          %parallel_loop3A_698 = arith.andi %parallel_loop3A_695, %parallel_loop3A_697 : vector<16xi32>
          %parallel_loop3A_699 = arith.addi %parallel_loop3A_156, %parallel_loop3A_698 : vector<16xi32>
          %parallel_loop3A_700 = tpu.vector_load_idx %arg5[%parallel_loop3A_150, %parallel_loop3A_699] : memref<500x128xf32, #tpu.memory_space<vmem>>[vector<16xi32>, vector<16xi32>], vector<16xf32>,
          %parallel_loop3A_701 = arith.constant 16 : i32
          %parallel_loop3A_702 = arith.muli %parallel_loop3A_141, %parallel_loop3A_701 : i32
          %parallel_loop3A_703 = arith.constant 32 : i32
          %parallel_loop3A_704 = arith.index_cast %and3A_106 : i32 to index
          %parallel_loop3A_705 = arith.index_cast %parallel_loop3A_703 : i32 to index
          %parallel_loop3A_706 = arith.index_cast %parallel_loop3A_702 : i32 to index
          %parallel_loop3A_707 = tpu.vector_load %arg7[%parallel_loop3A_704, %parallel_loop3A_705, %parallel_loop3A_706] {strides = array<i32>} : memref<2x64x128xf32, #tpu.memory_space<vmem>>, vector<16xf32>,
          tpu.vector_store %arg7[%parallel_loop3A_704, %parallel_loop3A_705, %parallel_loop3A_706], %parallel_loop3A_644 {strides = array<i32>} : memref<2x64x128xf32, #tpu.memory_space<vmem>>, vector<16xf32>,
          %parallel_loop3A_708 = arith.constant 16 : i32
          %parallel_loop3A_709 = arith.muli %parallel_loop3A_141, %parallel_loop3A_708 : i32
          %parallel_loop3A_710 = arith.constant 33 : i32
          %parallel_loop3A_711 = arith.index_cast %and3A_106 : i32 to index
          %parallel_loop3A_712 = arith.index_cast %parallel_loop3A_710 : i32 to index
          %parallel_loop3A_713 = arith.index_cast %parallel_loop3A_709 : i32 to index
          %parallel_loop3A_714 = tpu.vector_load %arg7[%parallel_loop3A_711, %parallel_loop3A_712, %parallel_loop3A_713] {strides = array<i32>} : memref<2x64x128xf32, #tpu.memory_space<vmem>>, vector<16xf32>,
          tpu.vector_store %arg7[%parallel_loop3A_711, %parallel_loop3A_712, %parallel_loop3A_713], %parallel_loop3A_652 {strides = array<i32>} : memref<2x64x128xf32, #tpu.memory_space<vmem>>, vector<16xf32>,
          %parallel_loop3A_715 = arith.constant 16 : i32
          %parallel_loop3A_716 = arith.muli %parallel_loop3A_141, %parallel_loop3A_715 : i32
          %parallel_loop3A_717 = arith.constant 34 : i32
          %parallel_loop3A_718 = arith.index_cast %and3A_106 : i32 to index
          %parallel_loop3A_719 = arith.index_cast %parallel_loop3A_717 : i32 to index
          %parallel_loop3A_720 = arith.index_cast %parallel_loop3A_716 : i32 to index
          %parallel_loop3A_721 = tpu.vector_load %arg7[%parallel_loop3A_718, %parallel_loop3A_719, %parallel_loop3A_720] {strides = array<i32>} : memref<2x64x128xf32, #tpu.memory_space<vmem>>, vector<16xf32>,
          tpu.vector_store %arg7[%parallel_loop3A_718, %parallel_loop3A_719, %parallel_loop3A_720], %parallel_loop3A_660 {strides = array<i32>} : memref<2x64x128xf32, #tpu.memory_space<vmem>>, vector<16xf32>,
          %parallel_loop3A_722 = arith.constant 16 : i32
          %parallel_loop3A_723 = arith.muli %parallel_loop3A_141, %parallel_loop3A_722 : i32
          %parallel_loop3A_724 = arith.constant 35 : i32
          %parallel_loop3A_725 = arith.index_cast %and3A_106 : i32 to index
          %parallel_loop3A_726 = arith.index_cast %parallel_loop3A_724 : i32 to index
          %parallel_loop3A_727 = arith.index_cast %parallel_loop3A_723 : i32 to index
          %parallel_loop3A_728 = tpu.vector_load %arg7[%parallel_loop3A_725, %parallel_loop3A_726, %parallel_loop3A_727] {strides = array<i32>} : memref<2x64x128xf32, #tpu.memory_space<vmem>>, vector<16xf32>,
          tpu.vector_store %arg7[%parallel_loop3A_725, %parallel_loop3A_726, %parallel_loop3A_727], %parallel_loop3A_668 {strides = array<i32>} : memref<2x64x128xf32, #tpu.memory_space<vmem>>, vector<16xf32>,
          %parallel_loop3A_729 = arith.constant 16 : i32
          %parallel_loop3A_730 = arith.muli %parallel_loop3A_141, %parallel_loop3A_729 : i32
          %parallel_loop3A_731 = arith.constant 36 : i32
          %parallel_loop3A_732 = arith.index_cast %and3A_106 : i32 to index
          %parallel_loop3A_733 = arith.index_cast %parallel_loop3A_731 : i32 to index
          %parallel_loop3A_734 = arith.index_cast %parallel_loop3A_730 : i32 to index
          %parallel_loop3A_735 = tpu.vector_load %arg7[%parallel_loop3A_732, %parallel_loop3A_733, %parallel_loop3A_734] {strides = array<i32>} : memref<2x64x128xf32, #tpu.memory_space<vmem>>, vector<16xf32>,
          tpu.vector_store %arg7[%parallel_loop3A_732, %parallel_loop3A_733, %parallel_loop3A_734], %parallel_loop3A_676 {strides = array<i32>} : memref<2x64x128xf32, #tpu.memory_space<vmem>>, vector<16xf32>,
          %parallel_loop3A_736 = arith.constant 16 : i32
          %parallel_loop3A_737 = arith.muli %parallel_loop3A_141, %parallel_loop3A_736 : i32
          %parallel_loop3A_738 = arith.constant 37 : i32
          %parallel_loop3A_739 = arith.index_cast %and3A_106 : i32 to index
          %parallel_loop3A_740 = arith.index_cast %parallel_loop3A_738 : i32 to index
          %parallel_loop3A_741 = arith.index_cast %parallel_loop3A_737 : i32 to index
          %parallel_loop3A_742 = tpu.vector_load %arg7[%parallel_loop3A_739, %parallel_loop3A_740, %parallel_loop3A_741] {strides = array<i32>} : memref<2x64x128xf32, #tpu.memory_space<vmem>>, vector<16xf32>,
          tpu.vector_store %arg7[%parallel_loop3A_739, %parallel_loop3A_740, %parallel_loop3A_741], %parallel_loop3A_684 {strides = array<i32>} : memref<2x64x128xf32, #tpu.memory_space<vmem>>, vector<16xf32>,
          %parallel_loop3A_743 = arith.constant 16 : i32
          %parallel_loop3A_744 = arith.muli %parallel_loop3A_141, %parallel_loop3A_743 : i32
          %parallel_loop3A_745 = arith.constant 38 : i32
          %parallel_loop3A_746 = arith.index_cast %and3A_106 : i32 to index
          %parallel_loop3A_747 = arith.index_cast %parallel_loop3A_745 : i32 to index
          %parallel_loop3A_748 = arith.index_cast %parallel_loop3A_744 : i32 to index
          %parallel_loop3A_749 = tpu.vector_load %arg7[%parallel_loop3A_746, %parallel_loop3A_747, %parallel_loop3A_748] {strides = array<i32>} : memref<2x64x128xf32, #tpu.memory_space<vmem>>, vector<16xf32>,
          tpu.vector_store %arg7[%parallel_loop3A_746, %parallel_loop3A_747, %parallel_loop3A_748], %parallel_loop3A_692 {strides = array<i32>} : memref<2x64x128xf32, #tpu.memory_space<vmem>>, vector<16xf32>,
          %parallel_loop3A_750 = arith.constant 16 : i32
          %parallel_loop3A_751 = arith.muli %parallel_loop3A_141, %parallel_loop3A_750 : i32
          %parallel_loop3A_752 = arith.constant 39 : i32
          %parallel_loop3A_753 = arith.index_cast %and3A_106 : i32 to index
          %parallel_loop3A_754 = arith.index_cast %parallel_loop3A_752 : i32 to index
          %parallel_loop3A_755 = arith.index_cast %parallel_loop3A_751 : i32 to index
          %parallel_loop3A_756 = tpu.vector_load %arg7[%parallel_loop3A_753, %parallel_loop3A_754, %parallel_loop3A_755] {strides = array<i32>} : memref<2x64x128xf32, #tpu.memory_space<vmem>>, vector<16xf32>,
          tpu.vector_store %arg7[%parallel_loop3A_753, %parallel_loop3A_754, %parallel_loop3A_755], %parallel_loop3A_700 {strides = array<i32>} : memref<2x64x128xf32, #tpu.memory_space<vmem>>, vector<16xf32>,
          %parallel_loop3A_757 = arith.constant 40 : i32
          %parallel_loop3A_758 = vector.broadcast %parallel_loop3A_757 : i32 to vector<16xi32>
          %parallel_loop3A_759 = arith.subi %parallel_loop3A_758, %parallel_loop3A_147 : vector<16xi32>
          %parallel_loop3A_760 = arith.constant 63 : i32
          %parallel_loop3A_761 = vector.broadcast %parallel_loop3A_760 : i32 to vector<16xi32>
          %parallel_loop3A_762 = arith.andi %parallel_loop3A_759, %parallel_loop3A_761 : vector<16xi32>
          %parallel_loop3A_763 = arith.addi %parallel_loop3A_156, %parallel_loop3A_762 : vector<16xi32>
          %parallel_loop3A_764 = tpu.vector_load_idx %arg5[%parallel_loop3A_150, %parallel_loop3A_763] : memref<500x128xf32, #tpu.memory_space<vmem>>[vector<16xi32>, vector<16xi32>], vector<16xf32>,
          %parallel_loop3A_765 = arith.constant 41 : i32
          %parallel_loop3A_766 = vector.broadcast %parallel_loop3A_765 : i32 to vector<16xi32>
          %parallel_loop3A_767 = arith.subi %parallel_loop3A_766, %parallel_loop3A_147 : vector<16xi32>
          %parallel_loop3A_768 = arith.constant 63 : i32
          %parallel_loop3A_769 = vector.broadcast %parallel_loop3A_768 : i32 to vector<16xi32>
          %parallel_loop3A_770 = arith.andi %parallel_loop3A_767, %parallel_loop3A_769 : vector<16xi32>
          %parallel_loop3A_771 = arith.addi %parallel_loop3A_156, %parallel_loop3A_770 : vector<16xi32>
          %parallel_loop3A_772 = tpu.vector_load_idx %arg5[%parallel_loop3A_150, %parallel_loop3A_771] : memref<500x128xf32, #tpu.memory_space<vmem>>[vector<16xi32>, vector<16xi32>], vector<16xf32>,
          %parallel_loop3A_773 = arith.constant 42 : i32
          %parallel_loop3A_774 = vector.broadcast %parallel_loop3A_773 : i32 to vector<16xi32>
          %parallel_loop3A_775 = arith.subi %parallel_loop3A_774, %parallel_loop3A_147 : vector<16xi32>
          %parallel_loop3A_776 = arith.constant 63 : i32
          %parallel_loop3A_777 = vector.broadcast %parallel_loop3A_776 : i32 to vector<16xi32>
          %parallel_loop3A_778 = arith.andi %parallel_loop3A_775, %parallel_loop3A_777 : vector<16xi32>
          %parallel_loop3A_779 = arith.addi %parallel_loop3A_156, %parallel_loop3A_778 : vector<16xi32>
          %parallel_loop3A_780 = tpu.vector_load_idx %arg5[%parallel_loop3A_150, %parallel_loop3A_779] : memref<500x128xf32, #tpu.memory_space<vmem>>[vector<16xi32>, vector<16xi32>], vector<16xf32>,
          %parallel_loop3A_781 = arith.constant 43 : i32
          %parallel_loop3A_782 = vector.broadcast %parallel_loop3A_781 : i32 to vector<16xi32>
          %parallel_loop3A_783 = arith.subi %parallel_loop3A_782, %parallel_loop3A_147 : vector<16xi32>
          %parallel_loop3A_784 = arith.constant 63 : i32
          %parallel_loop3A_785 = vector.broadcast %parallel_loop3A_784 : i32 to vector<16xi32>
          %parallel_loop3A_786 = arith.andi %parallel_loop3A_783, %parallel_loop3A_785 : vector<16xi32>
          %parallel_loop3A_787 = arith.addi %parallel_loop3A_156, %parallel_loop3A_786 : vector<16xi32>
          %parallel_loop3A_788 = tpu.vector_load_idx %arg5[%parallel_loop3A_150, %parallel_loop3A_787] : memref<500x128xf32, #tpu.memory_space<vmem>>[vector<16xi32>, vector<16xi32>], vector<16xf32>,
          %parallel_loop3A_789 = arith.constant 44 : i32
          %parallel_loop3A_790 = vector.broadcast %parallel_loop3A_789 : i32 to vector<16xi32>
          %parallel_loop3A_791 = arith.subi %parallel_loop3A_790, %parallel_loop3A_147 : vector<16xi32>
          %parallel_loop3A_792 = arith.constant 63 : i32
          %parallel_loop3A_793 = vector.broadcast %parallel_loop3A_792 : i32 to vector<16xi32>
          %parallel_loop3A_794 = arith.andi %parallel_loop3A_791, %parallel_loop3A_793 : vector<16xi32>
          %parallel_loop3A_795 = arith.addi %parallel_loop3A_156, %parallel_loop3A_794 : vector<16xi32>
          %parallel_loop3A_796 = tpu.vector_load_idx %arg5[%parallel_loop3A_150, %parallel_loop3A_795] : memref<500x128xf32, #tpu.memory_space<vmem>>[vector<16xi32>, vector<16xi32>], vector<16xf32>,
          %parallel_loop3A_797 = arith.constant 45 : i32
          %parallel_loop3A_798 = vector.broadcast %parallel_loop3A_797 : i32 to vector<16xi32>
          %parallel_loop3A_799 = arith.subi %parallel_loop3A_798, %parallel_loop3A_147 : vector<16xi32>
          %parallel_loop3A_800 = arith.constant 63 : i32
          %parallel_loop3A_801 = vector.broadcast %parallel_loop3A_800 : i32 to vector<16xi32>
          %parallel_loop3A_802 = arith.andi %parallel_loop3A_799, %parallel_loop3A_801 : vector<16xi32>
          %parallel_loop3A_803 = arith.addi %parallel_loop3A_156, %parallel_loop3A_802 : vector<16xi32>
          %parallel_loop3A_804 = tpu.vector_load_idx %arg5[%parallel_loop3A_150, %parallel_loop3A_803] : memref<500x128xf32, #tpu.memory_space<vmem>>[vector<16xi32>, vector<16xi32>], vector<16xf32>,
          %parallel_loop3A_805 = arith.constant 46 : i32
          %parallel_loop3A_806 = vector.broadcast %parallel_loop3A_805 : i32 to vector<16xi32>
          %parallel_loop3A_807 = arith.subi %parallel_loop3A_806, %parallel_loop3A_147 : vector<16xi32>
          %parallel_loop3A_808 = arith.constant 63 : i32
          %parallel_loop3A_809 = vector.broadcast %parallel_loop3A_808 : i32 to vector<16xi32>
          %parallel_loop3A_810 = arith.andi %parallel_loop3A_807, %parallel_loop3A_809 : vector<16xi32>
          %parallel_loop3A_811 = arith.addi %parallel_loop3A_156, %parallel_loop3A_810 : vector<16xi32>
          %parallel_loop3A_812 = tpu.vector_load_idx %arg5[%parallel_loop3A_150, %parallel_loop3A_811] : memref<500x128xf32, #tpu.memory_space<vmem>>[vector<16xi32>, vector<16xi32>], vector<16xf32>,
          %parallel_loop3A_813 = arith.constant 47 : i32
          %parallel_loop3A_814 = vector.broadcast %parallel_loop3A_813 : i32 to vector<16xi32>
          %parallel_loop3A_815 = arith.subi %parallel_loop3A_814, %parallel_loop3A_147 : vector<16xi32>
          %parallel_loop3A_816 = arith.constant 63 : i32
          %parallel_loop3A_817 = vector.broadcast %parallel_loop3A_816 : i32 to vector<16xi32>
          %parallel_loop3A_818 = arith.andi %parallel_loop3A_815, %parallel_loop3A_817 : vector<16xi32>
          %parallel_loop3A_819 = arith.addi %parallel_loop3A_156, %parallel_loop3A_818 : vector<16xi32>
          %parallel_loop3A_820 = tpu.vector_load_idx %arg5[%parallel_loop3A_150, %parallel_loop3A_819] : memref<500x128xf32, #tpu.memory_space<vmem>>[vector<16xi32>, vector<16xi32>], vector<16xf32>,
          %parallel_loop3A_821 = arith.constant 16 : i32
          %parallel_loop3A_822 = arith.muli %parallel_loop3A_141, %parallel_loop3A_821 : i32
          %parallel_loop3A_823 = arith.constant 40 : i32
          %parallel_loop3A_824 = arith.index_cast %and3A_106 : i32 to index
          %parallel_loop3A_825 = arith.index_cast %parallel_loop3A_823 : i32 to index
          %parallel_loop3A_826 = arith.index_cast %parallel_loop3A_822 : i32 to index
          %parallel_loop3A_827 = tpu.vector_load %arg7[%parallel_loop3A_824, %parallel_loop3A_825, %parallel_loop3A_826] {strides = array<i32>} : memref<2x64x128xf32, #tpu.memory_space<vmem>>, vector<16xf32>,
          tpu.vector_store %arg7[%parallel_loop3A_824, %parallel_loop3A_825, %parallel_loop3A_826], %parallel_loop3A_764 {strides = array<i32>} : memref<2x64x128xf32, #tpu.memory_space<vmem>>, vector<16xf32>,
          %parallel_loop3A_828 = arith.constant 16 : i32
          %parallel_loop3A_829 = arith.muli %parallel_loop3A_141, %parallel_loop3A_828 : i32
          %parallel_loop3A_830 = arith.constant 41 : i32
          %parallel_loop3A_831 = arith.index_cast %and3A_106 : i32 to index
          %parallel_loop3A_832 = arith.index_cast %parallel_loop3A_830 : i32 to index
          %parallel_loop3A_833 = arith.index_cast %parallel_loop3A_829 : i32 to index
          %parallel_loop3A_834 = tpu.vector_load %arg7[%parallel_loop3A_831, %parallel_loop3A_832, %parallel_loop3A_833] {strides = array<i32>} : memref<2x64x128xf32, #tpu.memory_space<vmem>>, vector<16xf32>,
          tpu.vector_store %arg7[%parallel_loop3A_831, %parallel_loop3A_832, %parallel_loop3A_833], %parallel_loop3A_772 {strides = array<i32>} : memref<2x64x128xf32, #tpu.memory_space<vmem>>, vector<16xf32>,
          %parallel_loop3A_835 = arith.constant 16 : i32
          %parallel_loop3A_836 = arith.muli %parallel_loop3A_141, %parallel_loop3A_835 : i32
          %parallel_loop3A_837 = arith.constant 42 : i32
          %parallel_loop3A_838 = arith.index_cast %and3A_106 : i32 to index
          %parallel_loop3A_839 = arith.index_cast %parallel_loop3A_837 : i32 to index
          %parallel_loop3A_840 = arith.index_cast %parallel_loop3A_836 : i32 to index
          %parallel_loop3A_841 = tpu.vector_load %arg7[%parallel_loop3A_838, %parallel_loop3A_839, %parallel_loop3A_840] {strides = array<i32>} : memref<2x64x128xf32, #tpu.memory_space<vmem>>, vector<16xf32>,
          tpu.vector_store %arg7[%parallel_loop3A_838, %parallel_loop3A_839, %parallel_loop3A_840], %parallel_loop3A_780 {strides = array<i32>} : memref<2x64x128xf32, #tpu.memory_space<vmem>>, vector<16xf32>,
          %parallel_loop3A_842 = arith.constant 16 : i32
          %parallel_loop3A_843 = arith.muli %parallel_loop3A_141, %parallel_loop3A_842 : i32
          %parallel_loop3A_844 = arith.constant 43 : i32
          %parallel_loop3A_845 = arith.index_cast %and3A_106 : i32 to index
          %parallel_loop3A_846 = arith.index_cast %parallel_loop3A_844 : i32 to index
          %parallel_loop3A_847 = arith.index_cast %parallel_loop3A_843 : i32 to index
          %parallel_loop3A_848 = tpu.vector_load %arg7[%parallel_loop3A_845, %parallel_loop3A_846, %parallel_loop3A_847] {strides = array<i32>} : memref<2x64x128xf32, #tpu.memory_space<vmem>>, vector<16xf32>,
          tpu.vector_store %arg7[%parallel_loop3A_845, %parallel_loop3A_846, %parallel_loop3A_847], %parallel_loop3A_788 {strides = array<i32>} : memref<2x64x128xf32, #tpu.memory_space<vmem>>, vector<16xf32>,
          %parallel_loop3A_849 = arith.constant 16 : i32
          %parallel_loop3A_850 = arith.muli %parallel_loop3A_141, %parallel_loop3A_849 : i32
          %parallel_loop3A_851 = arith.constant 44 : i32
          %parallel_loop3A_852 = arith.index_cast %and3A_106 : i32 to index
          %parallel_loop3A_853 = arith.index_cast %parallel_loop3A_851 : i32 to index
          %parallel_loop3A_854 = arith.index_cast %parallel_loop3A_850 : i32 to index
          %parallel_loop3A_855 = tpu.vector_load %arg7[%parallel_loop3A_852, %parallel_loop3A_853, %parallel_loop3A_854] {strides = array<i32>} : memref<2x64x128xf32, #tpu.memory_space<vmem>>, vector<16xf32>,
          tpu.vector_store %arg7[%parallel_loop3A_852, %parallel_loop3A_853, %parallel_loop3A_854], %parallel_loop3A_796 {strides = array<i32>} : memref<2x64x128xf32, #tpu.memory_space<vmem>>, vector<16xf32>,
          %parallel_loop3A_856 = arith.constant 16 : i32
          %parallel_loop3A_857 = arith.muli %parallel_loop3A_141, %parallel_loop3A_856 : i32
          %parallel_loop3A_858 = arith.constant 45 : i32
          %parallel_loop3A_859 = arith.index_cast %and3A_106 : i32 to index
          %parallel_loop3A_860 = arith.index_cast %parallel_loop3A_858 : i32 to index
          %parallel_loop3A_861 = arith.index_cast %parallel_loop3A_857 : i32 to index
          %parallel_loop3A_862 = tpu.vector_load %arg7[%parallel_loop3A_859, %parallel_loop3A_860, %parallel_loop3A_861] {strides = array<i32>} : memref<2x64x128xf32, #tpu.memory_space<vmem>>, vector<16xf32>,
          tpu.vector_store %arg7[%parallel_loop3A_859, %parallel_loop3A_860, %parallel_loop3A_861], %parallel_loop3A_804 {strides = array<i32>} : memref<2x64x128xf32, #tpu.memory_space<vmem>>, vector<16xf32>,
          %parallel_loop3A_863 = arith.constant 16 : i32
          %parallel_loop3A_864 = arith.muli %parallel_loop3A_141, %parallel_loop3A_863 : i32
          %parallel_loop3A_865 = arith.constant 46 : i32
          %parallel_loop3A_866 = arith.index_cast %and3A_106 : i32 to index
          %parallel_loop3A_867 = arith.index_cast %parallel_loop3A_865 : i32 to index
          %parallel_loop3A_868 = arith.index_cast %parallel_loop3A_864 : i32 to index
          %parallel_loop3A_869 = tpu.vector_load %arg7[%parallel_loop3A_866, %parallel_loop3A_867, %parallel_loop3A_868] {strides = array<i32>} : memref<2x64x128xf32, #tpu.memory_space<vmem>>, vector<16xf32>,
          tpu.vector_store %arg7[%parallel_loop3A_866, %parallel_loop3A_867, %parallel_loop3A_868], %parallel_loop3A_812 {strides = array<i32>} : memref<2x64x128xf32, #tpu.memory_space<vmem>>, vector<16xf32>,
          %parallel_loop3A_870 = arith.constant 16 : i32
          %parallel_loop3A_871 = arith.muli %parallel_loop3A_141, %parallel_loop3A_870 : i32
          %parallel_loop3A_872 = arith.constant 47 : i32
          %parallel_loop3A_873 = arith.index_cast %and3A_106 : i32 to index
          %parallel_loop3A_874 = arith.index_cast %parallel_loop3A_872 : i32 to index
          %parallel_loop3A_875 = arith.index_cast %parallel_loop3A_871 : i32 to index
          %parallel_loop3A_876 = tpu.vector_load %arg7[%parallel_loop3A_873, %parallel_loop3A_874, %parallel_loop3A_875] {strides = array<i32>} : memref<2x64x128xf32, #tpu.memory_space<vmem>>, vector<16xf32>,
          tpu.vector_store %arg7[%parallel_loop3A_873, %parallel_loop3A_874, %parallel_loop3A_875], %parallel_loop3A_820 {strides = array<i32>} : memref<2x64x128xf32, #tpu.memory_space<vmem>>, vector<16xf32>,
          %parallel_loop3A_877 = arith.constant 48 : i32
          %parallel_loop3A_878 = vector.broadcast %parallel_loop3A_877 : i32 to vector<16xi32>
          %parallel_loop3A_879 = arith.subi %parallel_loop3A_878, %parallel_loop3A_147 : vector<16xi32>
          %parallel_loop3A_880 = arith.constant 63 : i32
          %parallel_loop3A_881 = vector.broadcast %parallel_loop3A_880 : i32 to vector<16xi32>
          %parallel_loop3A_882 = arith.andi %parallel_loop3A_879, %parallel_loop3A_881 : vector<16xi32>
          %parallel_loop3A_883 = arith.addi %parallel_loop3A_156, %parallel_loop3A_882 : vector<16xi32>
          %parallel_loop3A_884 = tpu.vector_load_idx %arg5[%parallel_loop3A_150, %parallel_loop3A_883] : memref<500x128xf32, #tpu.memory_space<vmem>>[vector<16xi32>, vector<16xi32>], vector<16xf32>,
          %parallel_loop3A_885 = arith.constant 49 : i32
          %parallel_loop3A_886 = vector.broadcast %parallel_loop3A_885 : i32 to vector<16xi32>
          %parallel_loop3A_887 = arith.subi %parallel_loop3A_886, %parallel_loop3A_147 : vector<16xi32>
          %parallel_loop3A_888 = arith.constant 63 : i32
          %parallel_loop3A_889 = vector.broadcast %parallel_loop3A_888 : i32 to vector<16xi32>
          %parallel_loop3A_890 = arith.andi %parallel_loop3A_887, %parallel_loop3A_889 : vector<16xi32>
          %parallel_loop3A_891 = arith.addi %parallel_loop3A_156, %parallel_loop3A_890 : vector<16xi32>
          %parallel_loop3A_892 = tpu.vector_load_idx %arg5[%parallel_loop3A_150, %parallel_loop3A_891] : memref<500x128xf32, #tpu.memory_space<vmem>>[vector<16xi32>, vector<16xi32>], vector<16xf32>,
          %parallel_loop3A_893 = arith.constant 50 : i32
          %parallel_loop3A_894 = vector.broadcast %parallel_loop3A_893 : i32 to vector<16xi32>
          %parallel_loop3A_895 = arith.subi %parallel_loop3A_894, %parallel_loop3A_147 : vector<16xi32>
          %parallel_loop3A_896 = arith.constant 63 : i32
          %parallel_loop3A_897 = vector.broadcast %parallel_loop3A_896 : i32 to vector<16xi32>
          %parallel_loop3A_898 = arith.andi %parallel_loop3A_895, %parallel_loop3A_897 : vector<16xi32>
          %parallel_loop3A_899 = arith.addi %parallel_loop3A_156, %parallel_loop3A_898 : vector<16xi32>
          %parallel_loop3A_900 = tpu.vector_load_idx %arg5[%parallel_loop3A_150, %parallel_loop3A_899] : memref<500x128xf32, #tpu.memory_space<vmem>>[vector<16xi32>, vector<16xi32>], vector<16xf32>,
          %parallel_loop3A_901 = arith.constant 51 : i32
          %parallel_loop3A_902 = vector.broadcast %parallel_loop3A_901 : i32 to vector<16xi32>
          %parallel_loop3A_903 = arith.subi %parallel_loop3A_902, %parallel_loop3A_147 : vector<16xi32>
          %parallel_loop3A_904 = arith.constant 63 : i32
          %parallel_loop3A_905 = vector.broadcast %parallel_loop3A_904 : i32 to vector<16xi32>
          %parallel_loop3A_906 = arith.andi %parallel_loop3A_903, %parallel_loop3A_905 : vector<16xi32>
          %parallel_loop3A_907 = arith.addi %parallel_loop3A_156, %parallel_loop3A_906 : vector<16xi32>
          %parallel_loop3A_908 = tpu.vector_load_idx %arg5[%parallel_loop3A_150, %parallel_loop3A_907] : memref<500x128xf32, #tpu.memory_space<vmem>>[vector<16xi32>, vector<16xi32>], vector<16xf32>,
          %parallel_loop3A_909 = arith.constant 52 : i32
          %parallel_loop3A_910 = vector.broadcast %parallel_loop3A_909 : i32 to vector<16xi32>
          %parallel_loop3A_911 = arith.subi %parallel_loop3A_910, %parallel_loop3A_147 : vector<16xi32>
          %parallel_loop3A_912 = arith.constant 63 : i32
          %parallel_loop3A_913 = vector.broadcast %parallel_loop3A_912 : i32 to vector<16xi32>
          %parallel_loop3A_914 = arith.andi %parallel_loop3A_911, %parallel_loop3A_913 : vector<16xi32>
          %parallel_loop3A_915 = arith.addi %parallel_loop3A_156, %parallel_loop3A_914 : vector<16xi32>
          %parallel_loop3A_916 = tpu.vector_load_idx %arg5[%parallel_loop3A_150, %parallel_loop3A_915] : memref<500x128xf32, #tpu.memory_space<vmem>>[vector<16xi32>, vector<16xi32>], vector<16xf32>,
          %parallel_loop3A_917 = arith.constant 53 : i32
          %parallel_loop3A_918 = vector.broadcast %parallel_loop3A_917 : i32 to vector<16xi32>
          %parallel_loop3A_919 = arith.subi %parallel_loop3A_918, %parallel_loop3A_147 : vector<16xi32>
          %parallel_loop3A_920 = arith.constant 63 : i32
          %parallel_loop3A_921 = vector.broadcast %parallel_loop3A_920 : i32 to vector<16xi32>
          %parallel_loop3A_922 = arith.andi %parallel_loop3A_919, %parallel_loop3A_921 : vector<16xi32>
          %parallel_loop3A_923 = arith.addi %parallel_loop3A_156, %parallel_loop3A_922 : vector<16xi32>
          %parallel_loop3A_924 = tpu.vector_load_idx %arg5[%parallel_loop3A_150, %parallel_loop3A_923] : memref<500x128xf32, #tpu.memory_space<vmem>>[vector<16xi32>, vector<16xi32>], vector<16xf32>,
          %parallel_loop3A_925 = arith.constant 54 : i32
          %parallel_loop3A_926 = vector.broadcast %parallel_loop3A_925 : i32 to vector<16xi32>
          %parallel_loop3A_927 = arith.subi %parallel_loop3A_926, %parallel_loop3A_147 : vector<16xi32>
          %parallel_loop3A_928 = arith.constant 63 : i32
          %parallel_loop3A_929 = vector.broadcast %parallel_loop3A_928 : i32 to vector<16xi32>
          %parallel_loop3A_930 = arith.andi %parallel_loop3A_927, %parallel_loop3A_929 : vector<16xi32>
          %parallel_loop3A_931 = arith.addi %parallel_loop3A_156, %parallel_loop3A_930 : vector<16xi32>
          %parallel_loop3A_932 = tpu.vector_load_idx %arg5[%parallel_loop3A_150, %parallel_loop3A_931] : memref<500x128xf32, #tpu.memory_space<vmem>>[vector<16xi32>, vector<16xi32>], vector<16xf32>,
          %parallel_loop3A_933 = arith.constant 55 : i32
          %parallel_loop3A_934 = vector.broadcast %parallel_loop3A_933 : i32 to vector<16xi32>
          %parallel_loop3A_935 = arith.subi %parallel_loop3A_934, %parallel_loop3A_147 : vector<16xi32>
          %parallel_loop3A_936 = arith.constant 63 : i32
          %parallel_loop3A_937 = vector.broadcast %parallel_loop3A_936 : i32 to vector<16xi32>
          %parallel_loop3A_938 = arith.andi %parallel_loop3A_935, %parallel_loop3A_937 : vector<16xi32>
          %parallel_loop3A_939 = arith.addi %parallel_loop3A_156, %parallel_loop3A_938 : vector<16xi32>
          %parallel_loop3A_940 = tpu.vector_load_idx %arg5[%parallel_loop3A_150, %parallel_loop3A_939] : memref<500x128xf32, #tpu.memory_space<vmem>>[vector<16xi32>, vector<16xi32>], vector<16xf32>,
          %parallel_loop3A_941 = arith.constant 16 : i32
          %parallel_loop3A_942 = arith.muli %parallel_loop3A_141, %parallel_loop3A_941 : i32
          %parallel_loop3A_943 = arith.constant 48 : i32
          %parallel_loop3A_944 = arith.index_cast %and3A_106 : i32 to index
          %parallel_loop3A_945 = arith.index_cast %parallel_loop3A_943 : i32 to index
          %parallel_loop3A_946 = arith.index_cast %parallel_loop3A_942 : i32 to index
          %parallel_loop3A_947 = tpu.vector_load %arg7[%parallel_loop3A_944, %parallel_loop3A_945, %parallel_loop3A_946] {strides = array<i32>} : memref<2x64x128xf32, #tpu.memory_space<vmem>>, vector<16xf32>,
          tpu.vector_store %arg7[%parallel_loop3A_944, %parallel_loop3A_945, %parallel_loop3A_946], %parallel_loop3A_884 {strides = array<i32>} : memref<2x64x128xf32, #tpu.memory_space<vmem>>, vector<16xf32>,
          %parallel_loop3A_948 = arith.constant 16 : i32
          %parallel_loop3A_949 = arith.muli %parallel_loop3A_141, %parallel_loop3A_948 : i32
          %parallel_loop3A_950 = arith.constant 49 : i32
          %parallel_loop3A_951 = arith.index_cast %and3A_106 : i32 to index
          %parallel_loop3A_952 = arith.index_cast %parallel_loop3A_950 : i32 to index
          %parallel_loop3A_953 = arith.index_cast %parallel_loop3A_949 : i32 to index
          %parallel_loop3A_954 = tpu.vector_load %arg7[%parallel_loop3A_951, %parallel_loop3A_952, %parallel_loop3A_953] {strides = array<i32>} : memref<2x64x128xf32, #tpu.memory_space<vmem>>, vector<16xf32>,
          tpu.vector_store %arg7[%parallel_loop3A_951, %parallel_loop3A_952, %parallel_loop3A_953], %parallel_loop3A_892 {strides = array<i32>} : memref<2x64x128xf32, #tpu.memory_space<vmem>>, vector<16xf32>,
          %parallel_loop3A_955 = arith.constant 16 : i32
          %parallel_loop3A_956 = arith.muli %parallel_loop3A_141, %parallel_loop3A_955 : i32
          %parallel_loop3A_957 = arith.constant 50 : i32
          %parallel_loop3A_958 = arith.index_cast %and3A_106 : i32 to index
          %parallel_loop3A_959 = arith.index_cast %parallel_loop3A_957 : i32 to index
          %parallel_loop3A_960 = arith.index_cast %parallel_loop3A_956 : i32 to index
          %parallel_loop3A_961 = tpu.vector_load %arg7[%parallel_loop3A_958, %parallel_loop3A_959, %parallel_loop3A_960] {strides = array<i32>} : memref<2x64x128xf32, #tpu.memory_space<vmem>>, vector<16xf32>,
          tpu.vector_store %arg7[%parallel_loop3A_958, %parallel_loop3A_959, %parallel_loop3A_960], %parallel_loop3A_900 {strides = array<i32>} : memref<2x64x128xf32, #tpu.memory_space<vmem>>, vector<16xf32>,
          %parallel_loop3A_962 = arith.constant 16 : i32
          %parallel_loop3A_963 = arith.muli %parallel_loop3A_141, %parallel_loop3A_962 : i32
          %parallel_loop3A_964 = arith.constant 51 : i32
          %parallel_loop3A_965 = arith.index_cast %and3A_106 : i32 to index
          %parallel_loop3A_966 = arith.index_cast %parallel_loop3A_964 : i32 to index
          %parallel_loop3A_967 = arith.index_cast %parallel_loop3A_963 : i32 to index
          %parallel_loop3A_968 = tpu.vector_load %arg7[%parallel_loop3A_965, %parallel_loop3A_966, %parallel_loop3A_967] {strides = array<i32>} : memref<2x64x128xf32, #tpu.memory_space<vmem>>, vector<16xf32>,
          tpu.vector_store %arg7[%parallel_loop3A_965, %parallel_loop3A_966, %parallel_loop3A_967], %parallel_loop3A_908 {strides = array<i32>} : memref<2x64x128xf32, #tpu.memory_space<vmem>>, vector<16xf32>,
          %parallel_loop3A_969 = arith.constant 16 : i32
          %parallel_loop3A_970 = arith.muli %parallel_loop3A_141, %parallel_loop3A_969 : i32
          %parallel_loop3A_971 = arith.constant 52 : i32
          %parallel_loop3A_972 = arith.index_cast %and3A_106 : i32 to index
          %parallel_loop3A_973 = arith.index_cast %parallel_loop3A_971 : i32 to index
          %parallel_loop3A_974 = arith.index_cast %parallel_loop3A_970 : i32 to index
          %parallel_loop3A_975 = tpu.vector_load %arg7[%parallel_loop3A_972, %parallel_loop3A_973, %parallel_loop3A_974] {strides = array<i32>} : memref<2x64x128xf32, #tpu.memory_space<vmem>>, vector<16xf32>,
          tpu.vector_store %arg7[%parallel_loop3A_972, %parallel_loop3A_973, %parallel_loop3A_974], %parallel_loop3A_916 {strides = array<i32>} : memref<2x64x128xf32, #tpu.memory_space<vmem>>, vector<16xf32>,
          %parallel_loop3A_976 = arith.constant 16 : i32
          %parallel_loop3A_977 = arith.muli %parallel_loop3A_141, %parallel_loop3A_976 : i32
          %parallel_loop3A_978 = arith.constant 53 : i32
          %parallel_loop3A_979 = arith.index_cast %and3A_106 : i32 to index
          %parallel_loop3A_980 = arith.index_cast %parallel_loop3A_978 : i32 to index
          %parallel_loop3A_981 = arith.index_cast %parallel_loop3A_977 : i32 to index
          %parallel_loop3A_982 = tpu.vector_load %arg7[%parallel_loop3A_979, %parallel_loop3A_980, %parallel_loop3A_981] {strides = array<i32>} : memref<2x64x128xf32, #tpu.memory_space<vmem>>, vector<16xf32>,
          tpu.vector_store %arg7[%parallel_loop3A_979, %parallel_loop3A_980, %parallel_loop3A_981], %parallel_loop3A_924 {strides = array<i32>} : memref<2x64x128xf32, #tpu.memory_space<vmem>>, vector<16xf32>,
          %parallel_loop3A_983 = arith.constant 16 : i32
          %parallel_loop3A_984 = arith.muli %parallel_loop3A_141, %parallel_loop3A_983 : i32
          %parallel_loop3A_985 = arith.constant 54 : i32
          %parallel_loop3A_986 = arith.index_cast %and3A_106 : i32 to index
          %parallel_loop3A_987 = arith.index_cast %parallel_loop3A_985 : i32 to index
          %parallel_loop3A_988 = arith.index_cast %parallel_loop3A_984 : i32 to index
          %parallel_loop3A_989 = tpu.vector_load %arg7[%parallel_loop3A_986, %parallel_loop3A_987, %parallel_loop3A_988] {strides = array<i32>} : memref<2x64x128xf32, #tpu.memory_space<vmem>>, vector<16xf32>,
          tpu.vector_store %arg7[%parallel_loop3A_986, %parallel_loop3A_987, %parallel_loop3A_988], %parallel_loop3A_932 {strides = array<i32>} : memref<2x64x128xf32, #tpu.memory_space<vmem>>, vector<16xf32>,
          %parallel_loop3A_990 = arith.constant 16 : i32
          %parallel_loop3A_991 = arith.muli %parallel_loop3A_141, %parallel_loop3A_990 : i32
          %parallel_loop3A_992 = arith.constant 55 : i32
          %parallel_loop3A_993 = arith.index_cast %and3A_106 : i32 to index
          %parallel_loop3A_994 = arith.index_cast %parallel_loop3A_992 : i32 to index
          %parallel_loop3A_995 = arith.index_cast %parallel_loop3A_991 : i32 to index
          %parallel_loop3A_996 = tpu.vector_load %arg7[%parallel_loop3A_993, %parallel_loop3A_994, %parallel_loop3A_995] {strides = array<i32>} : memref<2x64x128xf32, #tpu.memory_space<vmem>>, vector<16xf32>,
          tpu.vector_store %arg7[%parallel_loop3A_993, %parallel_loop3A_994, %parallel_loop3A_995], %parallel_loop3A_940 {strides = array<i32>} : memref<2x64x128xf32, #tpu.memory_space<vmem>>, vector<16xf32>,
          %parallel_loop3A_997 = arith.constant 56 : i32
          %parallel_loop3A_998 = vector.broadcast %parallel_loop3A_997 : i32 to vector<16xi32>
          %parallel_loop3A_999 = arith.subi %parallel_loop3A_998, %parallel_loop3A_147 : vector<16xi32>
          %parallel_loop3A_1000 = arith.constant 63 : i32
          %parallel_loop3A_1001 = vector.broadcast %parallel_loop3A_1000 : i32 to vector<16xi32>
          %parallel_loop3A_1002 = arith.andi %parallel_loop3A_999, %parallel_loop3A_1001 : vector<16xi32>
          %parallel_loop3A_1003 = arith.addi %parallel_loop3A_156, %parallel_loop3A_1002 : vector<16xi32>
          %parallel_loop3A_1004 = tpu.vector_load_idx %arg5[%parallel_loop3A_150, %parallel_loop3A_1003] : memref<500x128xf32, #tpu.memory_space<vmem>>[vector<16xi32>, vector<16xi32>], vector<16xf32>,
          %parallel_loop3A_1005 = arith.constant 57 : i32
          %parallel_loop3A_1006 = vector.broadcast %parallel_loop3A_1005 : i32 to vector<16xi32>
          %parallel_loop3A_1007 = arith.subi %parallel_loop3A_1006, %parallel_loop3A_147 : vector<16xi32>
          %parallel_loop3A_1008 = arith.constant 63 : i32
          %parallel_loop3A_1009 = vector.broadcast %parallel_loop3A_1008 : i32 to vector<16xi32>
          %parallel_loop3A_1010 = arith.andi %parallel_loop3A_1007, %parallel_loop3A_1009 : vector<16xi32>
          %parallel_loop3A_1011 = arith.addi %parallel_loop3A_156, %parallel_loop3A_1010 : vector<16xi32>
          %parallel_loop3A_1012 = tpu.vector_load_idx %arg5[%parallel_loop3A_150, %parallel_loop3A_1011] : memref<500x128xf32, #tpu.memory_space<vmem>>[vector<16xi32>, vector<16xi32>], vector<16xf32>,
          %parallel_loop3A_1013 = arith.constant 58 : i32
          %parallel_loop3A_1014 = vector.broadcast %parallel_loop3A_1013 : i32 to vector<16xi32>
          %parallel_loop3A_1015 = arith.subi %parallel_loop3A_1014, %parallel_loop3A_147 : vector<16xi32>
          %parallel_loop3A_1016 = arith.constant 63 : i32
          %parallel_loop3A_1017 = vector.broadcast %parallel_loop3A_1016 : i32 to vector<16xi32>
          %parallel_loop3A_1018 = arith.andi %parallel_loop3A_1015, %parallel_loop3A_1017 : vector<16xi32>
          %parallel_loop3A_1019 = arith.addi %parallel_loop3A_156, %parallel_loop3A_1018 : vector<16xi32>
          %parallel_loop3A_1020 = tpu.vector_load_idx %arg5[%parallel_loop3A_150, %parallel_loop3A_1019] : memref<500x128xf32, #tpu.memory_space<vmem>>[vector<16xi32>, vector<16xi32>], vector<16xf32>,
          %parallel_loop3A_1021 = arith.constant 59 : i32
          %parallel_loop3A_1022 = vector.broadcast %parallel_loop3A_1021 : i32 to vector<16xi32>
          %parallel_loop3A_1023 = arith.subi %parallel_loop3A_1022, %parallel_loop3A_147 : vector<16xi32>
          %parallel_loop3A_1024 = arith.constant 63 : i32
          %parallel_loop3A_1025 = vector.broadcast %parallel_loop3A_1024 : i32 to vector<16xi32>
          %parallel_loop3A_1026 = arith.andi %parallel_loop3A_1023, %parallel_loop3A_1025 : vector<16xi32>
          %parallel_loop3A_1027 = arith.addi %parallel_loop3A_156, %parallel_loop3A_1026 : vector<16xi32>
          %parallel_loop3A_1028 = tpu.vector_load_idx %arg5[%parallel_loop3A_150, %parallel_loop3A_1027] : memref<500x128xf32, #tpu.memory_space<vmem>>[vector<16xi32>, vector<16xi32>], vector<16xf32>,
          %parallel_loop3A_1029 = arith.constant 60 : i32
          %parallel_loop3A_1030 = vector.broadcast %parallel_loop3A_1029 : i32 to vector<16xi32>
          %parallel_loop3A_1031 = arith.subi %parallel_loop3A_1030, %parallel_loop3A_147 : vector<16xi32>
          %parallel_loop3A_1032 = arith.constant 63 : i32
          %parallel_loop3A_1033 = vector.broadcast %parallel_loop3A_1032 : i32 to vector<16xi32>
          %parallel_loop3A_1034 = arith.andi %parallel_loop3A_1031, %parallel_loop3A_1033 : vector<16xi32>
          %parallel_loop3A_1035 = arith.addi %parallel_loop3A_156, %parallel_loop3A_1034 : vector<16xi32>
          %parallel_loop3A_1036 = tpu.vector_load_idx %arg5[%parallel_loop3A_150, %parallel_loop3A_1035] : memref<500x128xf32, #tpu.memory_space<vmem>>[vector<16xi32>, vector<16xi32>], vector<16xf32>,
          %parallel_loop3A_1037 = arith.constant 61 : i32
          %parallel_loop3A_1038 = vector.broadcast %parallel_loop3A_1037 : i32 to vector<16xi32>
          %parallel_loop3A_1039 = arith.subi %parallel_loop3A_1038, %parallel_loop3A_147 : vector<16xi32>
          %parallel_loop3A_1040 = arith.constant 63 : i32
          %parallel_loop3A_1041 = vector.broadcast %parallel_loop3A_1040 : i32 to vector<16xi32>
          %parallel_loop3A_1042 = arith.andi %parallel_loop3A_1039, %parallel_loop3A_1041 : vector<16xi32>
          %parallel_loop3A_1043 = arith.addi %parallel_loop3A_156, %parallel_loop3A_1042 : vector<16xi32>
          %parallel_loop3A_1044 = tpu.vector_load_idx %arg5[%parallel_loop3A_150, %parallel_loop3A_1043] : memref<500x128xf32, #tpu.memory_space<vmem>>[vector<16xi32>, vector<16xi32>], vector<16xf32>,
          %parallel_loop3A_1045 = arith.constant 62 : i32
          %parallel_loop3A_1046 = vector.broadcast %parallel_loop3A_1045 : i32 to vector<16xi32>
          %parallel_loop3A_1047 = arith.subi %parallel_loop3A_1046, %parallel_loop3A_147 : vector<16xi32>
          %parallel_loop3A_1048 = arith.constant 63 : i32
          %parallel_loop3A_1049 = vector.broadcast %parallel_loop3A_1048 : i32 to vector<16xi32>
          %parallel_loop3A_1050 = arith.andi %parallel_loop3A_1047, %parallel_loop3A_1049 : vector<16xi32>
          %parallel_loop3A_1051 = arith.addi %parallel_loop3A_156, %parallel_loop3A_1050 : vector<16xi32>
          %parallel_loop3A_1052 = tpu.vector_load_idx %arg5[%parallel_loop3A_150, %parallel_loop3A_1051] : memref<500x128xf32, #tpu.memory_space<vmem>>[vector<16xi32>, vector<16xi32>], vector<16xf32>,
          %parallel_loop3A_1053 = arith.constant 63 : i32
          %parallel_loop3A_1054 = vector.broadcast %parallel_loop3A_1053 : i32 to vector<16xi32>
          %parallel_loop3A_1055 = arith.subi %parallel_loop3A_1054, %parallel_loop3A_147 : vector<16xi32>
          %parallel_loop3A_1056 = arith.constant 63 : i32
          %parallel_loop3A_1057 = vector.broadcast %parallel_loop3A_1056 : i32 to vector<16xi32>
          %parallel_loop3A_1058 = arith.andi %parallel_loop3A_1055, %parallel_loop3A_1057 : vector<16xi32>
          %parallel_loop3A_1059 = arith.addi %parallel_loop3A_156, %parallel_loop3A_1058 : vector<16xi32>
          %parallel_loop3A_1060 = tpu.vector_load_idx %arg5[%parallel_loop3A_150, %parallel_loop3A_1059] : memref<500x128xf32, #tpu.memory_space<vmem>>[vector<16xi32>, vector<16xi32>], vector<16xf32>,
          %parallel_loop3A_1061 = arith.constant 16 : i32
          %parallel_loop3A_1062 = arith.muli %parallel_loop3A_141, %parallel_loop3A_1061 : i32
          %parallel_loop3A_1063 = arith.constant 56 : i32
          %parallel_loop3A_1064 = arith.index_cast %and3A_106 : i32 to index
          %parallel_loop3A_1065 = arith.index_cast %parallel_loop3A_1063 : i32 to index
          %parallel_loop3A_1066 = arith.index_cast %parallel_loop3A_1062 : i32 to index
          %parallel_loop3A_1067 = tpu.vector_load %arg7[%parallel_loop3A_1064, %parallel_loop3A_1065, %parallel_loop3A_1066] {strides = array<i32>} : memref<2x64x128xf32, #tpu.memory_space<vmem>>, vector<16xf32>,
          tpu.vector_store %arg7[%parallel_loop3A_1064, %parallel_loop3A_1065, %parallel_loop3A_1066], %parallel_loop3A_1004 {strides = array<i32>} : memref<2x64x128xf32, #tpu.memory_space<vmem>>, vector<16xf32>,
          %parallel_loop3A_1068 = arith.constant 16 : i32
          %parallel_loop3A_1069 = arith.muli %parallel_loop3A_141, %parallel_loop3A_1068 : i32
          %parallel_loop3A_1070 = arith.constant 57 : i32
          %parallel_loop3A_1071 = arith.index_cast %and3A_106 : i32 to index
          %parallel_loop3A_1072 = arith.index_cast %parallel_loop3A_1070 : i32 to index
          %parallel_loop3A_1073 = arith.index_cast %parallel_loop3A_1069 : i32 to index
          %parallel_loop3A_1074 = tpu.vector_load %arg7[%parallel_loop3A_1071, %parallel_loop3A_1072, %parallel_loop3A_1073] {strides = array<i32>} : memref<2x64x128xf32, #tpu.memory_space<vmem>>, vector<16xf32>,
          tpu.vector_store %arg7[%parallel_loop3A_1071, %parallel_loop3A_1072, %parallel_loop3A_1073], %parallel_loop3A_1012 {strides = array<i32>} : memref<2x64x128xf32, #tpu.memory_space<vmem>>, vector<16xf32>,
          %parallel_loop3A_1075 = arith.constant 16 : i32
          %parallel_loop3A_1076 = arith.muli %parallel_loop3A_141, %parallel_loop3A_1075 : i32
          %parallel_loop3A_1077 = arith.constant 58 : i32
          %parallel_loop3A_1078 = arith.index_cast %and3A_106 : i32 to index
          %parallel_loop3A_1079 = arith.index_cast %parallel_loop3A_1077 : i32 to index
          %parallel_loop3A_1080 = arith.index_cast %parallel_loop3A_1076 : i32 to index
          %parallel_loop3A_1081 = tpu.vector_load %arg7[%parallel_loop3A_1078, %parallel_loop3A_1079, %parallel_loop3A_1080] {strides = array<i32>} : memref<2x64x128xf32, #tpu.memory_space<vmem>>, vector<16xf32>,
          tpu.vector_store %arg7[%parallel_loop3A_1078, %parallel_loop3A_1079, %parallel_loop3A_1080], %parallel_loop3A_1020 {strides = array<i32>} : memref<2x64x128xf32, #tpu.memory_space<vmem>>, vector<16xf32>,
          %parallel_loop3A_1082 = arith.constant 16 : i32
          %parallel_loop3A_1083 = arith.muli %parallel_loop3A_141, %parallel_loop3A_1082 : i32
          %parallel_loop3A_1084 = arith.constant 59 : i32
          %parallel_loop3A_1085 = arith.index_cast %and3A_106 : i32 to index
          %parallel_loop3A_1086 = arith.index_cast %parallel_loop3A_1084 : i32 to index
          %parallel_loop3A_1087 = arith.index_cast %parallel_loop3A_1083 : i32 to index
          %parallel_loop3A_1088 = tpu.vector_load %arg7[%parallel_loop3A_1085, %parallel_loop3A_1086, %parallel_loop3A_1087] {strides = array<i32>} : memref<2x64x128xf32, #tpu.memory_space<vmem>>, vector<16xf32>,
          tpu.vector_store %arg7[%parallel_loop3A_1085, %parallel_loop3A_1086, %parallel_loop3A_1087], %parallel_loop3A_1028 {strides = array<i32>} : memref<2x64x128xf32, #tpu.memory_space<vmem>>, vector<16xf32>,
          %parallel_loop3A_1089 = arith.constant 16 : i32
          %parallel_loop3A_1090 = arith.muli %parallel_loop3A_141, %parallel_loop3A_1089 : i32
          %parallel_loop3A_1091 = arith.constant 60 : i32
          %parallel_loop3A_1092 = arith.index_cast %and3A_106 : i32 to index
          %parallel_loop3A_1093 = arith.index_cast %parallel_loop3A_1091 : i32 to index
          %parallel_loop3A_1094 = arith.index_cast %parallel_loop3A_1090 : i32 to index
          %parallel_loop3A_1095 = tpu.vector_load %arg7[%parallel_loop3A_1092, %parallel_loop3A_1093, %parallel_loop3A_1094] {strides = array<i32>} : memref<2x64x128xf32, #tpu.memory_space<vmem>>, vector<16xf32>,
          tpu.vector_store %arg7[%parallel_loop3A_1092, %parallel_loop3A_1093, %parallel_loop3A_1094], %parallel_loop3A_1036 {strides = array<i32>} : memref<2x64x128xf32, #tpu.memory_space<vmem>>, vector<16xf32>,
          %parallel_loop3A_1096 = arith.constant 16 : i32
          %parallel_loop3A_1097 = arith.muli %parallel_loop3A_141, %parallel_loop3A_1096 : i32
          %parallel_loop3A_1098 = arith.constant 61 : i32
          %parallel_loop3A_1099 = arith.index_cast %and3A_106 : i32 to index
          %parallel_loop3A_1100 = arith.index_cast %parallel_loop3A_1098 : i32 to index
          %parallel_loop3A_1101 = arith.index_cast %parallel_loop3A_1097 : i32 to index
          %parallel_loop3A_1102 = tpu.vector_load %arg7[%parallel_loop3A_1099, %parallel_loop3A_1100, %parallel_loop3A_1101] {strides = array<i32>} : memref<2x64x128xf32, #tpu.memory_space<vmem>>, vector<16xf32>,
          tpu.vector_store %arg7[%parallel_loop3A_1099, %parallel_loop3A_1100, %parallel_loop3A_1101], %parallel_loop3A_1044 {strides = array<i32>} : memref<2x64x128xf32, #tpu.memory_space<vmem>>, vector<16xf32>,
          %parallel_loop3A_1103 = arith.constant 16 : i32
          %parallel_loop3A_1104 = arith.muli %parallel_loop3A_141, %parallel_loop3A_1103 : i32
          %parallel_loop3A_1105 = arith.constant 62 : i32
          %parallel_loop3A_1106 = arith.index_cast %and3A_106 : i32 to index
          %parallel_loop3A_1107 = arith.index_cast %parallel_loop3A_1105 : i32 to index
          %parallel_loop3A_1108 = arith.index_cast %parallel_loop3A_1104 : i32 to index
          %parallel_loop3A_1109 = tpu.vector_load %arg7[%parallel_loop3A_1106, %parallel_loop3A_1107, %parallel_loop3A_1108] {strides = array<i32>} : memref<2x64x128xf32, #tpu.memory_space<vmem>>, vector<16xf32>,
          tpu.vector_store %arg7[%parallel_loop3A_1106, %parallel_loop3A_1107, %parallel_loop3A_1108], %parallel_loop3A_1052 {strides = array<i32>} : memref<2x64x128xf32, #tpu.memory_space<vmem>>, vector<16xf32>,
          %parallel_loop3A_1110 = arith.constant 16 : i32
          %parallel_loop3A_1111 = arith.muli %parallel_loop3A_141, %parallel_loop3A_1110 : i32
          %parallel_loop3A_1112 = arith.constant 63 : i32
          %parallel_loop3A_1113 = arith.index_cast %and3A_106 : i32 to index
          %parallel_loop3A_1114 = arith.index_cast %parallel_loop3A_1112 : i32 to index
          %parallel_loop3A_1115 = arith.index_cast %parallel_loop3A_1111 : i32 to index
          %parallel_loop3A_1116 = tpu.vector_load %arg7[%parallel_loop3A_1113, %parallel_loop3A_1114, %parallel_loop3A_1115] {strides = array<i32>} : memref<2x64x128xf32, #tpu.memory_space<vmem>>, vector<16xf32>,
          tpu.vector_store %arg7[%parallel_loop3A_1113, %parallel_loop3A_1114, %parallel_loop3A_1115], %parallel_loop3A_1060 {strides = array<i32>} : memref<2x64x128xf32, #tpu.memory_space<vmem>>, vector<16xf32>,
        } {sc.loop_unroll_factor = 2 : i64, sc.parallel_access}
        %mul3A_116 = arith.constant 8 : i32
        %mul3A_117 = arith.muli %shift_right_arithmetic3A_94, %mul3A_116 : i32
        %add3A_118 = arith.addi %mul3A_117, %scan3A_104 : i32
        %mul3A_119 = arith.constant 128 : i32
        %mul3A_120 = arith.muli %add3A_97, %mul3A_119 : i32
        %dma_start3A_121 = arith.constant 0 : i32
        %dma_start3A_122 = arith.constant 0 : i32
        %dma_start3A_123 = tpu.memref_slice %arg7[%and3A_106, %dma_start3A_121, %dma_start3A_122] : memref<2x64x128xf32, #tpu.memory_space<vmem>> -> memref<1x64x128xf32, #tpu.memory_space<vmem>>
        %dma_start3A_124 = tpu.memref_squeeze %dma_start3A_123 : memref<1x64x128xf32, #tpu.memory_space<vmem>> -> memref<64x128xf32, #tpu.memory_space<vmem>>
        %dma_start3A_125 = arith.constant 0 : i32
        %dma_start3A_126 = arith.constant 0 : i32
        %dma_start3A_127 = tpu.memref_slice %arg4[%add3A_118, %dma_start3A_125, %dma_start3A_126] : memref<200x64x16384xf32, #tpu.memory_space<hbm>> -> memref<1x64x16384xf32, #tpu.memory_space<hbm>>
        %dma_start3A_128 = tpu.memref_squeeze %dma_start3A_127 : memref<1x64x16384xf32, #tpu.memory_space<hbm>> -> memref<64x16384xf32, #tpu.memory_space<hbm>>
        %dma_start3A_129 = arith.constant 0 : i32
        %dma_start3A_130 = tpu.memref_slice %dma_start3A_128[%dma_start3A_129, %mul3A_120] : memref<64x16384xf32, #tpu.memory_space<hbm>> -> memref<64x128xf32, #tpu.memory_space<hbm>>
        %dma_start3A_131 = arith.constant 0 : i32
        %dma_start3A_132 = arith.constant 0 : i32
        %dma_start3A_133 = tpu.memref_slice %arg4[%add3A_118, %dma_start3A_131, %dma_start3A_132] : memref<200x64x16384xf32, #tpu.memory_space<hbm>> -> memref<1x64x16384xf32, #tpu.memory_space<hbm>>
        %dma_start3A_134 = tpu.memref_squeeze %dma_start3A_133 : memref<1x64x16384xf32, #tpu.memory_space<hbm>> -> memref<64x16384xf32, #tpu.memory_space<hbm>>
        %dma_start3A_135 = arith.constant 0 : i32
        %dma_start3A_136 = tpu.memref_slice %dma_start3A_134[%dma_start3A_135, %mul3A_120] : memref<64x16384xf32, #tpu.memory_space<hbm>> -> memref<64x128xf32, #tpu.memory_space<hbm>>
        %dma_start3A_137 = arith.constant 0 : i32
        %dma_start3A_138 = arith.constant 0 : i32
        %dma_start3A_139 = tpu.memref_slice %arg7[%and3A_106, %dma_start3A_137, %dma_start3A_138] : memref<2x64x128xf32, #tpu.memory_space<vmem>> -> memref<1x64x128xf32, #tpu.memory_space<vmem>>
        %dma_start3A_140 = tpu.memref_squeeze %dma_start3A_139 : memref<1x64x128xf32, #tpu.memory_space<vmem>> -> memref<64x128xf32, #tpu.memory_space<vmem>>
        tpu.enqueue_dma source(%dma_start3A_140 : memref<64x128xf32, #tpu.memory_space<vmem>>) target(%dma_start3A_136 : memref<64x128xf32, #tpu.memory_space<hbm>>) target_semaphore(%arg9 : memref<!tpu.dma_semaphore, #tpu.memory_space<semaphore_mem>>)
      }
      %scan3A_103 = arith.constant 8 : i32
    }
    %scan3A_23 = arith.constant 100 : i32
    %dma_wait3A = arith.constant 0 : i32
    %dma_wait3A_24 = arith.constant 0 : i32
    %dma_wait3A_25 = arith.constant 0 : i32
    %dma_wait3A_26 = arith.constant 0 : i32
    %dma_wait3A_27 = tpu.memref_slice %arg7[%dma_wait3A, %dma_wait3A_25, %dma_wait3A_26] : memref<2x64x128xf32, #tpu.memory_space<vmem>> -> memref<1x64x128xf32, #tpu.memory_space<vmem>>
    %dma_wait3A_28 = tpu.memref_squeeze %dma_wait3A_27 : memref<1x64x128xf32, #tpu.memory_space<vmem>> -> memref<64x128xf32, #tpu.memory_space<vmem>>
    %dma_wait3A_29 = arith.constant 0 : i32
    %dma_wait3A_30 = arith.constant 0 : i32
    %dma_wait3A_31 = tpu.memref_slice %arg4[%dma_wait3A_24, %dma_wait3A_29, %dma_wait3A_30] : memref<200x64x16384xf32, #tpu.memory_space<hbm>> -> memref<1x64x16384xf32, #tpu.memory_space<hbm>>
    %dma_wait3A_32 = tpu.memref_squeeze %dma_wait3A_31 : memref<1x64x16384xf32, #tpu.memory_space<hbm>> -> memref<64x16384xf32, #tpu.memory_space<hbm>>
    %dma_wait3A_33 = arith.constant 0 : i32
    %dma_wait3A_34 = arith.constant 0 : i32
    %dma_wait3A_35 = tpu.memref_slice %dma_wait3A_32[%dma_wait3A_33, %dma_wait3A_34] : memref<64x16384xf32, #tpu.memory_space<hbm>> -> memref<64x128xf32, #tpu.memory_space<hbm>>
    %dma_wait3A_36 = arith.constant 0 : i32
    %dma_wait3A_37 = arith.constant 0 : i32
    %dma_wait3A_38 = tpu.memref_slice %arg4[%dma_wait3A_24, %dma_wait3A_36, %dma_wait3A_37] : memref<200x64x16384xf32, #tpu.memory_space<hbm>> -> memref<1x64x16384xf32, #tpu.memory_space<hbm>>
    %dma_wait3A_39 = tpu.memref_squeeze %dma_wait3A_38 : memref<1x64x16384xf32, #tpu.memory_space<hbm>> -> memref<64x16384xf32, #tpu.memory_space<hbm>>
    %dma_wait3A_40 = arith.constant 0 : i32
    %dma_wait3A_41 = arith.constant 0 : i32
    %dma_wait3A_42 = tpu.memref_slice %dma_wait3A_39[%dma_wait3A_40, %dma_wait3A_41] : memref<64x16384xf32, #tpu.memory_space<hbm>> -> memref<64x128xf32, #tpu.memory_space<hbm>>
    %dma_wait3A_43 = arith.constant 0 : i32
    %dma_wait3A_44 = arith.constant 0 : i32
    %dma_wait3A_45 = tpu.memref_slice %arg7[%dma_wait3A, %dma_wait3A_43, %dma_wait3A_44] : memref<2x64x128xf32, #tpu.memory_space<vmem>> -> memref<1x64x128xf32, #tpu.memory_space<vmem>>
    %dma_wait3A_46 = tpu.memref_squeeze %dma_wait3A_45 : memref<1x64x128xf32, #tpu.memory_space<vmem>> -> memref<64x128xf32, #tpu.memory_space<vmem>>
    tpu.wait_dma2 semaphore(%arg9 : memref<!tpu.dma_semaphore, #tpu.memory_space<semaphore_mem>>) src(%dma_wait3A_46 : memref<64x128xf32, #tpu.memory_space<vmem>>) dst(%dma_wait3A_42 : memref<64x128xf32, #tpu.memory_space<hbm>>)
    %dma_wait3A_47 = arith.constant 1 : i32
    %dma_wait3A_48 = arith.constant 0 : i32
    %dma_wait3A_49 = arith.constant 0 : i32
    %dma_wait3A_50 = arith.constant 0 : i32
    %dma_wait3A_51 = tpu.memref_slice %arg7[%dma_wait3A_47, %dma_wait3A_49, %dma_wait3A_50] : memref<2x64x128xf32, #tpu.memory_space<vmem>> -> memref<1x64x128xf32, #tpu.memory_space<vmem>>
    %dma_wait3A_52 = tpu.memref_squeeze %dma_wait3A_51 : memref<1x64x128xf32, #tpu.memory_space<vmem>> -> memref<64x128xf32, #tpu.memory_space<vmem>>
    %dma_wait3A_53 = arith.constant 0 : i32
    %dma_wait3A_54 = arith.constant 0 : i32
    %dma_wait3A_55 = tpu.memref_slice %arg4[%dma_wait3A_48, %dma_wait3A_53, %dma_wait3A_54] : memref<200x64x16384xf32, #tpu.memory_space<hbm>> -> memref<1x64x16384xf32, #tpu.memory_space<hbm>>
    %dma_wait3A_56 = tpu.memref_squeeze %dma_wait3A_55 : memref<1x64x16384xf32, #tpu.memory_space<hbm>> -> memref<64x16384xf32, #tpu.memory_space<hbm>>
    %dma_wait3A_57 = arith.constant 0 : i32
    %dma_wait3A_58 = arith.constant 0 : i32
    %dma_wait3A_59 = tpu.memref_slice %dma_wait3A_56[%dma_wait3A_57, %dma_wait3A_58] : memref<64x16384xf32, #tpu.memory_space<hbm>> -> memref<64x128xf32, #tpu.memory_space<hbm>>
    %dma_wait3A_60 = arith.constant 0 : i32
    %dma_wait3A_61 = arith.constant 0 : i32
    %dma_wait3A_62 = tpu.memref_slice %arg4[%dma_wait3A_48, %dma_wait3A_60, %dma_wait3A_61] : memref<200x64x16384xf32, #tpu.memory_space<hbm>> -> memref<1x64x16384xf32, #tpu.memory_space<hbm>>
    %dma_wait3A_63 = tpu.memref_squeeze %dma_wait3A_62 : memref<1x64x16384xf32, #tpu.memory_space<hbm>> -> memref<64x16384xf32, #tpu.memory_space<hbm>>
    %dma_wait3A_64 = arith.constant 0 : i32
    %dma_wait3A_65 = arith.constant 0 : i32
    %dma_wait3A_66 = tpu.memref_slice %dma_wait3A_63[%dma_wait3A_64, %dma_wait3A_65] : memref<64x16384xf32, #tpu.memory_space<hbm>> -> memref<64x128xf32, #tpu.memory_space<hbm>>
    %dma_wait3A_67 = arith.constant 0 : i32
    %dma_wait3A_68 = arith.constant 0 : i32
    %dma_wait3A_69 = tpu.memref_slice %arg7[%dma_wait3A_47, %dma_wait3A_67, %dma_wait3A_68] : memref<2x64x128xf32, #tpu.memory_space<vmem>> -> memref<1x64x128xf32, #tpu.memory_space<vmem>>
    %dma_wait3A_70 = tpu.memref_squeeze %dma_wait3A_69 : memref<1x64x128xf32, #tpu.memory_space<vmem>> -> memref<64x128xf32, #tpu.memory_space<vmem>>
    tpu.wait_dma2 semaphore(%arg9 : memref<!tpu.dma_semaphore, #tpu.memory_space<semaphore_mem>>) src(%dma_wait3A_70 : memref<64x128xf32, #tpu.memory_space<vmem>>) dst(%dma_wait3A_66 : memref<64x128xf32, #tpu.memory_space<hbm>>)
    return
  }
}

</mosaic_0001>

<sc_bundles>
// kernel: gather_offload_async_start
scs
__scs_entry_jumppad:
0x0: {  	(pc) =	sbr.rel $0x88, $3  }
0x1: {  	(tag) =	ssettag $0x0;
	lr =	simm.s32 $0x1  }
0x2: {  	[smem:$0x3F9F] =	sst lr;
	_ =	strace $0xD0000000  }
0x3: {  	_ = 	snop  }
0x4: {  	_ = 	snop  }
0x5: {  	_ = 	snop  }
0x6: {  	_ = 	snop  }
0x7: {  	_ = 	snop  }
__scs_overlays_trampoline_lowered:
0x8: {  	[smem:$0x3FAE] =	sst s0  }
0x9: {  	[smem:$0x3FAF] =	sst s1  }
0xa: {  	[smem:$0x3FB0] =	sst s2  }
0xb: {  	[smem:$0x3FB1] =	sst s3  }
0xc: {  	[smem:$0x3FB2] =	sst s4  }
0xd: {  	[smem:$0x3FB3] =	sst s5  }
0xe: {  	[smem:$0x3FB4] =	sst s6  }
0xf: {  	[smem:$0x3FB5] =	sst s7  }
0x10: {  	[smem:$0x3FB6] =	sst s8  }
0x11: {  	[smem:$0x3FB7] =	sst s9;
	s0 =	simm.s32 @!p0 $0x0  }
0x12: {  	s1 =	sld [smem:$0x3F9D];
	s0 =	simm.s32 @p0 $0x1  }
0x13: {  	[smem:$0x3FB8] =	sst s0;
	s0 =	simm.s32 @!p1 $0x0  }
0x14: {  	s2 =	sld [smem:$0x3F9C];
	s0 =	simm.s32 @p1 $0x1  }
0x15: {  	[smem:$0x3FB9] =	sst s0;
	s0 =	simm.s32 @!p2 $0x0  }
0x16: {  	s3 =	sld [smem:$0x3FDB];
	s0 =	simm.s32 @p2 $0x1  }
0x17: {  	s4 =	simm.s32 $0x1BF5;
	[smem:$0x3FBB] =	sst s0  }
0x18: {  	s0 =	sld [smem:$0x3F9E];
	_ =	swait.ge [sflag:s4], $0x0  }
0x19: {  	s7 =	sld [smem:$0x3F9F]  }
0x1a: {  	s8 =	sadd.s32 $0xFFFFE003, lr  }
0x1b: {  	s9 =	sadd.s32 $0xFFFFFEF7, lr;
	s5 =	simm.s32 $0xFFFFFFFF;
	p2 =	slt.u32 s8, $0xFFFFF086  }
0x1c: {  	p1 =	slt.u32 s9, $0xF7A;
	s5 =	simm.s32 @!p2 $0x0  }
0x1d: {  	s5 =	simm.s32 @p1 $0x1;
	p0 =	seq.s32 s7, s2  }
0x1e: {  	s7 =	smul.u32 @!p0 $0xF7A, s2;
	p2 =	seq.s32 @!p0 s5, $0x0  }
0x1f: {  	s9 =	smul.u32 $0xF7A, s1;
	s8 =	simm.s32 @!p0 $0x1BF5;
	p2 =	por !p2, p0  }
0x20: {  	[sflag:s8] =	ssyncset.s32 @!p0 $0xFFFFF086;
	s6 =	sadd.s32 @!p0 s3, s7;
	s7 =	simm.s32 @!p0 $0x108  }
0x21: {  	s3 =	sadd.s32 s3, s9;
	s6 =	sadd.s32 @!p0 $0x88, s6;
	s7 =	simm.s32 @p2 $0x1082  }
0x22: {  	[simem:s7], [sflag:s8] =	dma.local @!p0 [hbm:s6], $0xF7A  }
0x23: {  	s9 =	sor.u32 $0xD0000000, s2;
	s6 =	simm.s32 $0x108;
	_ =	swait.ge @!p0 [sflag:s8], $0x0  }
0x24: {  	s3 =	sadd.s32 $0x88, s3;
	s6 =	simm.s32 @!p1 $0x1082;
	[sflag:s4] =	ssyncset.s32 $0xFFFFF086  }
0x25: {  	[simem:s6], [sflag:s4] =	dma.local [hbm:s3], $0xF7A  }
0x26: {  	[smem:$0x3F9F] =	sst s1;
	(tag) =	ssettag s2;
	_ =	strace s9  }
0x27: {  	s1 =	sld [smem:$0x3FAF]  }
0x28: {  	s2 =	sld [smem:$0x3FB0]  }
0x29: {  	s4 =	sld [smem:$0x3FB2]  }
0x2a: {  	p0 =	seq.s32 s5, $0x0;
	s5 =	sld [smem:$0x3FB3]  }
0x2b: {  	s6 =	sld [smem:$0x3FB4]  }
0x2c: {  	s7 =	sld [smem:$0x3FB5]  }
0x2d: {  	s3 =	simm.s32 $0x108;
	s8 =	sld [smem:$0x3FB6]  }
0x2e: {  	s3 =	simm.s32 @!p0 $0x1082;
	s9 =	sld [smem:$0x3FB7]  }
0x2f: {  	lr =	sadd.s32 s0, s3;
	s0 =	sld [smem:$0x3FAE]  }
0x30: {  	s3 =	sld [smem:$0x3FB1]  }
0x31: {  	[smem:$0x3FBA] =	sst s10  }
0x32: {  	s10 =	sld [smem:$0x3FB8];
	_ =	sdelay $0x3  }
0x33: {  	p0 =	seq.s32 s10, $0x1;
	s10 =	sld [smem:$0x3FBA];
	_ =	sdelay $0x3  }
0x34: {  	[smem:$0x3FBA] =	sst s10  }
0x35: {  	s10 =	sld [smem:$0x3FB9];
	_ =	sdelay $0x3  }
0x36: {  	p1 =	seq.s32 s10, $0x1;
	s10 =	sld [smem:$0x3FBA];
	_ =	sdelay $0x3  }
0x37: {  	[smem:$0x3FBA] =	sst s10  }
0x38: {  	s10 =	sld [smem:$0x3FBB]  }
0x39: {  	_ = 	snop;
	(pc) =	sbr.ind lr, $3  }
0x3a: {  	_ = 	snop  }
0x3b: {  	_ = 	snop  }
0x3c: {  	p2 =	seq.s32 s10, $0x1;
	s10 =	sld [smem:$0x3FBA]  }
0x3d: {  	_ =	shalt  }
0x3e: {  	_ =	shalt  }
0x3f: {  	_ =	shalt  }
0x40: {  	_ =	shalt  }
0x41: {  	_ =	shalt  }
0x42: {  	_ =	shalt  }
0x43: {  	_ =	shalt  }
0x44: {  	_ =	shalt  }
0x45: {  	_ =	shalt  }
0x46: {  	_ =	shalt  }
0x47: {  	_ =	shalt  }
0x48: {  	_ =	shalt  }
0x49: {  	_ =	shalt  }
0x4a: {  	_ =	shalt  }
0x4b: {  	_ =	shalt  }
0x4c: {  	_ =	shalt  }
0x4d: {  	_ =	shalt  }
0x4e: {  	_ =	shalt  }
0x4f: {  	_ =	shalt  }
0x50: {  	_ =	shalt  }
0x51: {  	_ =	shalt  }
0x52: {  	_ =	shalt  }
0x53: {  	_ =	shalt  }
0x54: {  	_ =	shalt  }
0x55: {  	_ =	shalt  }
0x56: {  	_ =	shalt  }
0x57: {  	_ =	shalt  }
0x58: {  	_ =	shalt  }
0x59: {  	_ =	shalt  }
0x5a: {  	_ =	shalt  }
0x5b: {  	_ =	shalt  }
0x5c: {  	_ =	shalt  }
0x5d: {  	_ =	shalt  }
0x5e: {  	_ =	shalt  }
0x5f: {  	_ =	shalt  }
0x60: {  	_ =	shalt  }
0x61: {  	_ =	shalt  }
0x62: {  	_ =	shalt  }
0x63: {  	_ =	shalt  }
0x64: {  	_ =	shalt  }
0x65: {  	_ =	shalt  }
0x66: {  	_ =	shalt  }
0x67: {  	_ =	shalt  }
0x68: {  	_ =	shalt  }
0x69: {  	_ =	shalt  }
0x6a: {  	_ =	shalt  }
0x6b: {  	_ =	shalt  }
0x6c: {  	_ =	shalt  }
0x6d: {  	_ =	shalt  }
0x6e: {  	_ =	shalt  }
0x6f: {  	_ =	shalt  }
0x70: {  	_ =	shalt  }
0x71: {  	_ =	shalt  }
0x72: {  	_ =	shalt  }
0x73: {  	_ =	shalt  }
0x74: {  	_ =	shalt  }
0x75: {  	_ =	shalt  }
0x76: {  	_ =	shalt  }
0x77: {  	_ =	shalt  }
0x78: {  	_ =	shalt  }
0x79: {  	_ =	shalt  }
0x7a: {  	_ =	shalt  }
0x7b: {  	_ =	shalt  }
0x7c: {  	_ =	shalt  }
0x7d: {  	_ =	shalt  }
0x7e: {  	_ =	shalt  }
0x7f: {  	_ =	shalt  }
0x80: {  	_ =	shalt  }
0x81: {  	_ =	shalt  }
0x82: {  	_ =	shalt  }
0x83: {  	_ =	shalt  }
0x84: {  	_ =	shalt  }
0x85: {  	_ =	shalt  }
0x86: {  	_ =	shalt  }
0x87: {  	_ =	shalt  }
.Lfunc_end0:
.L_simem_size_0:
called_computation_lowered:
.L_overlay_start_0:
0x88: {  	s2 =	sld [smem:$0x3FD9]  }
0x89: {  	s3 =	sld [smem:$0x3FFE];
	_ =	sdelay $0x1  }
0x8a: {  	s1 =	srdreg.scid  }
0x8b: {  	s0 =	sand.u32 $0x1, s1  }
0x8c: {  	s17 =	sshll.u32 s0, $0xA;
	s2 =	sadd.s32 s3, s2  }
0x8d: {  	s2 =	sadd.s32 s2, s17  }
0x8e: {  	[smem:$0x3FC6] =	sst s2  }
0x8f: {  	_ = 	snop  }
0x90: {  	s2 =	sld [smem:$0x3FC8]  }
0x91: {  	s18 =	sld [smem:$0x3FD0];
	(tm) =	ssettm $0x1  }
0x92: {  	s4 =	sld [smem:$0x3FFB];
	_ =	sdelay $0x3  }
0x93: {  	_ =	strace s4  }
0x94: {  	s4 =	sld [smem:$0x3FFC];
	_ =	sdelay $0x3  }
0x95: {  	_ =	strace s4  }
0x96: {  	s4 =	sld [smem:$0x3FFD];
	_ =	sdelay $0x3  }
0x97: {  	_ =	strace s4  }
0x98: {  	_ =	strace $0x8FFFFFFF  }
0x99: {  	s19 =	sld [smem:$0x3FDB];
	_ =	sdelay $0x1  }
0x9a: {  	s5 =	simm.s32 $_scs_section_size  }
0x9b: {  	s6 =	simm.s32 $_size__tile_overlayer_lowered;
	s7 =	simm.s32 $_tile_overlayer_lowered  }
0x9c: {  	s22 =	simm.s32 $0x1BFF;
	s21 =	sshll.u32 s7, $0x1;
	s4 =	sadd.s32 s5, s19  }
0x9d: {  	s8 =	simm.s32 $0x0;
	s20 =	sshll.u32 s6, $0x1;
	s6 =	sadd.s32 s21, s4  }
0x9e: {  	[timem:s8], [sflag:s22] =	dma.local [hbm:s6], s20  }
0x9f: {  	_ =	swait.ge [sflag:s22], s20  }
0xa0: {  	s5 =	ssub.s32 $0x0, s20;
	[sflag:s22] =	ssyncset.done $0x0  }
0xa1: {  	[sflag:s22] =	ssyncadd.s32 s5;
	_ =	sdelay $0x1  }
0xa2: {  	s23 =	simm.s32 $0x1B8B  }
0xa3: {  	_ =	swait.ge [sflag:s23], $0x1  }
0xa4: {  	[sflag:s23] =	ssyncset.done $0x0  }
0xa5: {  	s25 =	simm.s32 $0x1B8E;
	s24 =	sld [smem:$0x3FFE];
	[sflag:s23] =	ssyncadd.s32 $0xFFFFFFFF  }
0xa6: {  	s26 =	simm.s32 $execute0_lowered;
	[smem:$0x3FD2] =	sst s25  }
0xa7: {  	s6 =	sshll.u32 s26, $0x1;
	_ =	strace $0x80000046;
	[dreg:$0x1] =	wrdreg $0xFFFFFFFF  }
0xa8: {  	s28 =	simm.s32 $_size_execute0_lowered;
	s4 =	sadd.s32 s4, s6;
	[dreg:$0x0] =	wrdreg $0x0  }
0xa9: {  	s6 =	sshll.u32 s28, $0x1;
	[dreg:$0x2] =	wrdreg s4  }
0xaa: {  	[dreg:$0x3] =	wrdreg s6  }
0xab: {  	[dreg:$0x4] =	wrdreg $0xC0  }
0xac: {  	_ =	task [dreg:s8], $0x5FFFF  }
0xad: {  	[dreg:$0x1] =	wrdreg $0xFFFFFFFF  }
0xae: {  	[dreg:$0x0] =	wrdreg $0x60  }
0xaf: {  	[dreg:$0x2] =	wrdreg s2  }
0xb0: {  	[dreg:$0x3] =	wrdreg s18  }
0xb1: {  	[dreg:$0x4] =	wrdreg s24  }
0xb2: {  	[dreg:$0x5] =	wrdreg $0x9  }
0xb3: {  	_ =	task.clear_ibuf [dreg:s8], $0x6FFFF;
	_ =	strace $0x90000046  }
0xb4: {  	s29 =	simm.s32 $0x9;
	_ =	strace $0x80000048  }
0xb5: {  	_ =	swait.ge [sflag:s29], $0x1  }
0xb6: {  	[sflag:s29] =	ssyncadd.s32 $0xFFFFFFFF  }
0xb7: {  	_ =	strace $0x90000048  }
0xb8: {  	_ =	sfence  }
0xb9: {  	s30 =	sld [smem:$0x0];
	_ =	sdelay $0x2  }
0xba: {  	s31 =	sshll.u32 s1, $0xD;
	s1 =	sshrl.u32 s1, $0x2  }
0xbb: {  	s3 =	sand.u32 $0x4000, s31;
	s1 =	sadd.s32 s1, s30  }
0xbc: {  	s0 =	sor.u32 s3, s0;
	s1 =	sshll.u32 s1, $0x11  }
0xbd: {  	s0 =	sor.u32 s1, s0  }
0xbe: {  	s0 =	sadd.s32 $0x8F2B, s0  }
0xbf: {  	[sflag:s0] =	ssyncadd.remote.s32 $0x1  }
0xc0: {  	_ =	sfence.sel $0xFFFF  }
0xc1: {  	[dreg:$0x0] =	wrdreg $0xFFFFFFFF;
	(pc) =	sbr.abs _section_cstart, $3  }
0xc2: {  	[dreg:$0x1] =	wrdreg $0xFFFFFFFF  }
0xc3: {  	_ =	task.clear_ibuf [dreg:s8], $0x2FFFF;
	_ =	strace $0x9FFFFFFF  }
0xc4: {  	(tm) =	ssettm $0x7FFFFFFF  }
0xc5: {  	_ =	shalt  }
tec
execute0_lowered:
.L_overlay_start_1:
0x0: {  	(tag) =	ssettag $0x1  }
0x1: {  	s2 =	rddreg [dreg:$0x0]  }
0x2: {  	s3 =	rddreg [dreg:$0x1]  }
0x3: {  	s0 =	stileid.u32;
	s1 =	srdreg.scid  }
0x4: {  	s8 =	rddreg [dreg:$0x2];
	s9 =	simm.s32 $0x1;
	s10 =	simm.s32 $0x3  }
0x5: {  	s13 =	simm.s32 $0x0;
	s4 =	sand.u32 $0x1, s1;
	s5 =	sshll.u32 s0, $0x1  }
0x6: {  	s12 =	simm.s32 $0x0;
	s1 =	rddreg [dreg:$0x3];
	s6 =	sor.u32 s5, s4  }
0x7: {  	_ =	strace $0x80000047;
	s8 =	sadd.s32 $0x2A00, s8;
	s4 =	smul.u32 $0x640, s6  }
0x8: {  	s5 =	simm.s32 $0x1;
	p0 =	slt.u32 s6, $0x9;
	s6 =	simm.s32 $0xC800  }
.Ltmp0:
0x9: {  	s6 =	simm.s32 @!p0 $0x0;
	s7 =	ssub.s32 $0xFA00, s4;
	(pc) =	sbr.rel .LBB2_1-.Ltmp0, $4  }
0xa: {  	s9 =	simm.s32 @!p0 $0x0;
	p0 =	sne.s32 s7, s6;
	s7 =	simm.s32 $0x1  }
0xb: {  	[sflag:s5] =	ssyncpa.u1 $0x0;
	s6 =	simm.s32 $0x2;
	s7 =	simm.s32 @!p0 $0x0  }
0xc: {  	s11 =	smov.u32 s4;
	[sflag:s6] =	ssyncpa.u1 $0x0;
	s7 =	sadd.s32 s9, s7  }
0xd: {  	vm0 =	vmmov $0xffff;
	[sflag:s10] =	ssyncpa.u1 $0x0;
	s10 =	simm.s32 $0x0;
	s9 =	sadd.s32 $0x1, s7  }
.LBB2_4:
0xe: {  	vm1 =	veq.s32 v0, $0x80000000;
	v63 =	vand.u32 $0x3FF, v0;
	v2 =	vand.u32 $0x3F, v2  }
0xf: {  	v0 =	vsel vm1, $0xFFFFFFFF, v63;
	v2 =	vsel vm1, $0xFFFFFFFF, v2  }
0x10: {  	v3 =	vshll.u32 v2, $0xA;
	v4 =	vshll.u32 v0, $0x3  }
0x11: {  	v2 =	vshll.u32 v2, $0x7;
	v3 =	vand.u32 $0xFFFFE000, v3;
	v4 =	vand.u32 $0xFFFFFC00, v4  }
0x12: {  	v2 =	vand.u32 $0x380, v2;
	v3 =	vadd.s32 v4, v3  }
0x13: {  	v0 =	vand.u32 $0x7F, v0;
	v2 =	vor.u32 v2, v3  }
0x14: {  	v0 =	vor.u32 v0, v2;
	_ =	sdelay $0x1  }
0x15: {  	(ifvalue) =	ssetifvalue $0x7FFFFFFF;
	s15 =	sadd.s32 $0x10, s15  }
0x16: {  	[tilespmem:s15], [sflag:$0x1] =	stream.indirect_vreg.gather [hbm4b:s2+s10], $0x1, v1, vm0, $0x4038;
	[tilespmem:$0x1900] =	vst v63  }
0x17: {  	(ifvalue) =	ssetifvalue $0x7FFFFFFF;
	s15 =	sadd.s32 $0x10, s15  }
0x18: {  	[tilespmem:s15], [sflag:$0x1] =	stream.indirect_vreg.gather [hbm4b:s2+s10], $0x1, v0, vm0, $0x4038;
	[tilespmem:$0x1900] =	vst v63  }
0x19: {  	_ =	swait.ge [sflag:s5], $0x640  }
0x1a: {  	s30 =	sshrl.u32 s13, $0x3;
	[sflag:s5] =	ssyncset.done $0x0  }
0x1b: {  	s31 =	sand.u32 $0x7, s13;
	s15 =	sadd.s32 s8, s30;
	[sflag:s5] =	ssyncadd.s32 $0xFFFFF9C0  }
0x1c: {  	[hbm4b:s15+s31] =	stream.linear.scatter [tilespmem:s14], [sflag:$0x3], $0x640, $0x38;
	[tilespmem:$0x1900] =	vst v63  }
.LBB2_5:
0x1d: {  	s15 =	sadd.s32 $0xC800, s11  }
0x1e: {  	p1 =	sgt.s32 s15, $0xF9FF  }
0x1f: {  	s15 =	smov.u32 @p1 s4;
	p1 =	sne.s32 s12, s9  }
.Ltmp1:
0x20: {  	p0 =	slt.u32 s12, $0x2;
	(pc) =	sbr.rel @!p1 .LBB2_6-.Ltmp1, $4  }
0x21: {  	s14 =	simm.s32 @!p0 $0x3  }
0x22: {  	_ =	swait.ge @!p0 [sflag:s14], $0x640  }
0x23: {  	s16 =	sadd.s32 $0x1, s12;
	s13 =	smov.u32 s11;
	[sflag:s14] =	ssyncset.done @!p0 $0x0  }
0x24: {  	s12 =	smov.u32 s16;
	s11 =	smov.u32 s15;
	[sflag:s14] =	ssyncadd.s32 @!p0 $0xFFFFF9C0  }
.LBB2_1:
0x25: {  	p0 =	sge.u32 s12, s7  }
0x26: {  	s14 =	sxor.u32 @!p0 $0x1, s12  }
0x27: {  	s14 =	smul.u32 @!p0 $0x1900, s14  }
0x28: {  	s31 =	sadd.s32 $0xFFFFFFFF, s12;
	s15 =	sshrl.u32 @!p0 s11, $0x3  }
0x29: {  	s16 =	sand.u32 @!p0 $0x7, s11;
	s15 =	sadd.s32 @!p0 s3, s15;
	s14 =	sshra.s32 @!p0 s14, $0x2  }
0x2a: {  	[tilespmem:s14], [sflag:$0x2] =	stream.linear.gather @!p0 [hbm4b:s15+s16], $0x640, $0x38;
	[tilespmem:$0x1900] =	vst v63  }
0x2b: {  	p0 =	sge.u32 s31, s7  }
.Ltmp2:
0x2c: {  	_ = 	snop;
	(pc) =	sbr.rel @p0 .LBB2_5-.Ltmp2, $1  }
0x2d: {  	_ =	sdelay $0x3  }
0x2e: {  	s14 =	sand.u32 $0x1, s12  }
0x2f: {  	_ =	swait.ge [sflag:s6], $0x640;
	p0 =	seq.s32 s14, $0x1;
	s14 =	simm.s32 $0x640  }
0x30: {  	[sflag:s6] =	ssyncset.done $0x0;
	s14 =	simm.s32 @!p0 $0x0  }
0x31: {  	[sflag:s6] =	ssyncadd.s32 $0xFFFFF9C0;
	(ifvalue) =	ssetifvalue $0x7FFFFFFF;
	v0 =	vld.msk [tilespmem:s14+$0x0 ss:$0x1], $0xffff;
	_ =	sdelay $0x4  }
0x32: {  	s15 =	sadd.s32 $0x10, s14;
	v1 =	vshrl.u32 v0, $0xA  }
0x33: {  	v2 =	vld.msk [tilespmem:s15+$0x0 ss:$0x1], $0xffff;
	vm1 =	veq.s32 v0, $0x80000000;
	v0 =	vand.u32 $0x3FF, v0;
	v1 =	vand.u32 $0x3F, v1  }
0x34: {  	v0 =	vsel vm1, $0xFFFFFFFF, v0;
	v1 =	vsel vm1, $0xFFFFFFFF, v1  }
0x35: {  	v4 =	vshll.u32 v0, $0x3;
	v3 =	vshll.u32 v1, $0xA  }
0x36: {  	v4 =	vand.u32 $0xFFFFFC00, v4;
	v1 =	vshll.u32 v1, $0x7;
	v3 =	vand.u32 $0xFFFFE000, v3  }
0x37: {  	v0 =	vand.u32 $0x7F, v0;
	v1 =	vand.u32 $0x380, v1;
	v3 =	vadd.s32 v4, v3  }
0x38: {  	vm1 =	veq.s32 v2, $0x80000000;
	v1 =	vor.u32 v1, v3;
	v3 =	vshrl.u32 v2, $0xA  }
0x39: {  	s15 =	sadd.s32 $0x10, s15;
	v2 =	vand.u32 $0x3FF, v2;
	v1 =	vor.u32 v0, v1;
	v3 =	vand.u32 $0x3F, v3  }
0x3a: {  	v0 =	vld.msk [tilespmem:s15+$0x0 ss:$0x1], $0xffff;
	v2 =	vsel vm1, $0xFFFFFFFF, v2;
	v3 =	vsel vm1, $0xFFFFFFFF, v3  }
0x3b: {  	v5 =	vshll.u32 v2, $0x3;
	v63 =	vshll.u32 v3, $0xA  }
0x3c: {  	v5 =	vand.u32 $0xFFFFFC00, v5;
	v3 =	vshll.u32 v3, $0x7;
	v4 =	vand.u32 $0xFFFFE000, v63  }
0x3d: {  	s14 =	sadd.s32 $0xC80, s14;
	(ifvalue) =	ssetifvalue $0x7FFFFFFF;
	v3 =	vand.u32 $0x380, v3;
	v4 =	vadd.s32 v5, v4  }
0x3e: {  	[tilespmem:s14], [sflag:$0x1] =	stream.indirect_vreg.gather [hbm4b:s2+s10], $0x1, v1, vm0, $0x4038;
	v1 =	vand.u32 $0x7F, v2;
	v3 =	vor.u32 v3, v4;
	[tilespmem:$0x1900] =	vst v63  }
0x3f: {  	s16 =	simm.s32 $0x20;
	s17 =	sadd.s32 $0x10, s15;
	s15 =	smov.u32 s14;
	v2 =	vshrl.u32 v0, $0xA;
	v1 =	vor.u32 v1, v3  }
.LBB2_3:
0x40: {  	s16 =	sadd.s32 $0x10, s16;
	vm1 =	veq.s32 v0, $0x80000000;
	v3 =	vand.u32 $0x3FF, v0;
	v0 =	vld.msk [tilespmem:s17+$0x0 ss:$0x1], $0xffff;
	v2 =	vand.u32 $0x3F, v2  }
0x41: {  	p0 =	slt.u32 s16, $0x630;
	v3 =	vsel vm1, $0xFFFFFFFF, v3;
	v2 =	vsel vm1, $0xFFFFFFFF, v2  }
.Ltmp3:
0x42: {  	v4 =	vshll.u32 v2, $0xA;
	v5 =	vshll.u32 v3, $0x3;
	(pc) =	sbr.rel @p0 .LBB2_3-.Ltmp3, $4  }
0x43: {  	s15 =	sadd.s32 $0x10, s15;
	v2 =	vshll.u32 v2, $0x7;
	v4 =	vand.u32 $0xFFFFE000, v4;
	v5 =	vand.u32 $0xFFFFFC00, v5;
	(ifvalue) =	ssetifvalue $0x7FFFFFFF  }
0x44: {  	v2 =	vand.u32 $0x380, v2;
	v4 =	vadd.s32 v5, v4;
	[tilespmem:s15], [sflag:$0x1] =	stream.indirect_vreg.gather [hbm4b:s2+s10], $0x1, v1, vm0, $0x4038;
	[tilespmem:$0x1900] =	vst v63  }
0x45: {  	v1 =	vand.u32 $0x7F, v3;
	v3 =	vor.u32 v2, v4  }
0x46: {  	s17 =	sadd.s32 $0x10, s17;
	v2 =	vshrl.u32 v0, $0xA;
	v1 =	vor.u32 v1, v3  }
.Ltmp4:
0x47: {  	_ = 	snop;
	(pc) =	sbr.rel .LBB2_4-.Ltmp4, $1  }
0x48: {  	_ =	sdelay $0x3  }
.LBB2_6:
0x49: {  	_ =	sfence.sel $0x180000  }
0x4a: {  	s2 =	simm.s32 $0x2;
	[bflag:$0x0] =	sbarrier.arrive $0xFFFF  }
0x4b: {  	s30 =	simm.s32 $0x3;
	[sflag:s2] =	ssyncpa.u1 $0x1  }
0x4c: {  	s31 =	simm.s32 $0x1;
	[sflag:s30] =	ssyncpa.u1 $0x1  }
0x4d: {  	[sflag:s31] =	ssyncpa.u1 $0x1  }
0x4e: {  	p0 =	sne.s32 s0, $0x0;
	_ =	strace $0x90000047  }
0x4f: {  	s0 =	sadd.s32 @!p0 $0x100000, s1;
	[bflag:$0x2] =	sbarrier.arrive $0xFFFF  }
0x50: {  	[sflag:s0] =	ssyncadd.tile.s32 @!p0 $0x1;
	_ =	shalt  }
.Lfunc_end2:
_tile_overlayer_lowered:
.L_overlay_start_2:
0x51: {  	(tag) =	ssettag $0x2  }
0x52: {  	s0 =	rddreg [dreg:$0x0];
	s2 =	stileid.u32  }
0x53: {  	s1 =	rddreg [dreg:$0x1];
	p0 =	sne.s32 s2, $0x0  }
0x54: {  	s3 =	rddreg [dreg:$0x2];
	[bflag:$0x3] =	sbarrier.arrive $0xFFFF;
	s2 =	simm.s32 @!p0 $0x1C01  }
0x55: {  	[timem:s3], [sflag:s2] =	dma.local @!p0 [hbm:s0], s1  }
0x56: {  	s0 =	simm.s32 @!p0 $0x1  }
0x57: {  	_ =	swait.ge @!p0 [sflag:s0], s1  }
0x58: {  	s1 =	ssub.s32 @!p0 $0x0, s1;
	[sflag:s0] =	ssyncset.done @!p0 $0x0  }
0x59: {  	[sflag:s0] =	ssyncadd.s32 @!p0 s1  }
0x5a: {  	[bflag:$0x3] =	sbarrier.arrive $0xFFFF  }
0x5b: {  	_ =	shalt  }

// kernel: kernel.3.cloned.1.call-start
scs
__scs_entry_jumppad:
0x0: {  	(pc) =	sbr.rel $0x88, $3  }
0x1: {  	(tag) =	ssettag $0x0;
	lr =	simm.s32 $0x1  }
0x2: {  	[smem:$0x3F9F] =	sst lr;
	_ =	strace $0xD0000000  }
0x3: {  	_ = 	snop  }
0x4: {  	_ = 	snop  }
0x5: {  	_ = 	snop  }
0x6: {  	_ = 	snop  }
0x7: {  	_ = 	snop  }
__scs_overlays_trampoline_lowered:
0x8: {  	[smem:$0x3FAE] =	sst s0  }
0x9: {  	[smem:$0x3FAF] =	sst s1  }
0xa: {  	[smem:$0x3FB0] =	sst s2  }
0xb: {  	[smem:$0x3FB1] =	sst s3  }
0xc: {  	[smem:$0x3FB2] =	sst s4  }
0xd: {  	[smem:$0x3FB3] =	sst s5  }
0xe: {  	[smem:$0x3FB4] =	sst s6  }
0xf: {  	[smem:$0x3FB5] =	sst s7  }
0x10: {  	[smem:$0x3FB6] =	sst s8  }
0x11: {  	[smem:$0x3FB7] =	sst s9;
	s0 =	simm.s32 @!p0 $0x0  }
0x12: {  	s1 =	sld [smem:$0x3F9D];
	s0 =	simm.s32 @p0 $0x1  }
0x13: {  	[smem:$0x3FB8] =	sst s0;
	s0 =	simm.s32 @!p1 $0x0  }
0x14: {  	s2 =	sld [smem:$0x3F9C];
	s0 =	simm.s32 @p1 $0x1  }
0x15: {  	[smem:$0x3FB9] =	sst s0;
	s0 =	simm.s32 @!p2 $0x0  }
0x16: {  	s3 =	sld [smem:$0x3FDB];
	s0 =	simm.s32 @p2 $0x1  }
0x17: {  	s4 =	simm.s32 $0x1BF5;
	[smem:$0x3FBB] =	sst s0  }
0x18: {  	s0 =	sld [smem:$0x3F9E];
	_ =	swait.ge [sflag:s4], $0x0  }
0x19: {  	s7 =	sld [smem:$0x3F9F]  }
0x1a: {  	s8 =	sadd.s32 $0xFFFFE003, lr  }
0x1b: {  	s9 =	sadd.s32 $0xFFFFFEF7, lr;
	s5 =	simm.s32 $0xFFFFFFFF;
	p2 =	slt.u32 s8, $0xFFFFF086  }
0x1c: {  	p1 =	slt.u32 s9, $0xF7A;
	s5 =	simm.s32 @!p2 $0x0  }
0x1d: {  	s5 =	simm.s32 @p1 $0x1;
	p0 =	seq.s32 s7, s2  }
0x1e: {  	s7 =	smul.u32 @!p0 $0xF7A, s2;
	p2 =	seq.s32 @!p0 s5, $0x0  }
0x1f: {  	s9 =	smul.u32 $0xF7A, s1;
	s8 =	simm.s32 @!p0 $0x1BF5;
	p2 =	por !p2, p0  }
0x20: {  	[sflag:s8] =	ssyncset.s32 @!p0 $0xFFFFF086;
	s6 =	sadd.s32 @!p0 s3, s7;
	s7 =	simm.s32 @!p0 $0x108  }
0x21: {  	s3 =	sadd.s32 s3, s9;
	s6 =	sadd.s32 @!p0 $0x88, s6;
	s7 =	simm.s32 @p2 $0x1082  }
0x22: {  	[simem:s7], [sflag:s8] =	dma.local @!p0 [hbm:s6], $0xF7A  }
0x23: {  	s9 =	sor.u32 $0xD0000000, s2;
	s6 =	simm.s32 $0x108;
	_ =	swait.ge @!p0 [sflag:s8], $0x0  }
0x24: {  	s3 =	sadd.s32 $0x88, s3;
	s6 =	simm.s32 @!p1 $0x1082;
	[sflag:s4] =	ssyncset.s32 $0xFFFFF086  }
0x25: {  	[simem:s6], [sflag:s4] =	dma.local [hbm:s3], $0xF7A  }
0x26: {  	[smem:$0x3F9F] =	sst s1;
	(tag) =	ssettag s2;
	_ =	strace s9  }
0x27: {  	s1 =	sld [smem:$0x3FAF]  }
0x28: {  	s2 =	sld [smem:$0x3FB0]  }
0x29: {  	s4 =	sld [smem:$0x3FB2]  }
0x2a: {  	p0 =	seq.s32 s5, $0x0;
	s5 =	sld [smem:$0x3FB3]  }
0x2b: {  	s6 =	sld [smem:$0x3FB4]  }
0x2c: {  	s7 =	sld [smem:$0x3FB5]  }
0x2d: {  	s3 =	simm.s32 $0x108;
	s8 =	sld [smem:$0x3FB6]  }
0x2e: {  	s3 =	simm.s32 @!p0 $0x1082;
	s9 =	sld [smem:$0x3FB7]  }
0x2f: {  	lr =	sadd.s32 s0, s3;
	s0 =	sld [smem:$0x3FAE]  }
0x30: {  	s3 =	sld [smem:$0x3FB1]  }
0x31: {  	[smem:$0x3FBA] =	sst s10  }
0x32: {  	s10 =	sld [smem:$0x3FB8];
	_ =	sdelay $0x3  }
0x33: {  	p0 =	seq.s32 s10, $0x1;
	s10 =	sld [smem:$0x3FBA];
	_ =	sdelay $0x3  }
0x34: {  	[smem:$0x3FBA] =	sst s10  }
0x35: {  	s10 =	sld [smem:$0x3FB9];
	_ =	sdelay $0x3  }
0x36: {  	p1 =	seq.s32 s10, $0x1;
	s10 =	sld [smem:$0x3FBA];
	_ =	sdelay $0x3  }
0x37: {  	[smem:$0x3FBA] =	sst s10  }
0x38: {  	s10 =	sld [smem:$0x3FBB]  }
0x39: {  	_ = 	snop;
	(pc) =	sbr.ind lr, $3  }
0x3a: {  	_ = 	snop  }
0x3b: {  	_ = 	snop  }
0x3c: {  	p2 =	seq.s32 s10, $0x1;
	s10 =	sld [smem:$0x3FBA]  }
0x3d: {  	_ =	shalt  }
0x3e: {  	_ =	shalt  }
0x3f: {  	_ =	shalt  }
0x40: {  	_ =	shalt  }
0x41: {  	_ =	shalt  }
0x42: {  	_ =	shalt  }
0x43: {  	_ =	shalt  }
0x44: {  	_ =	shalt  }
0x45: {  	_ =	shalt  }
0x46: {  	_ =	shalt  }
0x47: {  	_ =	shalt  }
0x48: {  	_ =	shalt  }
0x49: {  	_ =	shalt  }
0x4a: {  	_ =	shalt  }
0x4b: {  	_ =	shalt  }
0x4c: {  	_ =	shalt  }
0x4d: {  	_ =	shalt  }
0x4e: {  	_ =	shalt  }
0x4f: {  	_ =	shalt  }
0x50: {  	_ =	shalt  }
0x51: {  	_ =	shalt  }
0x52: {  	_ =	shalt  }
0x53: {  	_ =	shalt  }
0x54: {  	_ =	shalt  }
0x55: {  	_ =	shalt  }
0x56: {  	_ =	shalt  }
0x57: {  	_ =	shalt  }
0x58: {  	_ =	shalt  }
0x59: {  	_ =	shalt  }
0x5a: {  	_ =	shalt  }
0x5b: {  	_ =	shalt  }
0x5c: {  	_ =	shalt  }
0x5d: {  	_ =	shalt  }
0x5e: {  	_ =	shalt  }
0x5f: {  	_ =	shalt  }
0x60: {  	_ =	shalt  }
0x61: {  	_ =	shalt  }
0x62: {  	_ =	shalt  }
0x63: {  	_ =	shalt  }
0x64: {  	_ =	shalt  }
0x65: {  	_ =	shalt  }
0x66: {  	_ =	shalt  }
0x67: {  	_ =	shalt  }
0x68: {  	_ =	shalt  }
0x69: {  	_ =	shalt  }
0x6a: {  	_ =	shalt  }
0x6b: {  	_ =	shalt  }
0x6c: {  	_ =	shalt  }
0x6d: {  	_ =	shalt  }
0x6e: {  	_ =	shalt  }
0x6f: {  	_ =	shalt  }
0x70: {  	_ =	shalt  }
0x71: {  	_ =	shalt  }
0x72: {  	_ =	shalt  }
0x73: {  	_ =	shalt  }
0x74: {  	_ =	shalt  }
0x75: {  	_ =	shalt  }
0x76: {  	_ =	shalt  }
0x77: {  	_ =	shalt  }
0x78: {  	_ =	shalt  }
0x79: {  	_ =	shalt  }
0x7a: {  	_ =	shalt  }
0x7b: {  	_ =	shalt  }
0x7c: {  	_ =	shalt  }
0x7d: {  	_ =	shalt  }
0x7e: {  	_ =	shalt  }
0x7f: {  	_ =	shalt  }
0x80: {  	_ =	shalt  }
0x81: {  	_ =	shalt  }
0x82: {  	_ =	shalt  }
0x83: {  	_ =	shalt  }
0x84: {  	_ =	shalt  }
0x85: {  	_ =	shalt  }
0x86: {  	_ =	shalt  }
0x87: {  	_ =	shalt  }
.Lfunc_end0:
.L_simem_size_0:
called_computation.1_lowered:
.L_overlay_start_0:
0x88: {  	s2 =	sld [smem:$0x3FD9]  }
0x89: {  	s3 =	sld [smem:$0x3FFE];
	_ =	sdelay $0x1  }
0x8a: {  	s1 =	srdreg.scid  }
0x8b: {  	s0 =	sand.u32 $0x1, s1  }
0x8c: {  	s17 =	sshll.u32 s0, $0xA;
	s2 =	sadd.s32 s3, s2  }
0x8d: {  	s2 =	sadd.s32 s2, s17  }
0x8e: {  	[smem:$0x3FC6] =	sst s2  }
0x8f: {  	_ = 	snop  }
0x90: {  	s2 =	sld [smem:$0x3FC9]  }
0x91: {  	s18 =	sld [smem:$0x3FD0];
	(tm) =	ssettm $0x1  }
0x92: {  	s4 =	sld [smem:$0x3FFB];
	_ =	sdelay $0x3  }
0x93: {  	_ =	strace s4  }
0x94: {  	s4 =	sld [smem:$0x3FFC];
	_ =	sdelay $0x3  }
0x95: {  	_ =	strace s4  }
0x96: {  	s4 =	sld [smem:$0x3FFD];
	_ =	sdelay $0x3  }
0x97: {  	_ =	strace s4  }
0x98: {  	_ =	strace $0x8FFFFFFF  }
0x99: {  	s19 =	sld [smem:$0x3FDB];
	_ =	sdelay $0x1  }
0x9a: {  	s5 =	simm.s32 $_scs_section_size  }
0x9b: {  	s6 =	simm.s32 $_size__tile_overlayer_lowered;
	s7 =	simm.s32 $_tile_overlayer_lowered  }
0x9c: {  	s22 =	simm.s32 $0x1BFF;
	s21 =	sshll.u32 s7, $0x1;
	s4 =	sadd.s32 s5, s19  }
0x9d: {  	s8 =	simm.s32 $0x0;
	s20 =	sshll.u32 s6, $0x1;
	s6 =	sadd.s32 s21, s4  }
0x9e: {  	[timem:s8], [sflag:s22] =	dma.local [hbm:s6], s20  }
0x9f: {  	_ =	swait.ge [sflag:s22], s20  }
0xa0: {  	s5 =	ssub.s32 $0x0, s20;
	[sflag:s22] =	ssyncset.done $0x0  }
0xa1: {  	[sflag:s22] =	ssyncadd.s32 s5;
	_ =	sdelay $0x1  }
0xa2: {  	s23 =	simm.s32 $0x1B8B  }
0xa3: {  	_ =	swait.ge [sflag:s23], $0x1  }
0xa4: {  	[sflag:s23] =	ssyncset.done $0x0  }
0xa5: {  	s25 =	simm.s32 $0x1B8E;
	s24 =	sld [smem:$0x3FFE];
	[sflag:s23] =	ssyncadd.s32 $0xFFFFFFFF  }
0xa6: {  	s26 =	simm.s32 $execute0_lowered;
	[smem:$0x3FD2] =	sst s25  }
0xa7: {  	s6 =	sshll.u32 s26, $0x1;
	_ =	strace $0x80000049;
	[dreg:$0x1] =	wrdreg $0xFFFFFFFF  }
0xa8: {  	s28 =	simm.s32 $_size_execute0_lowered;
	s4 =	sadd.s32 s4, s6;
	[dreg:$0x0] =	wrdreg $0x0  }
0xa9: {  	s6 =	sshll.u32 s28, $0x1;
	[dreg:$0x2] =	wrdreg s4  }
0xaa: {  	[dreg:$0x3] =	wrdreg s6  }
0xab: {  	[dreg:$0x4] =	wrdreg $0xC0  }
0xac: {  	_ =	task [dreg:s8], $0x5FFFF  }
0xad: {  	[dreg:$0x1] =	wrdreg $0xFFFFFFFF  }
0xae: {  	[dreg:$0x0] =	wrdreg $0x60  }
0xaf: {  	[dreg:$0x2] =	wrdreg s2  }
0xb0: {  	[dreg:$0x3] =	wrdreg s24  }
0xb1: {  	[dreg:$0x4] =	wrdreg s18  }
0xb2: {  	[dreg:$0x5] =	wrdreg $0x9  }
0xb3: {  	_ =	task.clear_ibuf [dreg:s8], $0x6FFFF;
	_ =	strace $0x90000049  }
0xb4: {  	s29 =	simm.s32 $0x9;
	_ =	strace $0x8000004B  }
0xb5: {  	_ =	swait.ge [sflag:s29], $0x1  }
0xb6: {  	[sflag:s29] =	ssyncadd.s32 $0xFFFFFFFF  }
0xb7: {  	_ =	strace $0x9000004B  }
0xb8: {  	_ =	sfence  }
0xb9: {  	s30 =	sld [smem:$0x0];
	_ =	sdelay $0x2  }
0xba: {  	s31 =	sshll.u32 s1, $0xD;
	s1 =	sshrl.u32 s1, $0x2  }
0xbb: {  	s3 =	sand.u32 $0x4000, s31;
	s1 =	sadd.s32 s1, s30  }
0xbc: {  	s0 =	sor.u32 s3, s0;
	s1 =	sshll.u32 s1, $0x11  }
0xbd: {  	s0 =	sor.u32 s1, s0  }
0xbe: {  	s0 =	sadd.s32 $0x8F2B, s0  }
0xbf: {  	[sflag:s0] =	ssyncadd.remote.s32 $0x1  }
0xc0: {  	_ =	sfence.sel $0xFFFF  }
0xc1: {  	[dreg:$0x0] =	wrdreg $0xFFFFFFFF;
	(pc) =	sbr.abs _section_cstart, $3  }
0xc2: {  	[dreg:$0x1] =	wrdreg $0xFFFFFFFF  }
0xc3: {  	_ =	task.clear_ibuf [dreg:s8], $0x2FFFF;
	_ =	strace $0x9FFFFFFF  }
0xc4: {  	(tm) =	ssettm $0x7FFFFFFF  }
0xc5: {  	_ =	shalt  }
tec
execute0_lowered:
.L_overlay_start_1:
0x0: {  	(tag) =	ssettag $0x1  }
0x1: {  	s1 =	rddreg [dreg:$0x0]  }
0x2: {  	s5 =	rddreg [dreg:$0x1]  }
0x3: {  	s2 =	rddreg [dreg:$0x2]  }
0x4: {  	s0 =	rddreg [dreg:$0x3];
	s4 =	simm.s32 $0x0;
	s6 =	srdreg.scid  }
0x5: {  	s3 =	stileid.u32;
	s10 =	simm.s32 $0xFC00;
	s11 =	simm.s32 $0x1  }
0x6: {  	s12 =	simm.s32 $0x400;
	s13 =	simm.s32 $0x20000;
	s14 =	simm.s32 $0x2  }
0x7: {  	s15 =	simm.s32 $0x0;
	[smem:$0x7FF] =	sst s4;
	s6 =	sand.u32 $0x1, s6  }
0x8: {  	s8 =	sshll.u32 s3, $0x1;
	s5 =	sadd.s32 $0xA00, s5;
	s7 =	ssub.s32 $0x2, s6  }
0x9: {  	_ =	strace $0x8000004A;
	s8 =	sor.u32 s6, s8;
	s9 =	sshrl.u32 s7, $0x1  }
0xa: {  	s6 =	sshll.u32 s8, $0x2;
	s31 =	sshll.u32 s8, $0x9;
	s9 =	ssub.s32 s7, s9  }
0xb: {  	s7 =	sadd.s32 s1, s31;
	s8 =	smax.u32 s9, $0x1;
	s9 =	simm.s32 $0x3  }
.LBB2_1:
0xc: {  	[tilespmem:s4], [sflag:$0x3] =	stream.linear.gather [hbm4b:s5+s4], $0xFA00, $0x38;
	[tilespmem:$0x14400] =	vst v63  }
0xd: {  	_ =	swait.ge [sflag:s9], $0xFA00  }
0xe: {  	[sflag:s9] =	ssyncset.done $0x0  }
0xf: {  	p0 =	por $0x0, $0x0;
	s16 =	simm.s32 $0x0;
	[sflag:s9] =	ssyncadd.s32 $0xFFFF0600  }
0x10: {  	[tilespmem:s10], [sflag:$0x1] =	stream.linear.gather [hbm4b:s7+s4], $0x400, $0x38;
	[tilespmem:$0x14400] =	vst v63  }
.LBB2_2:
0x11: {  	s17 =	simm.s32 $0x1;
	s18 =	sand.u32 $0x1, s16  }
0x12: {  	s20 =	sand.u32 $0x3, s16;
	_ =	swait.ge [sflag:s11], $0x400;
	p1 =	seq.s32 s16, $0x63  }
0x13: {  	s19 =	sshll.u32 s16, $0x1;
	s17 =	simm.s32 @!p0 $0x0;
	[sflag:s11] =	ssyncset.done $0x0  }
0x14: {  	s21 =	sadd.s32 @!p1 $0x1, s16;
	s18 =	sshll.u32 @!p1 s18, $0xA;
	s20 =	sor.u32 s6, s20  }
0x15: {  	s17 =	sshll.u32 s17, $0xA;
	s22 =	sshll.u32 @!p1 s21, $0xC;
	s21 =	sand.u32 @!p1 $0x3, s21  }
0x16: {  	[sflag:s11] =	ssyncadd.s32 $0xFFFFFC00;
	s22 =	sand.u32 @!p1 $0xFC000, s22;
	s21 =	sor.u32 @!p1 s6, s21  }
0x17: {  	s18 =	sxor.u32 @!p1 $0x400, s18;
	s21 =	sshll.u32 @!p1 s21, $0x7;
	s22 =	sadd.s32 @!p1 s1, s22  }
0x18: {  	s18 =	sadd.s32 @!p1 $0xFC00, s18;
	s21 =	sadd.s32 @!p1 s21, s22;
	s22 =	simm.s32 @!p1 $0x0  }
0x19: {  	[tilespmem:s18], [sflag:$0x1] =	stream.linear.gather @!p1 [hbm4b:s21+s22], $0x400, $0x38;
	[tilespmem:$0x14400] =	vst v63  }
0x1a: {  	s20 =	sshll.u32 s20, $0x7;
	s17 =	sadd.s32 $0xFC10, s17;
	s18 =	sand.u32 $0xF8, s19  }
0x1b: {  	s19 =	sshll.u32 s16, $0x3;
	s21 =	simm.s32 $0x0;
	p1 =	por $0x0, $0x0  }
.LBB2_3:
0x1c: {  	s22 =	sadd.s32 s19, s21  }
0x1d: {  	p2 =	slt.u32 s22, $0x2  }
0x1e: {  	s22 =	simm.s32 @!p2 $0x2  }
0x1f: {  	_ =	swait.ge @!p2 [sflag:s22], $0x2000  }
0x20: {  	[sflag:s22] =	ssyncset.done @!p2 $0x0  }
0x21: {  	[sflag:s22] =	ssyncadd.s32 @!p2 $0xFFFFE000  }
0x22: {  	v1 =	vld [tilespmem:s17+$0x0];
	_ =	sdelay $0x4  }
0x23: {  	v2 =	vsub.s32 $0x0, v1  }
0x24: {  	v0 =	vshll.u32 v1, $0x6;
	v3 =	vsub.s32 $0x1, v1;
	v2 =	vand.u32 $0x3F, v2  }
0x25: {  	v4 =	vsub.s32 $0x2, v1;
	v3 =	vand.u32 $0x3F, v3;
	v2 =	vor.u32 v2, v0  }
0x26: {  	v5 =	vsub.s32 $0x3, v1;
	v4 =	vand.u32 $0x3F, v4;
	v3 =	vor.u32 v3, v0  }
0x27: {  	v9 =	vsub.s32 $0x7, v1;
	v5 =	vand.u32 $0x3F, v5;
	v4 =	vor.u32 v4, v0  }
0x28: {  	v6 =	vsub.s32 $0x4, v1;
	v9 =	vand.u32 $0x3F, v9;
	v5 =	vor.u32 v5, v0  }
0x29: {  	v7 =	vsub.s32 $0x5, v1;
	v6 =	vand.u32 $0x3F, v6;
	v9 =	vor.u32 v9, v0  }
0x2a: {  	v8 =	vsub.s32 $0x6, v1;
	v7 =	vand.u32 $0x3F, v7;
	v6 =	vor.u32 v6, v0;
	v2 =	vld.idx.msk [tilespmem:v2+s4+$0x0], $0xffff  }
0x2b: {  	v8 =	vand.u32 $0x3F, v8;
	v7 =	vor.u32 v7, v0;
	v3 =	vld.idx.msk [tilespmem:v3+s4+$0x0], $0xffff  }
0x2c: {  	v8 =	vor.u32 v8, v0;
	v4 =	vld.idx.msk [tilespmem:v4+s4+$0x0], $0xffff  }
0x2d: {  	s22 =	simm.s32 $0x1;
	v5 =	vld.idx.msk [tilespmem:v5+s4+$0x0], $0xffff  }
0x2e: {  	s22 =	simm.s32 @!p1 $0x0;
	v9 =	vld.idx.msk [tilespmem:v9+s4+$0x0], $0xffff  }
0x2f: {  	s22 =	sshll.u32 s22, $0xD;
	v6 =	vld.idx.msk [tilespmem:v6+s4+$0x0], $0xffff  }
0x30: {  	s22 =	sor.u32 $0x11400, s22;
	v7 =	vld.idx.msk [tilespmem:v7+s4+$0x0], $0xffff  }
0x31: {  	v8 =	vld.idx.msk [tilespmem:v8+s4+$0x0], $0xffff;
	[tilespmem:s22+$0xFFFFF010] =	vst v2  }
0x32: {  	v42 =	vsub.s32 $0xF, v1;
	[tilespmem:s22+$0xFFFFF090] =	vst v3  }
0x33: {  	v2 =	vsub.s32 $0x8, v1;
	[tilespmem:s22+$0xFFFFF390] =	vst v9;
	v9 =	vand.u32 $0x3F, v42  }
0x34: {  	[tilespmem:s22+$0xFFFFF110] =	vst v4;
	v3 =	vsub.s32 $0x9, v1;
	v2 =	vand.u32 $0x3F, v2;
	v9 =	vor.u32 v9, v0  }
0x35: {  	[tilespmem:s22+$0xFFFFF190] =	vst v5;
	v4 =	vsub.s32 $0xA, v1;
	v3 =	vand.u32 $0x3F, v3;
	v2 =	vor.u32 v2, v0  }
0x36: {  	[tilespmem:s22+$0xFFFFF210] =	vst v6;
	v5 =	vsub.s32 $0xB, v1;
	v4 =	vand.u32 $0x3F, v4;
	v3 =	vor.u32 v3, v0  }
0x37: {  	[tilespmem:s22+$0xFFFFF290] =	vst v7;
	v6 =	vsub.s32 $0xC, v1;
	v5 =	vand.u32 $0x3F, v5;
	v4 =	vor.u32 v4, v0  }
0x38: {  	[tilespmem:s22+$0xFFFFF310] =	vst v8;
	v7 =	vsub.s32 $0xD, v1;
	v6 =	vand.u32 $0x3F, v6;
	v5 =	vor.u32 v5, v0  }
0x39: {  	v8 =	vsub.s32 $0xE, v1;
	v7 =	vand.u32 $0x3F, v7;
	v6 =	vor.u32 v6, v0;
	v10 =	vld.idx.msk [tilespmem:v9+s4+$0x0], $0xffff  }
0x3a: {  	v8 =	vand.u32 $0x3F, v8;
	v7 =	vor.u32 v7, v0;
	v2 =	vld.idx.msk [tilespmem:v2+s4+$0x0], $0xffff  }
0x3b: {  	v8 =	vor.u32 v8, v0;
	v3 =	vld.idx.msk [tilespmem:v3+s4+$0x0], $0xffff  }
0x3c: {  	v4 =	vld.idx.msk [tilespmem:v4+s4+$0x0], $0xffff  }
0x3d: {  	v5 =	vld.idx.msk [tilespmem:v5+s4+$0x0], $0xffff  }
0x3e: {  	v6 =	vld.idx.msk [tilespmem:v6+s4+$0x0], $0xffff  }
0x3f: {  	v7 =	vld.idx.msk [tilespmem:v7+s4+$0x0], $0xffff  }
0x40: {  	v43 =	vsub.s32 $0x17, v1;
	v8 =	vld.idx.msk [tilespmem:v8+s4+$0x0], $0xffff;
	[tilespmem:s22+$0xFFFFF790] =	vst v10  }
0x41: {  	v45 =	vsub.s32 $0x18, v1;
	v53 =	vsub.s32 $0x2E, v1;
	[tilespmem:s22+$0xFFFFF410] =	vst v2;
	v2 =	vsub.s32 $0x10, v1  }
0x42: {  	v54 =	vsub.s32 $0x2F, v1;
	[tilespmem:s22+$0xFFFFF490] =	vst v3;
	v3 =	vsub.s32 $0x11, v1;
	v2 =	vand.u32 $0x3F, v2  }
0x43: {  	[tilespmem:s22+$0xFFFFF510] =	vst v4;
	v4 =	vsub.s32 $0x12, v1;
	v3 =	vand.u32 $0x3F, v3;
	v2 =	vor.u32 v2, v0  }
0x44: {  	v9 =	vld [tilespmem:s17+$0xFFFFFFF0];
	[tilespmem:s22+$0xFFFFF590] =	vst v5;
	v5 =	vsub.s32 $0x13, v1;
	v4 =	vand.u32 $0x3F, v4;
	v3 =	vor.u32 v3, v0  }
0x45: {  	[tilespmem:s22+$0xFFFFF610] =	vst v6;
	v6 =	vsub.s32 $0x14, v1;
	v5 =	vand.u32 $0x3F, v5;
	v4 =	vor.u32 v4, v0  }
0x46: {  	[tilespmem:s22+$0xFFFFF690] =	vst v7;
	v7 =	vsub.s32 $0x15, v1;
	v6 =	vand.u32 $0x3F, v6;
	v5 =	vor.u32 v5, v0  }
0x47: {  	[tilespmem:s22+$0xFFFFF710] =	vst v8;
	v8 =	vsub.s32 $0x16, v1;
	v7 =	vand.u32 $0x3F, v7;
	v6 =	vor.u32 v6, v0  }
0x48: {  	v10 =	vand.u32 $0x3F, v43;
	v8 =	vand.u32 $0x3F, v8;
	v7 =	vor.u32 v7, v0;
	v2 =	vld.idx.msk [tilespmem:v2+s4+$0x0], $0xffff  }
0x49: {  	v11 =	vsub.s32 $0x0, v9;
	v12 =	vsub.s32 $0x1, v9;
	v8 =	vor.u32 v8, v0;
	v3 =	vld.idx.msk [tilespmem:v3+s4+$0x0], $0xffff  }
0x4a: {  	v44 =	vsub.s32 $0x2, v9;
	v14 =	vsub.s32 $0x3, v9;
	v13 =	vld.idx.msk [tilespmem:v4+s4+$0x0], $0xffff;
	v4 =	vor.u32 v10, v0  }
0x4b: {  	v15 =	vsub.s32 $0x4, v9;
	v16 =	vsub.s32 $0x5, v9;
	v17 =	vsub.s32 $0x6, v9;
	v5 =	vld.idx.msk [tilespmem:v5+s4+$0x0], $0xffff  }
0x4c: {  	v18 =	vsub.s32 $0x7, v9;
	v22 =	vsub.s32 $0x8, v9;
	v25 =	vsub.s32 $0xD, v9;
	v6 =	vld.idx.msk [tilespmem:v6+s4+$0x0], $0xffff  }
0x4d: {  	v26 =	vsub.s32 $0xE, v9;
	v50 =	vsub.s32 $0xF, v9;
	v32 =	vsub.s32 $0x14, v9;
	v7 =	vld.idx.msk [tilespmem:v7+s4+$0x0], $0xffff  }
0x4e: {  	v11 =	vand.u32 $0x3F, v11;
	v12 =	vand.u32 $0x3F, v12;
	v19 =	vand.u32 $0x3F, v44;
	v8 =	vld.idx.msk [tilespmem:v8+s4+$0x0], $0xffff  }
0x4f: {  	v14 =	vand.u32 $0x3F, v14;
	v20 =	vand.u32 $0x3F, v15;
	v10 =	vshll.u32 v9, $0x6;
	v21 =	vld.idx.msk [tilespmem:v4+s4+$0x0], $0xffff;
	[tilespmem:s22+$0xFFFFF810] =	vst v2  }
0x50: {  	v16 =	vand.u32 $0x3F, v16;
	v15 =	vor.u32 v14, v10;
	v14 =	vsub.s32 $0x1F, v1;
	[tilespmem:s22+$0xFFFFF890] =	vst v3  }
0x51: {  	v23 =	vor.u32 v11, v10;
	v11 =	vand.u32 $0x3F, v45;
	v14 =	vand.u32 $0x3F, v14;
	[tilespmem:s22+$0xFFFFF910] =	vst v13  }
0x52: {  	v4 =	vor.u32 v12, v10;
	v12 =	vsub.s32 $0x19, v1;
	[tilespmem:s22+$0xFFFFF990] =	vst v5;
	v5 =	vor.u32 v11, v0  }
0x53: {  	v14 =	vor.u32 v14, v0;
	[tilespmem:s22+$0xFFFFFA10] =	vst v6;
	v46 =	vand.u32 $0x3F, v12;
	v12 =	vsub.s32 $0x1A, v1  }
0x54: {  	[tilespmem:s22+$0xFFFFFA90] =	vst v7;
	v6 =	vor.u32 v46, v0;
	v47 =	vand.u32 $0x3F, v12;
	v12 =	vsub.s32 $0x1B, v1  }
0x55: {  	[tilespmem:s22+$0xFFFFFB10] =	vst v8;
	v7 =	vor.u32 v47, v0;
	v48 =	vand.u32 $0x3F, v12;
	v12 =	vsub.s32 $0x1C, v1  }
0x56: {  	v8 =	vor.u32 v48, v0;
	v49 =	vand.u32 $0x3F, v12;
	v12 =	vsub.s32 $0x1D, v1;
	[tilespmem:s22+$0xFFFFFB90] =	vst v21  }
0x57: {  	v13 =	vsub.s32 $0x1E, v1;
	v11 =	vor.u32 v49, v0;
	v12 =	vand.u32 $0x3F, v12;
	v5 =	vld.idx.msk [tilespmem:v5+s4+$0x0], $0xffff  }
0x58: {  	v17 =	vand.u32 $0x3F, v17;
	v13 =	vand.u32 $0x3F, v13;
	v12 =	vor.u32 v12, v0;
	v31 =	vld.idx.msk [tilespmem:v14+s4+$0x0], $0xffff  }
0x59: {  	v18 =	vand.u32 $0x3F, v18;
	v22 =	vand.u32 $0x3F, v22;
	v13 =	vor.u32 v13, v0;
	v6 =	vld.idx.msk [tilespmem:v6+s4+$0x0], $0xffff  }
0x5a: {  	v24 =	vor.u32 v17, v10;
	v18 =	vor.u32 v18, v10;
	v17 =	vsub.s32 $0xA, v9;
	v7 =	vld.idx.msk [tilespmem:v7+s4+$0x0], $0xffff  }
0x5b: {  	v2 =	vor.u32 v19, v10;
	v21 =	vor.u32 v16, v10;
	v16 =	vsub.s32 $0x9, v9;
	v8 =	vld.idx.msk [tilespmem:v8+s4+$0x0], $0xffff  }
0x5c: {  	v3 =	vor.u32 v20, v10;
	v19 =	vsub.s32 $0xB, v9;
	v28 =	vand.u32 $0x3F, v16;
	v27 =	vld.idx.msk [tilespmem:v11+s4+$0x0], $0xffff  }
0x5d: {  	v20 =	vsub.s32 $0xC, v9;
	v16 =	vor.u32 v22, v10;
	v14 =	vor.u32 v28, v10;
	v29 =	vld.idx.msk [tilespmem:v12+s4+$0x0], $0xffff  }
0x5e: {  	v12 =	vand.u32 $0x3F, v17;
	v17 =	vand.u32 $0x3F, v19;
	v19 =	vand.u32 $0x3F, v20;
	v20 =	vld.idx.msk [tilespmem:v13+s4+$0x0], $0xffff;
	[tilespmem:s22+$0xFFFFFC10] =	vst v5  }
0x5f: {  	v13 =	vor.u32 v12, v10;
	v12 =	vor.u32 v17, v10;
	[tilespmem:s22+$0xFFFFFC90] =	vst v6;
	v6 =	vsub.s32 $0x20, v1  }
0x60: {  	v51 =	vor.u32 v19, v10;
	[tilespmem:s22+$0xFFFFFD10] =	vst v7;
	v6 =	vand.u32 $0x3F, v6;
	v7 =	vsub.s32 $0x21, v1  }
0x61: {  	[tilespmem:s22+$0xFFFFFD90] =	vst v8;
	v6 =	vor.u32 v6, v0;
	v7 =	vand.u32 $0x3F, v7;
	v8 =	vsub.s32 $0x22, v1  }
0x62: {  	[tilespmem:s22+$0xFFFFFF90] =	vst v31;
	v17 =	vsub.s32 $0x23, v1;
	v7 =	vor.u32 v7, v0;
	v8 =	vand.u32 $0x3F, v8  }
0x63: {  	v23 =	vld.idx.msk [tilespmem:v23+s4+$0x0], $0xffff;
	v19 =	vsub.s32 $0x24, v1;
	v17 =	vand.u32 $0x3F, v17;
	[tilespmem:s22+$0xFFFFFE10] =	vst v27;
	v8 =	vor.u32 v8, v0  }
0x64: {  	v24 =	vld.idx.msk [tilespmem:v24+s4+$0x0], $0xffff;
	v22 =	vor.u32 v17, v0;
	v17 =	vand.u32 $0x3F, v19;
	v19 =	vsub.s32 $0x25, v1;
	[tilespmem:s22+$0xFFFFFE90] =	vst v29  }
0x65: {  	v18 =	vld.idx.msk [tilespmem:v18+s4+$0x0], $0xffff;
	v27 =	vor.u32 v17, v0;
	v17 =	vand.u32 $0x3F, v19;
	v19 =	vsub.s32 $0x26, v1;
	[tilespmem:s22+$0xFFFFFF10] =	vst v20  }
0x66: {  	v28 =	vld.idx.msk [tilespmem:v6+s4+$0x0], $0xffff;
	v6 =	vor.u32 v17, v0;
	v17 =	vand.u32 $0x3F, v19;
	v19 =	vsub.s32 $0x27, v1  }
0x67: {  	v25 =	vand.u32 $0x3F, v25;
	v31 =	vld.idx.msk [tilespmem:v7+s4+$0x0], $0xffff;
	v7 =	vor.u32 v17, v0;
	v17 =	vand.u32 $0x3F, v19  }
0x68: {  	v33 =	vsub.s32 $0x15, v9;
	v20 =	vor.u32 v25, v10;
	v25 =	vld.idx.msk [tilespmem:v8+s4+$0x0], $0xffff;
	v8 =	vor.u32 v17, v0  }
0x69: {  	v34 =	vsub.s32 $0x16, v9;
	v35 =	vsub.s32 $0x17, v9;
	v55 =	vsub.s32 $0x1A, v9;
	v22 =	vld.idx.msk [tilespmem:v22+s4+$0x0], $0xffff  }
0x6a: {  	v26 =	vand.u32 $0x3F, v26;
	v30 =	vand.u32 $0x3F, v50;
	v5 =	vsub.s32 $0x10, v9;
	v27 =	vld.idx.msk [tilespmem:v27+s4+$0x0], $0xffff  }
0x6b: {  	v33 =	vand.u32 $0x3F, v33;
	v5 =	vand.u32 $0x3F, v5;
	v29 =	vsub.s32 $0x11, v9;
	v36 =	vld.idx.msk [tilespmem:v6+s4+$0x0], $0xffff  }
0x6c: {  	v29 =	vand.u32 $0x3F, v29;
	v19 =	vor.u32 v26, v10;
	v26 =	vsub.s32 $0x12, v9;
	v52 =	vld.idx.msk [tilespmem:v7+s4+$0x0], $0xffff  }
0x6d: {  	v17 =	vor.u32 v30, v10;
	v30 =	vsub.s32 $0x13, v9;
	v6 =	vand.u32 $0x3F, v26;
	v37 =	vld.idx.msk [tilespmem:v8+s4+$0x0], $0xffff;
	[tilespmem:s22+$0x10] =	vst v28  }
0x6e: {  	v21 =	vld.idx.msk [tilespmem:v21+s4+$0x0], $0xffff;
	v26 =	vand.u32 $0x3F, v30;
	v30 =	vand.u32 $0x3F, v32;
	v32 =	vand.u32 $0x3F, v53;
	[tilespmem:s22+$0x90] =	vst v31  }
0x6f: {  	v7 =	vor.u32 v5, v10;
	v5 =	vor.u32 v26, v10;
	v26 =	vsub.s32 $0x28, v1;
	v28 =	vld.idx.msk [tilespmem:v4+s4+$0x0], $0xffff;
	[tilespmem:s22+$0x110] =	vst v25  }
0x70: {  	v32 =	vor.u32 v32, v0;
	v8 =	vor.u32 v29, v10;
	v29 =	vld.idx.msk [tilespmem:v2+s4+$0x0], $0xffff;
	v25 =	vand.u32 $0x3F, v26;
	[tilespmem:s22+$0x190] =	vst v22  }
0x71: {  	v4 =	vor.u32 v30, v10;
	v26 =	vsub.s32 $0x29, v1;
	v30 =	vld.idx.msk [tilespmem:v15+s4+$0x0], $0xffff;
	[tilespmem:s22+$0x210] =	vst v27;
	v15 =	vor.u32 v25, v0  }
0x72: {  	v2 =	vor.u32 v33, v10;
	v33 =	vand.u32 $0x3F, v54;
	v22 =	vand.u32 $0x3F, v26;
	v26 =	vld.idx.msk [tilespmem:v3+s4+$0x0], $0xffff;
	[tilespmem:s22+$0xFFFFF000] =	vst v23  }
0x73: {  	v56 =	vsub.s32 $0x1B, v9;
	v27 =	vsub.s32 $0x2C, v1;
	v33 =	vor.u32 v33, v0;
	[tilespmem:s22+$0x290] =	vst v36  }
0x74: {  	v25 =	vsub.s32 $0x2A, v1;
	v27 =	vand.u32 $0x3F, v27;
	v3 =	vor.u32 v22, v0;
	[tilespmem:s22+$0x310] =	vst v52  }
0x75: {  	v31 =	vsub.s32 $0x2D, v1;
	v22 =	vand.u32 $0x3F, v25;
	v27 =	vor.u32 v27, v0;
	[tilespmem:s22+$0x390] =	vst v37  }
0x76: {  	v31 =	vand.u32 $0x3F, v31;
	[tilespmem:s22+$0xFFFFF280] =	vst v21;
	v25 =	vsub.s32 $0x2B, v1;
	v22 =	vor.u32 v22, v0;
	v23 =	vld.idx.msk [tilespmem:v15+s4+$0x0], $0xffff  }
0x77: {  	v57 =	vsub.s32 $0x1D, v9;
	[tilespmem:s22+$0xFFFFF300] =	vst v24;
	v31 =	vor.u32 v31, v0;
	v25 =	vand.u32 $0x3F, v25;
	v32 =	vld.idx.msk [tilespmem:v32+s4+$0x0], $0xffff  }
0x78: {  	v58 =	vsub.s32 $0x1E, v9;
	v59 =	vand.u32 $0x3F, v56;
	[tilespmem:s22+$0xFFFFF380] =	vst v18;
	v25 =	vor.u32 v25, v0;
	v33 =	vld.idx.msk [tilespmem:v33+s4+$0x0], $0xffff  }
0x79: {  	v34 =	vand.u32 $0x3F, v34;
	v35 =	vand.u32 $0x3F, v35;
	v38 =	vor.u32 v59, v10;
	[tilespmem:s22+$0xFFFFF080] =	vst v28;
	v28 =	vld.idx.msk [tilespmem:v3+s4+$0x0], $0xffff  }
0x7a: {  	v6 =	vor.u32 v6, v10;
	v21 =	vsub.s32 $0x1F, v9;
	v24 =	vand.u32 $0x3F, v55;
	[tilespmem:s22+$0xFFFFF100] =	vst v29;
	v27 =	vld.idx.msk [tilespmem:v27+s4+$0x0], $0xffff  }
0x7b: {  	v21 =	vand.u32 $0x3F, v21;
	v39 =	vor.u32 v24, v10;
	v24 =	vsub.s32 $0x32, v1;
	[tilespmem:s22+$0xFFFFF180] =	vst v30;
	v22 =	vld.idx.msk [tilespmem:v22+s4+$0x0], $0xffff  }
0x7c: {  	v24 =	vand.u32 $0x3F, v24;
	v43 =	vor.u32 v21, v10;
	v21 =	vsub.s32 $0x20, v9;
	[tilespmem:s22+$0xFFFFF200] =	vst v26;
	v31 =	vld.idx.msk [tilespmem:v31+s4+$0x0], $0xffff  }
0x7d: {  	v18 =	vand.u32 $0x3F, v57;
	v24 =	vor.u32 v24, v0;
	v21 =	vand.u32 $0x3F, v21;
	v25 =	vld.idx.msk [tilespmem:v25+s4+$0x0], $0xffff;
	[tilespmem:s22+$0x410] =	vst v23  }
0x7e: {  	v29 =	vsub.s32 $0x18, v9;
	v30 =	vsub.s32 $0x19, v9;
	v15 =	vor.u32 v34, v10;
	v16 =	vld.idx.msk [tilespmem:v16+s4+$0x0], $0xffff;
	[tilespmem:s22+$0x710] =	vst v32  }
0x7f: {  	v26 =	vsub.s32 $0x1C, v9;
	v29 =	vand.u32 $0x3F, v29;
	v14 =	vld.idx.msk [tilespmem:v14+s4+$0x0], $0xffff;
	v23 =	vsub.s32 $0x30, v1;
	[tilespmem:s22+$0x790] =	vst v33  }
0x80: {  	v30 =	vand.u32 $0x3F, v30;
	v13 =	vld.idx.msk [tilespmem:v13+s4+$0x0], $0xffff;
	[tilespmem:s22+$0x510] =	vst v22;
	v22 =	vand.u32 $0x3F, v23;
	v23 =	vsub.s32 $0x31, v1  }
0x81: {  	v26 =	vand.u32 $0x3F, v26;
	v12 =	vld.idx.msk [tilespmem:v12+s4+$0x0], $0xffff;
	[tilespmem:s22+$0x490] =	vst v28;
	v22 =	vor.u32 v22, v0;
	v23 =	vand.u32 $0x3F, v23  }
0x82: {  	v11 =	vld.idx.msk [tilespmem:v51+s4+$0x0], $0xffff;
	v37 =	vor.u32 v26, v10;
	v26 =	vsub.s32 $0x34, v1;
	[tilespmem:s22+$0x610] =	vst v27;
	v23 =	vor.u32 v23, v0  }
0x83: {  	v3 =	vor.u32 v35, v10;
	v20 =	vld.idx.msk [tilespmem:v20+s4+$0x0], $0xffff;
	v26 =	vand.u32 $0x3F, v26;
	[tilespmem:s22+$0x590] =	vst v25;
	v25 =	vsub.s32 $0x33, v1  }
0x84: {  	v19 =	vld.idx.msk [tilespmem:v19+s4+$0x0], $0xffff;
	v26 =	vor.u32 v26, v0;
	[tilespmem:s22+$0x690] =	vst v31;
	v27 =	vsub.s32 $0x35, v1;
	v25 =	vand.u32 $0x3F, v25  }
0x85: {  	v17 =	vld.idx.msk [tilespmem:v17+s4+$0x0], $0xffff;
	v28 =	vsub.s32 $0x36, v1;
	[tilespmem:s22+$0xFFFFF400] =	vst v16;
	v27 =	vand.u32 $0x3F, v27;
	v25 =	vor.u32 v25, v0  }
0x86: {  	[tilespmem:s22+$0xFFFFF480] =	vst v14;
	v16 =	vld.idx.msk [tilespmem:v22+s4+$0x0], $0xffff;
	v22 =	vor.u32 v27, v0;
	v27 =	vand.u32 $0x3F, v28;
	v28 =	vsub.s32 $0x37, v1  }
0x87: {  	v40 =	vor.u32 v29, v10;
	[tilespmem:s22+$0xFFFFF500] =	vst v13;
	v14 =	vld.idx.msk [tilespmem:v23+s4+$0x0], $0xffff;
	v23 =	vor.u32 v27, v0;
	v27 =	vand.u32 $0x3F, v28  }
0x88: {  	v29 =	vand.u32 $0x3F, v58;
	v41 =	vor.u32 v30, v10;
	[tilespmem:s22+$0xFFFFF580] =	vst v12;
	v13 =	vld.idx.msk [tilespmem:v24+s4+$0x0], $0xffff;
	v24 =	vor.u32 v27, v0  }
0x89: {  	v30 =	vsub.s32 $0x25, v9;
	v42 =	vor.u32 v29, v10;
	v31 =	vsub.s32 $0x26, v9;
	[tilespmem:s22+$0xFFFFF600] =	vst v11;
	v60 =	vld.idx.msk [tilespmem:v26+s4+$0x0], $0xffff  }
0x8a: {  	v29 =	vsub.s32 $0x23, v9;
	v32 =	vor.u32 v21, v10;
	[tilespmem:s22+$0xFFFFF680] =	vst v20;
	v21 =	vand.u32 $0x3F, v31;
	v12 =	vld.idx.msk [tilespmem:v25+s4+$0x0], $0xffff  }
0x8b: {  	[tilespmem:s22+$0xFFFFF700] =	vst v19;
	v35 =	vor.u32 v21, v10;
	v26 =	vsub.s32 $0x27, v9;
	v27 =	vsub.s32 $0x21, v9;
	v20 =	vld.idx.msk [tilespmem:v22+s4+$0x0], $0xffff  }
0x8c: {  	[tilespmem:s22+$0xFFFFF780] =	vst v17;
	v28 =	vsub.s32 $0x22, v9;
	v25 =	vsub.s32 $0x24, v9;
	v27 =	vand.u32 $0x3F, v27;
	v19 =	vld.idx.msk [tilespmem:v23+s4+$0x0], $0xffff  }
0x8d: {  	v25 =	vand.u32 $0x3F, v25;
	v33 =	vor.u32 v27, v10;
	v17 =	vld.idx.msk [tilespmem:v24+s4+$0x0], $0xffff;
	[tilespmem:s22+$0x890] =	vst v14;
	v14 =	vsub.s32 $0x38, v1  }
0x8e: {  	v49 =	vld.idx.msk [tilespmem:v8+s4+$0x0], $0xffff;
	v22 =	vand.u32 $0x3F, v28;
	v28 =	vand.u32 $0x3F, v29;
	[tilespmem:s22+$0x810] =	vst v16;
	v8 =	vand.u32 $0x3F, v14  }
0x8f: {  	v50 =	vld.idx.msk [tilespmem:v6+s4+$0x0], $0xffff;
	v31 =	vor.u32 v22, v10;
	[tilespmem:s22+$0x910] =	vst v13;
	v6 =	vor.u32 v8, v0;
	v8 =	vsub.s32 $0x39, v1  }
0x90: {  	v51 =	vld.idx.msk [tilespmem:v5+s4+$0x0], $0xffff;
	v13 =	vand.u32 $0x3F, v1;
	[tilespmem:s22+$0x990] =	vst v12;
	v5 =	vand.u32 $0x3F, v8;
	v8 =	vsub.s32 $0x3A, v1  }
0x91: {  	[tilespmem:s22+$0xA10] =	vst v60;
	v12 =	vor.u32 v13, v0;
	v14 =	vld.idx.msk [tilespmem:v4+s4+$0x0], $0xffff;
	v4 =	vor.u32 v5, v0;
	v5 =	vand.u32 $0x3F, v8  }
0x92: {  	v13 =	vld.idx.msk [tilespmem:v2+s4+$0x0], $0xffff;
	v22 =	vxor.u32 $0x3F, v12;
	[tilespmem:s22+$0xA90] =	vst v20;
	v8 =	vsub.s32 $0x3B, v1;
	v2 =	vor.u32 v5, v0  }
0x93: {  	v12 =	vld.idx.msk [tilespmem:v15+s4+$0x0], $0xffff;
	v15 =	vsub.s32 $0x3D, v1;
	[tilespmem:s22+$0xB10] =	vst v19;
	v5 =	vand.u32 $0x3F, v8;
	v8 =	vsub.s32 $0x3C, v1  }
0x94: {  	[tilespmem:s22+$0xB90] =	vst v17;
	v1 =	vsub.s32 $0x3E, v1;
	v5 =	vor.u32 v5, v0;
	v8 =	vand.u32 $0x3F, v8  }
0x95: {  	v1 =	vand.u32 $0x3F, v1;
	v11 =	vld.idx.msk [tilespmem:v6+s4+$0x0], $0xffff;
	v6 =	vor.u32 v8, v0;
	v8 =	vand.u32 $0x3F, v15  }
0x96: {  	v8 =	vor.u32 v8, v0;
	v0 =	vor.u32 v1, v0;
	v1 =	vsub.s32 $0x2A, v9  }
0x97: {  	s24 =	sadd.s32 $0x20, s17;
	v29 =	vor.u32 v25, v10;
	v23 =	vand.u32 $0x3F, v30;
	v1 =	vand.u32 $0x3F, v1;
	v47 =	vld.idx.msk [tilespmem:v2+s4+$0x0], $0xffff  }
0x98: {  	v30 =	vor.u32 v28, v10;
	v16 =	vsub.s32 $0x28, v9;
	v25 =	vor.u32 v1, v10;
	v1 =	vld [tilespmem:s24+$0x0]  }
0x99: {  	v36 =	vor.u32 v23, v10;
	v20 =	vsub.s32 $0x2E, v9;
	v2 =	vsub.s32 $0x2C, v9;
	v48 =	vld.idx.msk [tilespmem:v5+s4+$0x0], $0xffff  }
0x9a: {  	v19 =	vsub.s32 $0x2D, v9;
	v15 =	vsub.s32 $0x29, v9;
	v2 =	vand.u32 $0x3F, v2;
	v45 =	vld.idx.msk [tilespmem:v6+s4+$0x0], $0xffff  }
0x9b: {  	v5 =	vsub.s32 $0x2F, v9;
	v6 =	vand.u32 $0x3F, v19;
	v23 =	vor.u32 v2, v10;
	v44 =	vld.idx.msk [tilespmem:v8+s4+$0x0], $0xffff  }
0x9c: {  	v2 =	vsub.s32 $0x30, v9;
	v8 =	vand.u32 $0x3F, v20;
	v28 =	vld.idx.msk [tilespmem:v0+s4+$0x0], $0xffff;
	v0 =	vand.u32 $0x3F, v5  }
0x9d: {  	v5 =	vsub.s32 $0x33, v9;
	v19 =	vand.u32 $0x3F, v2;
	v21 =	vor.u32 v8, v10  }
0x9e: {  	v20 =	vor.u32 v0, v10;
	v0 =	vsub.s32 $0x31, v9;
	v52 =	vsub.s32 $0x0, v1  }
0x9f: {  	v2 =	vshll.u32 v1, $0x6;
	v53 =	vsub.s32 $0x1, v1;
	v52 =	vand.u32 $0x3F, v52  }
0xa0: {  	v54 =	vsub.s32 $0x2, v1;
	v53 =	vand.u32 $0x3F, v53;
	v52 =	vor.u32 v52, v2  }
0xa1: {  	v7 =	vld.idx.msk [tilespmem:v7+s4+$0x0], $0xffff;
	v55 =	vsub.s32 $0x3, v1;
	v54 =	vand.u32 $0x3F, v54;
	v53 =	vor.u32 v53, v2  }
0xa2: {  	v58 =	vld.idx.msk [tilespmem:v3+s4+$0x0], $0xffff;
	v56 =	vsub.s32 $0x4, v1;
	v55 =	vand.u32 $0x3F, v55;
	v54 =	vor.u32 v54, v2  }
0xa3: {  	v17 =	vld.idx.msk [tilespmem:v22+s4+$0x0], $0xffff;
	v8 =	vsub.s32 $0x35, v9;
	v56 =	vand.u32 $0x3F, v56;
	v55 =	vor.u32 v55, v2  }
0xa4: {  	v46 =	vld.idx.msk [tilespmem:v4+s4+$0x0], $0xffff;
	v57 =	vsub.s32 $0x5, v1;
	v62 =	vsub.s32 $0x6, v1;
	v3 =	vor.u32 v56, v2  }
0xa5: {  	v59 =	vsub.s32 $0x7, v1;
	v60 =	vand.u32 $0x3F, v0;
	v61 =	vand.u32 $0x3F, v57;
	v52 =	vld.idx.msk [tilespmem:v52+s4+$0x0], $0xffff  }
0xa6: {  	v57 =	vand.u32 $0x3F, v62;
	v0 =	vand.u32 $0x3F, v59;
	v56 =	vor.u32 v61, v2;
	v53 =	vld.idx.msk [tilespmem:v53+s4+$0x0], $0xffff  }
0xa7: {  	[tilespmem:s22+$0xFFFFF800] =	vst v7;
	v5 =	vand.u32 $0x3F, v5;
	v57 =	vor.u32 v57, v2;
	v59 =	vor.u32 v0, v2;
	v54 =	vld.idx.msk [tilespmem:v54+s4+$0x0], $0xffff  }
0xa8: {  	[tilespmem:s22+$0xF90] =	vst v17;
	v61 =	vand.u32 $0x3F, v8;
	v8 =	vor.u32 v19, v10;
	v0 =	vor.u32 v5, v10;
	v19 =	vld.idx.msk [tilespmem:v55+s4+$0x0], $0xffff  }
0xa9: {  	v24 =	vand.u32 $0x3F, v26;
	v16 =	vand.u32 $0x3F, v16;
	v15 =	vand.u32 $0x3F, v15;
	v55 =	vld.idx.msk [tilespmem:v3+s4+$0x0], $0xffff;
	[tilespmem:$0x1FED0] =	vst v0  }
0xaa: {  	v27 =	vor.u32 v15, v10;
	v15 =	vsub.s32 $0x36, v9;
	v0 =	vor.u32 v61, v10;
	[tilespmem:s22+$0xFFFFF880] =	vst v49  }
0xab: {  	v26 =	vor.u32 v16, v10;
	v16 =	vsub.s32 $0x37, v9;
	v15 =	vand.u32 $0x3F, v15;
	v49 =	vld.idx.msk [tilespmem:v56+s4+$0x0], $0xffff;
	[tilespmem:$0x1FEE0] =	vst v0  }
0xac: {  	v16 =	vand.u32 $0x3F, v16;
	v0 =	vor.u32 v15, v10;
	[tilespmem:s22+$0xFFFFF900] =	vst v50  }
0xad: {  	v50 =	vld.idx.msk [tilespmem:v57+s4+$0x0], $0xffff;
	[tilespmem:$0x1FEF0] =	vst v0;
	v0 =	vor.u32 v16, v10  }
0xae: {  	v4 =	vsub.s32 $0x2B, v9;
	[tilespmem:$0x1FF00] =	vst v0  }
0xaf: {  	s23 =	sadd.s32 $0x20, s22;
	v34 =	vor.u32 v24, v10;
	v4 =	vand.u32 $0x3F, v4;
	[tilespmem:s22+$0xFFFFF980] =	vst v51  }
0xb0: {  	v24 =	vor.u32 v4, v10;
	v4 =	vsub.s32 $0x32, v9;
	v22 =	vor.u32 v6, v10;
	v16 =	vld.idx.msk [tilespmem:v59+s4+$0x0], $0xffff;
	[tilespmem:s23+$0xFFFFF010] =	vst v52  }
0xb1: {  	v6 =	vsub.s32 $0x34, v9;
	v63 =	vsub.s32 $0x9, v1;
	v17 =	vor.u32 v60, v10;
	[tilespmem:s23+$0xFFFFF090] =	vst v53  }
0xb2: {  	v60 =	vsub.s32 $0x38, v9;
	v62 =	vsub.s32 $0xB, v1;
	v53 =	vsub.s32 $0x8, v1;
	[tilespmem:s23+$0xFFFFF110] =	vst v54  }
0xb3: {  	v61 =	vsub.s32 $0xA, v1;
	v56 =	vsub.s32 $0x39, v9;
	[tilespmem:s23+$0xFFFFF190] =	vst v19;
	v53 =	vand.u32 $0x3F, v53  }
0xb4: {  	v15 =	vsub.s32 $0x3A, v9;
	v19 =	vand.u32 $0x3F, v63;
	[tilespmem:s23+$0xFFFFF210] =	vst v55;
	v53 =	vor.u32 v53, v2  }
0xb5: {  	[tilespmem:s23+$0xFFFFF290] =	vst v49;
	v63 =	vsub.s32 $0xC, v1;
	v55 =	vor.u32 v19, v2;
	v19 =	vand.u32 $0x3F, v61  }
0xb6: {  	v57 =	vsub.s32 $0x3C, v9;
	[tilespmem:s22+$0xFFFFFA00] =	vst v14;
	v54 =	vand.u32 $0x3F, v63;
	v49 =	vor.u32 v19, v2  }
0xb7: {  	v61 =	vsub.s32 $0xD, v1;
	v19 =	vand.u32 $0x3F, v62;
	[tilespmem:s23+$0xFFFFF310] =	vst v50;
	v54 =	vor.u32 v54, v2  }
0xb8: {  	v50 =	vor.u32 v19, v2;
	v19 =	vld [tilespmem:s24+$0xFFFFFFF0];
	[tilespmem:s23+$0xFFFFF390] =	vst v16;
	v16 =	vand.u32 $0x3F, v61;
	v61 =	vsub.s32 $0xE, v1  }
0xb9: {  	v51 =	vsub.s32 $0x3B, v9;
	v62 =	vor.u32 v16, v2;
	v14 =	vand.u32 $0x3F, v61;
	v53 =	vld.idx.msk [tilespmem:v53+s4+$0x0], $0xffff;
	[tilespmem:s22+$0xFFFFFA80] =	vst v13  }
0xba: {  	v59 =	vsub.s32 $0x3D, v9;
	v16 =	vsub.s32 $0xF, v1;
	v55 =	vld.idx.msk [tilespmem:v55+s4+$0x0], $0xffff;
	v61 =	vor.u32 v14, v2;
	[tilespmem:s22+$0xFFFFFB00] =	vst v12  }
0xbb: {  	v52 =	vsub.s32 $0x3E, v9;
	v9 =	vand.u32 $0x3F, v9;
	v13 =	vand.u32 $0x3F, v16;
	v49 =	vld.idx.msk [tilespmem:v49+s4+$0x0], $0xffff;
	[tilespmem:s22+$0xFFFFFB80] =	vst v58  }
0xbc: {  	v9 =	vor.u32 v9, v10;
	[tilespmem:s22+$0xC10] =	vst v11;
	v54 =	vld.idx.msk [tilespmem:v54+s4+$0x0], $0xffff;
	v63 =	vor.u32 v13, v2  }
0xbd: {  	v0 =	vxor.u32 $0x3F, v9;
	[tilespmem:s22+$0xC90] =	vst v46;
	v50 =	vld.idx.msk [tilespmem:v50+s4+$0x0], $0xffff  }
0xbe: {  	v46 =	vld.idx.msk [tilespmem:v62+s4+$0x0], $0xffff;
	[tilespmem:$0x1FF70] =	vst v0  }
0xbf: {  	[tilespmem:s22+$0xD10] =	vst v47;
	v47 =	vld.idx.msk [tilespmem:v61+s4+$0x0], $0xffff  }
0xc0: {  	v56 =	vand.u32 $0x3F, v56;
	[tilespmem:s22+$0xD90] =	vst v48;
	v40 =	vld.idx.msk [tilespmem:v40+s4+$0x0], $0xffff  }
0xc1: {  	v16 =	vor.u32 v56, v10;
	v56 =	vld.idx.msk [tilespmem:v63+s4+$0x0], $0xffff;
	[tilespmem:s23+$0xFFFFF410] =	vst v53  }
0xc2: {  	v18 =	vor.u32 v18, v10;
	v4 =	vand.u32 $0x3F, v4;
	v6 =	vand.u32 $0x3F, v6;
	v41 =	vld.idx.msk [tilespmem:v41+s4+$0x0], $0xffff;
	[tilespmem:s23+$0xFFFFF490] =	vst v55  }
0xc3: {  	v7 =	vor.u32 v4, v10;
	v6 =	vor.u32 v6, v10;
	v60 =	vand.u32 $0x3F, v60;
	v39 =	vld.idx.msk [tilespmem:v39+s4+$0x0], $0xffff;
	[tilespmem:s23+$0xFFFFF510] =	vst v49  }
0xc4: {  	v51 =	vand.u32 $0x3F, v51;
	v52 =	vand.u32 $0x3F, v52;
	v9 =	vsub.s32 $0x10, v1;
	v38 =	vld.idx.msk [tilespmem:v38+s4+$0x0], $0xffff;
	[tilespmem:s23+$0xFFFFF590] =	vst v50  }
0xc5: {  	v9 =	vand.u32 $0x3F, v9;
	v14 =	vand.u32 $0x3F, v15;
	v12 =	vand.u32 $0x3F, v57;
	v37 =	vld.idx.msk [tilespmem:v37+s4+$0x0], $0xffff;
	[tilespmem:s23+$0xFFFFF610] =	vst v54  }
0xc6: {  	v15 =	vor.u32 v60, v10;
	v60 =	vand.u32 $0x3F, v59;
	v14 =	vor.u32 v14, v10;
	v42 =	vld.idx.msk [tilespmem:v42+s4+$0x0], $0xffff;
	[tilespmem:s23+$0xFFFFF690] =	vst v46  }
0xc7: {  	v13 =	vor.u32 v51, v10;
	v62 =	vsub.s32 $0x0, v19;
	v61 =	vsub.s32 $0x11, v1;
	v43 =	vld.idx.msk [tilespmem:v43+s4+$0x0], $0xffff;
	[tilespmem:s23+$0xFFFFF710] =	vst v47  }
0xc8: {  	v12 =	vor.u32 v12, v10;
	v48 =	vand.u32 $0x3F, v62;
	v62 =	vand.u32 $0x3F, v61;
	v61 =	vld.idx.msk [tilespmem:v18+s4+$0x0], $0xffff;
	[tilespmem:s22+$0xFFFFFC00] =	vst v40  }
0xc9: {  	v11 =	vor.u32 v60, v10;
	v10 =	vor.u32 v52, v10;
	v51 =	vsub.s32 $0x1, v19;
	[tilespmem:s22+$0xFFFFFC80] =	vst v41  }
0xca: {  	v52 =	vsub.s32 $0x2, v19;
	v57 =	vsub.s32 $0x3, v19;
	v49 =	vor.u32 v9, v2;
	[tilespmem:s22+$0xFFFFFD00] =	vst v39  }
0xcb: {  	v58 =	vsub.s32 $0x4, v19;
	v63 =	vsub.s32 $0x12, v1;
	v50 =	vor.u32 v62, v2;
	[tilespmem:s22+$0xFFFFFD80] =	vst v38  }
0xcc: {  	v59 =	vsub.s32 $0x5, v19;
	v9 =	vsub.s32 $0x13, v1;
	v54 =	vand.u32 $0x3F, v63;
	[tilespmem:s22+$0xFFFFFE00] =	vst v37  }
0xcd: {  	v18 =	vand.u32 $0x3F, v9;
	v62 =	vsub.s32 $0x14, v1;
	v46 =	vor.u32 v54, v2;
	[tilespmem:s22+$0xFFFFFF00] =	vst v42  }
0xce: {  	v63 =	vsub.s32 $0x15, v1;
	v47 =	vor.u32 v18, v2;
	v18 =	vand.u32 $0x3F, v62;
	[tilespmem:s23+$0xFFFFF790] =	vst v56  }
0xcf: {  	v62 =	vsub.s32 $0x17, v1;
	[tilespmem:s22+$0xFFFFFF80] =	vst v43;
	v55 =	vor.u32 v18, v2;
	v18 =	vand.u32 $0x3F, v63;
	v40 =	vld.idx.msk [tilespmem:v49+s4+$0x0], $0xffff  }
0xd0: {  	v9 =	vsub.s32 $0x16, v1;
	v54 =	vand.u32 $0x3F, v62;
	[tilespmem:s22+$0xFFFFFE80] =	vst v61;
	v49 =	vor.u32 v18, v2;
	v50 =	vld.idx.msk [tilespmem:v50+s4+$0x0], $0xffff  }
0xd1: {  	v39 =	vand.u32 $0x3F, v52;
	v18 =	vand.u32 $0x3F, v9;
	v52 =	vor.u32 v54, v2;
	v32 =	vld.idx.msk [tilespmem:v32+s4+$0x0], $0xffff  }
0xd2: {  	v63 =	vand.u32 $0x3F, v51;
	v51 =	vor.u32 v18, v2;
	v18 =	vshll.u32 v19, $0x6;
	v46 =	vld.idx.msk [tilespmem:v46+s4+$0x0], $0xffff  }
0xd3: {  	v60 =	vsub.s32 $0x7, v19;
	v53 =	vsub.s32 $0x6, v19;
	v48 =	vor.u32 v48, v18;
	v47 =	vld.idx.msk [tilespmem:v47+s4+$0x0], $0xffff  }
0xd4: {  	[tilespmem:s22+$0xE10] =	vst v45;
	v53 =	vand.u32 $0x3F, v53;
	v38 =	vand.u32 $0x3F, v57;
	v41 =	vor.u32 v63, v18;
	v55 =	vld.idx.msk [tilespmem:v55+s4+$0x0], $0xffff  }
0xd5: {  	[tilespmem:s22+$0xE90] =	vst v44;
	v57 =	vsub.s32 $0x8, v19;
	v62 =	vand.u32 $0x3F, v59;
	v39 =	vor.u32 v39, v18;
	v49 =	vld.idx.msk [tilespmem:v49+s4+$0x0], $0xffff  }
0xd6: {  	[tilespmem:s22+$0xF10] =	vst v28;
	v56 =	vsub.s32 $0x9, v19;
	v9 =	vand.u32 $0x3F, v58;
	v38 =	vor.u32 v38, v18;
	v52 =	vld.idx.msk [tilespmem:v52+s4+$0x0], $0xffff  }
0xd7: {  	v59 =	vsub.s32 $0xB, v19;
	v61 =	vsub.s32 $0xE, v19;
	v54 =	vor.u32 v9, v18;
	v51 =	vld.idx.msk [tilespmem:v51+s4+$0x0], $0xffff;
	[tilespmem:s23+$0xFFFFF810] =	vst v40  }
0xd8: {  	v45 =	vand.u32 $0x3F, v57;
	v58 =	vsub.s32 $0xA, v19;
	v37 =	vor.u32 v62, v18;
	[tilespmem:s23+$0xFFFFF890] =	vst v50;
	v48 =	vld.idx.msk [tilespmem:v48+s4+$0x0], $0xffff  }
0xd9: {  	v63 =	vand.u32 $0x3F, v60;
	v42 =	vor.u32 v53, v18;
	v9 =	vsub.s32 $0x18, v1;
	v40 =	vld.idx.msk [tilespmem:v41+s4+$0x0], $0xffff;
	[tilespmem:s23+$0xFFFFF910] =	vst v46  }
0xda: {  	v53 =	vor.u32 v63, v18;
	v63 =	vand.u32 $0x3F, v9;
	v9 =	vsub.s32 $0x19, v1;
	v39 =	vld.idx.msk [tilespmem:v39+s4+$0x0], $0xffff;
	[tilespmem:s23+$0xFFFFF990] =	vst v47  }
0xdb: {  	v38 =	vld.idx.msk [tilespmem:v38+s4+$0x0], $0xffff;
	v46 =	vor.u32 v63, v2;
	v63 =	vand.u32 $0x3F, v9;
	v9 =	vsub.s32 $0x1A, v1;
	[tilespmem:s23+$0xFFFFFA10] =	vst v55  }
0xdc: {  	v54 =	vld.idx.msk [tilespmem:v54+s4+$0x0], $0xffff;
	v47 =	vor.u32 v63, v2;
	v50 =	vand.u32 $0x3F, v9;
	v63 =	vsub.s32 $0x1B, v1;
	[tilespmem:s23+$0xFFFFFA90] =	vst v49  }
0xdd: {  	v37 =	vld.idx.msk [tilespmem:v37+s4+$0x0], $0xffff;
	v9 =	vand.u32 $0x3F, v63;
	v63 =	vsub.s32 $0x1C, v1;
	v49 =	vor.u32 v50, v2;
	[tilespmem:s23+$0xFFFFFB90] =	vst v52  }
0xde: {  	v42 =	vld.idx.msk [tilespmem:v42+s4+$0x0], $0xffff;
	v50 =	vor.u32 v9, v2;
	v9 =	vand.u32 $0x3F, v63;
	v63 =	vsub.s32 $0x1D, v1;
	[tilespmem:s23+$0xFFFFFB10] =	vst v51  }
0xdf: {  	v53 =	vld.idx.msk [tilespmem:v53+s4+$0x0], $0xffff;
	v51 =	vor.u32 v9, v2;
	v9 =	vand.u32 $0x3F, v63;
	v63 =	vsub.s32 $0x1E, v1;
	[tilespmem:s23+$0xFFFFF000] =	vst v48  }
0xe0: {  	v43 =	vld.idx.msk [tilespmem:v46+s4+$0x0], $0xffff;
	v46 =	vor.u32 v9, v2;
	v9 =	vand.u32 $0x3F, v63;
	v63 =	vsub.s32 $0x1F, v1;
	[tilespmem:s23+$0xFFFFF080] =	vst v40  }
0xe1: {  	v56 =	vand.u32 $0x3F, v56;
	[tilespmem:s23+$0xFFFFF100] =	vst v39;
	v47 =	vld.idx.msk [tilespmem:v47+s4+$0x0], $0xffff;
	v52 =	vor.u32 v9, v2;
	v55 =	vand.u32 $0x3F, v63  }
0xe2: {  	v61 =	vand.u32 $0x3F, v61;
	v57 =	vand.u32 $0x3F, v58;
	[tilespmem:s23+$0xFFFFF180] =	vst v38;
	v44 =	vld.idx.msk [tilespmem:v49+s4+$0x0], $0xffff;
	v49 =	vor.u32 v55, v2  }
0xe3: {  	v60 =	vsub.s32 $0xC, v19;
	v62 =	vsub.s32 $0xF, v19;
	v41 =	vsub.s32 $0xD, v19;
	[tilespmem:s23+$0xFFFFF200] =	vst v54;
	v48 =	vld.idx.msk [tilespmem:v50+s4+$0x0], $0xffff  }
0xe4: {  	v45 =	vor.u32 v45, v18;
	v60 =	vand.u32 $0x3F, v60;
	v41 =	vand.u32 $0x3F, v41;
	[tilespmem:s23+$0xFFFFF280] =	vst v37;
	v40 =	vld.idx.msk [tilespmem:v51+s4+$0x0], $0xffff  }
0xe5: {  	v58 =	vor.u32 v60, v18;
	v60 =	vsub.s32 $0x14, v19;
	v41 =	vor.u32 v41, v18;
	[tilespmem:s23+$0xFFFFF300] =	vst v42;
	v46 =	vld.idx.msk [tilespmem:v46+s4+$0x0], $0xffff  }
0xe6: {  	v38 =	vsub.s32 $0x11, v19;
	v54 =	vsub.s32 $0x12, v19;
	v42 =	vsub.s32 $0x18, v19;
	[tilespmem:s23+$0xFFFFF380] =	vst v53;
	v52 =	vld.idx.msk [tilespmem:v52+s4+$0x0], $0xffff  }
0xe7: {  	v9 =	vand.u32 $0x3F, v59;
	v63 =	vand.u32 $0x3F, v62;
	v59 =	vsub.s32 $0x13, v19;
	v49 =	vld.idx.msk [tilespmem:v49+s4+$0x0], $0xffff;
	[tilespmem:s23+$0xFFFFFC10] =	vst v43  }
0xe8: {  	v62 =	vld.idx.msk [tilespmem:v31+s4+$0x0], $0xffff;
	v31 =	vsub.s32 $0x17, v19;
	v39 =	vor.u32 v63, v18;
	v55 =	vor.u32 v9, v18;
	[tilespmem:s23+$0xFFFFFC90] =	vst v47  }
0xe9: {  	v33 =	vld.idx.msk [tilespmem:v33+s4+$0x0], $0xffff;
	v9 =	vsub.s32 $0x20, v1;
	v51 =	vor.u32 v56, v18;
	v56 =	vor.u32 v57, v18;
	[tilespmem:s23+$0xFFFFFD10] =	vst v44  }
0xea: {  	v29 =	vld.idx.msk [tilespmem:v29+s4+$0x0], $0xffff;
	v57 =	vsub.s32 $0x10, v19;
	v44 =	vand.u32 $0x3F, v9;
	v9 =	vsub.s32 $0x21, v1;
	[tilespmem:s23+$0xFFFFFD90] =	vst v48  }
0xeb: {  	v63 =	vld.idx.msk [tilespmem:v30+s4+$0x0], $0xffff;
	v48 =	vsub.s32 $0x22, v1;
	v30 =	vor.u32 v44, v2;
	v9 =	vand.u32 $0x3F, v9;
	[tilespmem:s23+$0xFFFFFE10] =	vst v40  }
0xec: {  	v36 =	vld.idx.msk [tilespmem:v36+s4+$0x0], $0xffff;
	v40 =	vor.u32 v9, v2;
	v9 =	vand.u32 $0x3F, v48;
	v48 =	vsub.s32 $0x23, v1;
	[tilespmem:s23+$0xFFFFFE90] =	vst v46  }
0xed: {  	v35 =	vld.idx.msk [tilespmem:v35+s4+$0x0], $0xffff;
	v44 =	vor.u32 v9, v2;
	v9 =	vand.u32 $0x3F, v48;
	v48 =	vsub.s32 $0x24, v1;
	[tilespmem:s23+$0xFFFFFF10] =	vst v52  }
0xee: {  	v52 =	vld.idx.msk [tilespmem:v34+s4+$0x0], $0xffff;
	[tilespmem:s22+$0x0] =	vst v32;
	v46 =	vor.u32 v9, v2;
	v47 =	vand.u32 $0x3F, v48;
	v9 =	vsub.s32 $0x25, v1  }
0xef: {  	v45 =	vld.idx.msk [tilespmem:v45+s4+$0x0], $0xffff;
	[tilespmem:s23+$0xFFFFFF90] =	vst v49;
	v34 =	vor.u32 v47, v2;
	v47 =	vand.u32 $0x3F, v9;
	v9 =	vsub.s32 $0x26, v1  }
0xf0: {  	[tilespmem:s22+$0x80] =	vst v33;
	v0 =	vld.idx.msk [tilespmem:v30+s4+$0x0], $0xffff;
	v30 =	vor.u32 v47, v2;
	v49 =	vand.u32 $0x3F, v9;
	v9 =	vsub.s32 $0x27, v1  }
0xf1: {  	[tilespmem:s22+$0x100] =	vst v62;
	v48 =	vand.u32 $0x3F, v57;
	v40 =	vld.idx.msk [tilespmem:v40+s4+$0x0], $0xffff;
	v57 =	vor.u32 v49, v2;
	v49 =	vand.u32 $0x3F, v9  }
0xf2: {  	v38 =	vand.u32 $0x3F, v38;
	v43 =	vsub.s32 $0x15, v19;
	[tilespmem:s22+$0x180] =	vst v63;
	v44 =	vld.idx.msk [tilespmem:v44+s4+$0x0], $0xffff;
	v53 =	vor.u32 v49, v2  }
0xf3: {  	v37 =	vand.u32 $0x3F, v59;
	v50 =	vor.u32 v61, v18;
	v43 =	vand.u32 $0x3F, v43;
	[tilespmem:s22+$0x200] =	vst v29;
	v32 =	vld.idx.msk [tilespmem:v46+s4+$0x0], $0xffff  }
0xf4: {  	v37 =	vor.u32 v37, v18;
	v33 =	vor.u32 v43, v18;
	[tilespmem:s22+$0x280] =	vst v36;
	v47 =	vand.u32 $0x3F, v54;
	v59 =	vld.idx.msk [tilespmem:v34+s4+$0x0], $0xffff  }
0xf5: {  	v61 =	vsub.s32 $0x16, v19;
	[tilespmem:s22+$0x300] =	vst v35;
	v49 =	vor.u32 v38, v18;
	v38 =	vor.u32 v47, v18;
	v47 =	vld.idx.msk [tilespmem:v30+s4+$0x0], $0xffff  }
0xf6: {  	v29 =	vand.u32 $0x3F, v42;
	v48 =	vor.u32 v48, v18;
	v54 =	vsub.s32 $0x1A, v19;
	[tilespmem:s22+$0x380] =	vst v52;
	v43 =	vld.idx.msk [tilespmem:v57+s4+$0x0], $0xffff  }
0xf7: {  	v9 =	vand.u32 $0x3F, v60;
	v60 =	vand.u32 $0x3F, v61;
	v61 =	vand.u32 $0x3F, v31;
	v53 =	vld.idx.msk [tilespmem:v53+s4+$0x0], $0xffff;
	[tilespmem:s23+$0x10] =	vst v0  }
0xf8: {  	v58 =	vld.idx.msk [tilespmem:v58+s4+$0x0], $0xffff;
	v54 =	vand.u32 $0x3F, v54;
	v31 =	vor.u32 v60, v18;
	v60 =	vsub.s32 $0x1C, v19;
	[tilespmem:s23+$0x90] =	vst v40  }
0xf9: {  	v41 =	vld.idx.msk [tilespmem:v41+s4+$0x0], $0xffff;
	v36 =	vor.u32 v54, v18;
	v34 =	vor.u32 v9, v18;
	v9 =	vsub.s32 $0x28, v1;
	[tilespmem:s23+$0x110] =	vst v44  }
0xfa: {  	v39 =	vld.idx.msk [tilespmem:v39+s4+$0x0], $0xffff;
	v46 =	vsub.s32 $0x19, v19;
	v40 =	vand.u32 $0x3F, v9;
	v9 =	vsub.s32 $0x29, v1;
	[tilespmem:s23+$0x190] =	vst v32  }
0xfb: {  	v62 =	vld.idx.msk [tilespmem:v51+s4+$0x0], $0xffff;
	v32 =	vor.u32 v40, v2;
	v40 =	vand.u32 $0x3F, v9;
	v9 =	vsub.s32 $0x2A, v1;
	[tilespmem:s23+$0x210] =	vst v59  }
0xfc: {  	v56 =	vld.idx.msk [tilespmem:v56+s4+$0x0], $0xffff;
	v40 =	vor.u32 v40, v2;
	v51 =	vand.u32 $0x3F, v9;
	v9 =	vsub.s32 $0x2B, v1;
	[tilespmem:s23+$0x290] =	vst v47  }
0xfd: {  	v55 =	vld.idx.msk [tilespmem:v55+s4+$0x0], $0xffff;
	v47 =	vor.u32 v51, v2;
	v51 =	vand.u32 $0x3F, v9;
	v9 =	vsub.s32 $0x2C, v1;
	[tilespmem:s23+$0x310] =	vst v43  }
0xfe: {  	v25 =	vld.idx.msk [tilespmem:v25+s4+$0x0], $0xffff;
	v43 =	vor.u32 v51, v2;
	v51 =	vand.u32 $0x3F, v9;
	v9 =	vsub.s32 $0x2D, v1;
	[tilespmem:s23+$0x390] =	vst v53  }
0xff: {  	v53 =	vld.idx.msk [tilespmem:v50+s4+$0x0], $0xffff;
	v50 =	vor.u32 v51, v2;
	v51 =	vand.u32 $0x3F, v9;
	v9 =	vsub.s32 $0x2E, v1;
	[tilespmem:s23+$0xFFFFF400] =	vst v45  }
0x100: {  	[tilespmem:s23+$0xFFFFF480] =	vst v62;
	v63 =	vld.idx.msk [tilespmem:v32+s4+$0x0], $0xffff;
	v32 =	vor.u32 v51, v2;
	v51 =	vand.u32 $0x3F, v9;
	v9 =	vsub.s32 $0x2F, v1  }
0x101: {  	v60 =	vand.u32 $0x3F, v60;
	[tilespmem:s23+$0xFFFFF500] =	vst v56;
	v40 =	vld.idx.msk [tilespmem:v40+s4+$0x0], $0xffff;
	v42 =	vor.u32 v51, v2;
	v9 =	vand.u32 $0x3F, v9  }
0x102: {  	v46 =	vand.u32 $0x3F, v46;
	v54 =	vor.u32 v60, v18;
	[tilespmem:s23+$0xFFFFF580] =	vst v55;
	v59 =	vld.idx.msk [tilespmem:v47+s4+$0x0], $0xffff;
	v47 =	vor.u32 v9, v2  }
0x103: {  	v30 =	vor.u32 v61, v18;
	v61 =	vsub.s32 $0x1E, v19;
	v0 =	vsub.s32 $0x1D, v19;
	[tilespmem:s23+$0xFFFFF600] =	vst v58;
	v43 =	vld.idx.msk [tilespmem:v43+s4+$0x0], $0xffff  }
0x104: {  	v0 =	vand.u32 $0x3F, v0;
	[tilespmem:s23+$0xFFFFF680] =	vst v41;
	v51 =	vor.u32 v29, v18;
	v29 =	vand.u32 $0x3F, v61;
	v61 =	vld.idx.msk [tilespmem:v50+s4+$0x0], $0xffff  }
0x105: {  	v52 =	vor.u32 v46, v18;
	v35 =	vor.u32 v0, v18;
	v0 =	vsub.s32 $0x33, v1;
	[tilespmem:s23+$0xFFFFF780] =	vst v39;
	v46 =	vld.idx.msk [tilespmem:v32+s4+$0x0], $0xffff  }
0x106: {  	v60 =	vsub.s32 $0x24, v19;
	v44 =	vsub.s32 $0x1F, v19;
	v0 =	vand.u32 $0x3F, v0;
	[tilespmem:s23+$0xFFFFF700] =	vst v53;
	v3 =	vld.idx.msk [tilespmem:v42+s4+$0x0], $0xffff  }
0x107: {  	v44 =	vand.u32 $0x3F, v44;
	v0 =	vor.u32 v0, v2;
	v9 =	vsub.s32 $0x21, v19;
	v28 =	vld.idx.msk [tilespmem:v47+s4+$0x0], $0xffff;
	[tilespmem:s23+$0x410] =	vst v63  }
0x108: {  	v24 =	vld.idx.msk [tilespmem:v24+s4+$0x0], $0xffff;
	v32 =	vor.u32 v29, v18;
	v29 =	vor.u32 v44, v18;
	v44 =	vand.u32 $0x3F, v9;
	[tilespmem:s23+$0x490] =	vst v40  }
0x109: {  	v9 =	vsub.s32 $0x34, v1;
	v40 =	vsub.s32 $0x25, v19;
	v63 =	vld.idx.msk [tilespmem:v26+s4+$0x0], $0xffff;
	v26 =	vsub.s32 $0x30, v1;
	[tilespmem:s23+$0x510] =	vst v59  }
0x10a: {  	v59 =	vld.idx.msk [tilespmem:v27+s4+$0x0], $0xffff;
	v27 =	vsub.s32 $0x31, v1;
	v26 =	vand.u32 $0x3F, v26;
	[tilespmem:s23+$0x590] =	vst v43;
	v40 =	vand.u32 $0x3F, v40  }
0x10b: {  	v48 =	vld.idx.msk [tilespmem:v48+s4+$0x0], $0xffff;
	v43 =	vor.u32 v26, v2;
	v26 =	vand.u32 $0x3F, v27;
	v27 =	vsub.s32 $0x32, v1;
	[tilespmem:s23+$0x610] =	vst v61  }
0x10c: {  	v41 =	vor.u32 v40, v18;
	v61 =	vor.u32 v26, v2;
	v27 =	vand.u32 $0x3F, v27;
	[tilespmem:s23+$0x690] =	vst v46;
	v26 =	vld.idx.msk [tilespmem:v23+s4+$0x0], $0xffff  }
0x10d: {  	v46 =	vsub.s32 $0x37, v1;
	v23 =	vor.u32 v27, v2;
	[tilespmem:s23+$0x710] =	vst v3;
	v27 =	vld.idx.msk [tilespmem:v22+s4+$0x0], $0xffff;
	v3 =	vand.u32 $0x3F, v9  }
0x10e: {  	v22 =	vsub.s32 $0x35, v1;
	v9 =	vsub.s32 $0x26, v19;
	[tilespmem:s23+$0x790] =	vst v28;
	v28 =	vld.idx.msk [tilespmem:v21+s4+$0x0], $0xffff;
	v3 =	vor.u32 v3, v2  }
0x10f: {  	v21 =	vand.u32 $0x3F, v22;
	v22 =	vsub.s32 $0x36, v1;
	v58 =	vand.u32 $0x3F, v9;
	v0 =	vld.idx.msk [tilespmem:v0+s4+$0x0], $0xffff  }
0x110: {  	v21 =	vor.u32 v21, v2;
	v22 =	vand.u32 $0x3F, v22;
	v40 =	vor.u32 v58, v18;
	v58 =	vld.idx.msk [tilespmem:v20+s4+$0x0], $0xffff  }
0x111: {  	v57 =	vsub.s32 $0x1B, v19;
	v4 =	vld.idx.msk [tilespmem:v43+s4+$0x0], $0xffff;
	v22 =	vor.u32 v22, v2;
	v43 =	vand.u32 $0x3F, v46  }
0x112: {  	v57 =	vand.u32 $0x3F, v57;
	v62 =	vsub.s32 $0x27, v19;
	v61 =	vld.idx.msk [tilespmem:v61+s4+$0x0], $0xffff;
	v56 =	vor.u32 v43, v2  }
0x113: {  	v50 =	vor.u32 v57, v18;
	v57 =	vsub.s32 $0x23, v19;
	v53 =	vsub.s32 $0x29, v19;
	v23 =	vld.idx.msk [tilespmem:v23+s4+$0x0], $0xffff  }
0x114: {  	v55 =	vand.u32 $0x3F, v57;
	v42 =	vsub.s32 $0x20, v19;
	v47 =	vsub.s32 $0x22, v19;
	[tilespmem:s22+$0x400] =	vst v63;
	v3 =	vld.idx.msk [tilespmem:v3+s4+$0x0], $0xffff  }
0x115: {  	v57 =	vand.u32 $0x3F, v60;
	v42 =	vand.u32 $0x3F, v42;
	v47 =	vand.u32 $0x3F, v47;
	[tilespmem:s22+$0x480] =	vst v59;
	v21 =	vld.idx.msk [tilespmem:v21+s4+$0x0], $0xffff  }
0x116: {  	v45 =	vor.u32 v42, v18;
	v42 =	vor.u32 v57, v18;
	v9 =	vand.u32 $0x3F, v62;
	[tilespmem:s22+$0x580] =	vst v24;
	v22 =	vld.idx.msk [tilespmem:v22+s4+$0x0], $0xffff  }
0x117: {  	v57 =	vsub.s32 $0x2B, v19;
	v62 =	vsub.s32 $0x28, v19;
	v39 =	vor.u32 v9, v18;
	v56 =	vld.idx.msk [tilespmem:v56+s4+$0x0], $0xffff;
	[tilespmem:s23+$0x810] =	vst v4  }
0x118: {  	v49 =	vld.idx.msk [tilespmem:v49+s4+$0x0], $0xffff;
	v9 =	vsub.s32 $0x38, v1;
	v46 =	vor.u32 v44, v18;
	v44 =	vor.u32 v47, v18;
	[tilespmem:s23+$0x890] =	vst v61  }
0x119: {  	v38 =	vld.idx.msk [tilespmem:v38+s4+$0x0], $0xffff;
	v47 =	vand.u32 $0x3F, v62;
	v43 =	vor.u32 v55, v18;
	v55 =	vsub.s32 $0x2A, v19;
	[tilespmem:s23+$0x990] =	vst v0  }
0x11a: {  	s28 =	sadd.s32 $0x20, s24;
	v34 =	vld.idx.msk [tilespmem:v34+s4+$0x0], $0xffff;
	v9 =	vand.u32 $0x3F, v9;
	v62 =	vsub.s32 $0x39, v1;
	v0 =	vand.u32 $0x3F, v55;
	[tilespmem:s23+$0x910] =	vst v23  }
0x11b: {  	v24 =	vld [tilespmem:s28+$0xFFFFFFF0];
	v61 =	vand.u32 $0x3F, v1;
	v23 =	vand.u32 $0x3F, v53;
	v53 =	vor.u32 v9, v2;
	[tilespmem:s23+$0xA10] =	vst v3  }
0x11c: {  	v55 =	vor.u32 v61, v2;
	v61 =	vsub.s32 $0x3A, v1;
	v3 =	vand.u32 $0x3F, v57;
	v57 =	vld.idx.msk [tilespmem:v37+s4+$0x0], $0xffff;
	[tilespmem:s23+$0xA90] =	vst v21  }
0x11d: {  	v9 =	vxor.u32 $0x3F, v55;
	v55 =	vld.idx.msk [tilespmem:v33+s4+$0x0], $0xffff;
	v21 =	vand.u32 $0x3F, v62;
	v62 =	vsub.s32 $0x3B, v1;
	[tilespmem:s23+$0xB10] =	vst v22  }
0x11e: {  	v21 =	vor.u32 v21, v2;
	v22 =	vand.u32 $0x3F, v61;
	v33 =	vand.u32 $0x3F, v62;
	v62 =	vld.idx.msk [tilespmem:v30+s4+$0x0], $0xffff;
	[tilespmem:s23+$0xB90] =	vst v56  }
0x11f: {  	v30 =	vsub.s32 $0x3D, v1;
	v22 =	vor.u32 v22, v2;
	v56 =	vld.idx.msk [tilespmem:v31+s4+$0x0], $0xffff;
	[tilespmem:s23+$0xFFFFF800] =	vst v48  }
0x120: {  	v60 =	vsub.s32 $0x2E, v19;
	v61 =	vor.u32 v33, v2;
	v30 =	vand.u32 $0x3F, v30;
	[tilespmem:s23+$0xFFFFFA00] =	vst v34;
	v34 =	vld [tilespmem:s28+$0x0]  }
0x121: {  	v20 =	vsub.s32 $0x2D, v19;
	v37 =	vor.u32 v47, v18;
	[tilespmem:s23+$0xFFFFF880] =	vst v49;
	v53 =	vld.idx.msk [tilespmem:v53+s4+$0x0], $0xffff;
	v47 =	vor.u32 v30, v2  }
0x122: {  	v20 =	vand.u32 $0x3F, v20;
	v31 =	vsub.s32 $0x3C, v1;
	v1 =	vsub.s32 $0x3E, v1;
	[tilespmem:s23+$0xFFFFF900] =	vst v38;
	v63 =	vld.idx.msk [tilespmem:v9+s4+$0x0], $0xffff  }
0x123: {  	v4 =	vsub.s32 $0x2C, v19;
	v31 =	vand.u32 $0x3F, v31;
	v1 =	vand.u32 $0x3F, v1;
	[tilespmem:s23+$0xFFFFF980] =	vst v57;
	v5 =	vld.idx.msk [tilespmem:v21+s4+$0x0], $0xffff  }
0x124: {  	v33 =	vsub.s32 $0x2F, v19;
	v59 =	vor.u32 v31, v2;
	v1 =	vor.u32 v1, v2;
	[tilespmem:s23+$0xFFFFFA80] =	vst v55;
	v2 =	vld.idx.msk [tilespmem:v22+s4+$0x0], $0xffff  }
0x125: {  	v9 =	vand.u32 $0x3F, v60;
	v60 =	vand.u32 $0x3F, v33;
	v33 =	vor.u32 v0, v18;
	[tilespmem:s23+$0xFFFFFB80] =	vst v62;
	v0 =	vld.idx.msk [tilespmem:v61+s4+$0x0], $0xffff  }
0x126: {  	v4 =	vand.u32 $0x3F, v4;
	v30 =	vor.u32 v3, v18;
	v55 =	vsub.s32 $0x32, v19;
	[tilespmem:s23+$0xFFFFFB00] =	vst v56;
	v49 =	vld.idx.msk [tilespmem:v47+s4+$0x0], $0xffff  }
0x127: {  	[tilespmem:s22+$0x500] =	vst v25;
	v3 =	vsub.s32 $0x30, v19;
	v31 =	vor.u32 v23, v18;
	v25 =	vand.u32 $0x3F, v55;
	v55 =	vld.idx.msk [tilespmem:v51+s4+$0x0], $0xffff  }
0x128: {  	v23 =	vor.u32 v4, v18;
	v4 =	vsub.s32 $0x31, v19;
	v57 =	vsub.s32 $0x33, v19;
	v52 =	vld.idx.msk [tilespmem:v52+s4+$0x0], $0xffff  }
0x129: {  	[tilespmem:s22+$0x600] =	vst v26;
	v3 =	vand.u32 $0x3F, v3;
	v4 =	vand.u32 $0x3F, v4;
	v21 =	vor.u32 v20, v18;
	v56 =	vld.idx.msk [tilespmem:v36+s4+$0x0], $0xffff  }
0x12a: {  	[tilespmem:s22+$0x700] =	vst v28;
	v20 =	vor.u32 v60, v18;
	v60 =	vsub.s32 $0x35, v19;
	v26 =	vsub.s32 $0x0, v34;
	v28 =	vld.idx.msk [tilespmem:v50+s4+$0x0], $0xffff  }
0x12b: {  	[tilespmem:s22+$0x680] =	vst v27;
	v27 =	vsub.s32 $0x1, v34;
	v36 =	vshll.u32 v34, $0x6;
	v26 =	vand.u32 $0x3F, v26;
	v54 =	vld.idx.msk [tilespmem:v54+s4+$0x0], $0xffff  }
0x12c: {  	[tilespmem:s22+$0x780] =	vst v58;
	v62 =	vsub.s32 $0x2, v34;
	v27 =	vand.u32 $0x3F, v27;
	v48 =	vld.idx.msk [tilespmem:v59+s4+$0x0], $0xffff;
	v26 =	vor.u32 v26, v36  }
0x12d: {  	v22 =	vor.u32 v9, v18;
	v50 =	vand.u32 $0x3F, v62;
	v38 =	vld.idx.msk [tilespmem:v1+s4+$0x0], $0xffff;
	v27 =	vor.u32 v27, v36;
	[tilespmem:s23+$0xF90] =	vst v63  }
0x12e: {  	v9 =	vsub.s32 $0x34, v19;
	v47 =	vand.u32 $0x3F, v60;
	v35 =	vld.idx.msk [tilespmem:v35+s4+$0x0], $0xffff;
	v60 =	vor.u32 v50, v36;
	[tilespmem:s23+$0xC10] =	vst v53  }
0x12f: {  	v57 =	vand.u32 $0x3F, v57;
	v59 =	vand.u32 $0x3F, v9;
	v9 =	vsub.s32 $0x3, v34;
	v53 =	vld.idx.msk [tilespmem:v32+s4+$0x0], $0xffff;
	[tilespmem:s23+$0xC90] =	vst v5  }
0x130: {  	v57 =	vor.u32 v57, v18;
	v61 =	vsub.s32 $0x36, v19;
	v63 =	vand.u32 $0x3F, v9;
	v5 =	vld.idx.msk [tilespmem:v29+s4+$0x0], $0xffff;
	[tilespmem:s23+$0xD10] =	vst v2  }
0x131: {  	v51 =	vor.u32 v3, v18;
	v3 =	vand.u32 $0x3F, v61;
	v61 =	vor.u32 v63, v36;
	[tilespmem:s23+$0xD90] =	vst v0;
	v62 =	vld.idx.msk [tilespmem:v26+s4+$0x0], $0xffff  }
0x132: {  	v1 =	vsub.s32 $0x37, v19;
	v32 =	vor.u32 v4, v18;
	v9 =	vsub.s32 $0x4, v34;
	[tilespmem:s23+$0xFFFFFC00] =	vst v55;
	v4 =	vld.idx.msk [tilespmem:v27+s4+$0x0], $0xffff  }
0x133: {  	v63 =	vand.u32 $0x3F, v9;
	v9 =	vsub.s32 $0x5, v34;
	v55 =	vld.idx.msk [tilespmem:v60+s4+$0x0], $0xffff;
	[tilespmem:$0x1FFD0] =	vst v57;
	v57 =	vor.u32 v59, v18  }
0x134: {  	v50 =	vsub.s32 $0x6, v34;
	v58 =	vor.u32 v63, v36;
	v29 =	vand.u32 $0x3F, v9;
	[tilespmem:$0x1FFE0] =	vst v57  }
0x135: {  	v2 =	vor.u32 v29, v36;
	v26 =	vand.u32 $0x3F, v50;
	v59 =	vor.u32 v47, v18;
	[tilespmem:s23+$0xFFFFFC80] =	vst v52  }
0x136: {  	v3 =	vor.u32 v3, v18;
	v29 =	vsub.s32 $0x7, v34;
	v0 =	vor.u32 v26, v36;
	v52 =	vld.idx.msk [tilespmem:v61+s4+$0x0], $0xffff;
	[tilespmem:$0x1FFF0] =	vst v59  }
0x137: {  	v1 =	vand.u32 $0x3F, v1;
	v26 =	vand.u32 $0x3F, v29;
	[tilespmem:$0x1FEA0] =	vst v3  }
0x138: {  	v1 =	vor.u32 v1, v18;
	v63 =	vsub.s32 $0x38, v19;
	v60 =	vor.u32 v26, v36;
	[tilespmem:s23+$0xFFFFFD00] =	vst v56  }
0x139: {  	v63 =	vand.u32 $0x3F, v63;
	v3 =	vld.idx.msk [tilespmem:v58+s4+$0x0], $0xffff;
	[tilespmem:$0x1FEB0] =	vst v1  }
0x13a: {  	v50 =	vor.u32 v25, v18;
	v47 =	vsub.s32 $0x3A, v19;
	v25 =	vsub.s32 $0x3E, v19;
	[tilespmem:s23+$0xFFFFFD80] =	vst v28;
	v56 =	vld.idx.msk [tilespmem:v2+s4+$0x0], $0xffff  }
0x13b: {  	v57 =	vsub.s32 $0x39, v19;
	v61 =	vsub.s32 $0x3D, v19;
	v1 =	vand.u32 $0x3F, v19;
	[tilespmem:s23+$0xFFFFFE00] =	vst v54;
	v58 =	vld.idx.msk [tilespmem:v0+s4+$0x0], $0xffff  }
0x13c: {  	s24 =	sadd.s32 $0x20, s23;
	v28 =	vsub.s32 $0x3B, v19;
	v54 =	vsub.s32 $0x3C, v19;
	[tilespmem:s23+$0xFFFFFE80] =	vst v35;
	v2 =	vand.u32 $0x3F, v57;
	v8 =	vld.idx.msk [tilespmem:v8+s4+$0x0], $0xffff  }
0x13d: {  	v57 =	vld.idx.msk [tilespmem:v60+s4+$0x0], $0xffff;
	[tilespmem:s24+$0xFFFFF010] =	vst v62;
	v19 =	vand.u32 $0x3F, v28;
	v28 =	vand.u32 $0x3F, v54;
	v54 =	vor.u32 v63, v18  }
0x13e: {  	v0 =	vand.u32 $0x3F, v47;
	v47 =	vld.idx.msk [tilespmem:v17+s4+$0x0], $0xffff;
	[tilespmem:$0x1FEC0] =	vst v54  }
0x13f: {  	[tilespmem:s24+$0xFFFFF090] =	vst v4  }
0x140: {  	[tilespmem:s24+$0xFFFFF110] =	vst v55  }
0x141: {  	[tilespmem:s24+$0xFFFFF190] =	vst v52  }
0x142: {  	v60 =	vld [tilespmem:$0x1FED0];
	_ =	sdelay $0x6  }
0x143: {  	[tilespmem:s24+$0xFFFFF210] =	vst v3  }
0x144: {  	v17 =	vand.u32 $0x3F, v61;
	v61 =	vsub.s32 $0xA, v34;
	[tilespmem:s24+$0xFFFFF290] =	vst v56;
	v52 =	vld.idx.msk [tilespmem:v60+s4+$0x0], $0xffff  }
0x145: {  	v59 =	vsub.s32 $0x9, v34;
	v62 =	vand.u32 $0x3F, v61;
	v4 =	vsub.s32 $0x8, v34;
	v60 =	vld [tilespmem:$0x1FEE0]  }
0x146: {  	v63 =	vsub.s32 $0xB, v34;
	v54 =	vand.u32 $0x3F, v59;
	v4 =	vand.u32 $0x3F, v4;
	v3 =	vld.idx.msk [tilespmem:v6+s4+$0x0], $0xffff;
	[tilespmem:s24+$0xFFFFF310] =	vst v58  }
0x147: {  	v6 =	vor.u32 v54, v36;
	v54 =	vor.u32 v62, v36;
	v4 =	vor.u32 v4, v36;
	v62 =	vld [tilespmem:$0x1FEF0];
	[tilespmem:s24+$0xFFFFF390] =	vst v57  }
0x148: {  	v55 =	vand.u32 $0x3F, v63;
	v63 =	vld [tilespmem:$0x1FF00];
	_ =	sdelay $0x2  }
0x149: {  	v7 =	vld.idx.msk [tilespmem:v7+s4+$0x0], $0xffff  }
0x14a: {  	v9 =	vsub.s32 $0xE, v34;
	v61 =	vsub.s32 $0xC, v34;
	v4 =	vld.idx.msk [tilespmem:v4+s4+$0x0], $0xffff  }
0x14b: {  	v59 =	vand.u32 $0x3F, v61;
	v55 =	vor.u32 v55, v36;
	v56 =	vld.idx.msk [tilespmem:v60+s4+$0x0], $0xffff;
	v60 =	vsub.s32 $0xD, v34  }
0x14c: {  	v35 =	vsub.s32 $0x0, v24;
	v59 =	vor.u32 v59, v36;
	[tilespmem:s23+$0xFFFFFF80] =	vst v5;
	v5 =	vld.idx.msk [tilespmem:v6+s4+$0x0], $0xffff;
	v60 =	vand.u32 $0x3F, v60  }
0x14d: {  	[tilespmem:s23+$0xFFFFFF00] =	vst v53;
	v58 =	vld.idx.msk [tilespmem:v62+s4+$0x0], $0xffff;
	v53 =	vor.u32 v60, v36;
	v60 =	vand.u32 $0x3F, v9;
	v9 =	vsub.s32 $0xF, v34  }
0x14e: {  	v57 =	vld.idx.msk [tilespmem:v63+s4+$0x0], $0xffff;
	[tilespmem:s22+$0x800] =	vst v8;
	v8 =	vand.u32 $0x3F, v35;
	v35 =	vshll.u32 v24, $0x6;
	v6 =	vor.u32 v60, v36  }
0x14f: {  	v61 =	vsub.s32 $0x1, v24;
	v54 =	vld.idx.msk [tilespmem:v54+s4+$0x0], $0xffff;
	[tilespmem:s22+$0x880] =	vst v47;
	v60 =	vand.u32 $0x3F, v9;
	v8 =	vor.u32 v8, v35  }
0x150: {  	v55 =	vld.idx.msk [tilespmem:v55+s4+$0x0], $0xffff;
	v47 =	vand.u32 $0x3F, v61;
	[tilespmem:s22+$0x900] =	vst v7;
	v9 =	vsub.s32 $0x2, v24;
	v60 =	vor.u32 v60, v36  }
0x151: {  	v59 =	vld.idx.msk [tilespmem:v59+s4+$0x0], $0xffff;
	[tilespmem:s22+$0x980] =	vst v52;
	v47 =	vor.u32 v47, v35;
	v7 =	vand.u32 $0x3F, v9;
	v9 =	vsub.s32 $0x3, v24  }
0x152: {  	[tilespmem:s22+$0xA00] =	vst v3;
	v52 =	vand.u32 $0x3F, v9;
	v7 =	vor.u32 v7, v35;
	v9 =	vsub.s32 $0x4, v24;
	v53 =	vld.idx.msk [tilespmem:v53+s4+$0x0], $0xffff  }
0x153: {  	[tilespmem:s22+$0xA80] =	vst v56;
	v3 =	vand.u32 $0x3F, v9;
	v52 =	vor.u32 v52, v35;
	v9 =	vsub.s32 $0x5, v24;
	v6 =	vld.idx.msk [tilespmem:v6+s4+$0x0], $0xffff  }
0x154: {  	[tilespmem:s22+$0xB00] =	vst v58;
	v56 =	vand.u32 $0x3F, v9;
	v3 =	vor.u32 v3, v35;
	v9 =	vsub.s32 $0x6, v24;
	v61 =	vld.idx.msk [tilespmem:v8+s4+$0x0], $0xffff  }
0x155: {  	v63 =	vsub.s32 $0x7, v24;
	v8 =	vor.u32 v56, v35;
	v60 =	vld.idx.msk [tilespmem:v60+s4+$0x0], $0xffff;
	[tilespmem:s24+$0xFFFFF410] =	vst v4;
	v4 =	vand.u32 $0x3F, v9  }
0x156: {  	v62 =	vsub.s32 $0x11, v34;
	v47 =	vld.idx.msk [tilespmem:v47+s4+$0x0], $0xffff;
	[tilespmem:s24+$0xFFFFF490] =	vst v5;
	v5 =	vand.u32 $0x3F, v63;
	v4 =	vor.u32 v4, v35  }
0x157: {  	v9 =	vsub.s32 $0x10, v34;
	[tilespmem:s24+$0xFFFFF510] =	vst v54;
	v63 =	vand.u32 $0x3F, v62;
	v5 =	vor.u32 v5, v35;
	v54 =	vld.idx.msk [tilespmem:v7+s4+$0x0], $0xffff  }
0x158: {  	[tilespmem:s24+$0xFFFFF590] =	vst v55;
	v7 =	vand.u32 $0x3F, v9;
	v9 =	vsub.s32 $0x12, v34;
	v55 =	vor.u32 v63, v36;
	v52 =	vld.idx.msk [tilespmem:v52+s4+$0x0], $0xffff  }
0x159: {  	[tilespmem:s24+$0xFFFFF610] =	vst v59;
	v7 =	vor.u32 v7, v36;
	v56 =	vand.u32 $0x3F, v9;
	v3 =	vld.idx.msk [tilespmem:v3+s4+$0x0], $0xffff  }
0x15a: {  	[tilespmem:s24+$0xFFFFF690] =	vst v53;
	v53 =	vld.idx.msk [tilespmem:v8+s4+$0x0], $0xffff;
	v8 =	vor.u32 v56, v36  }
0x15b: {  	v62 =	vsub.s32 $0x13, v34;
	[tilespmem:s24+$0xFFFFF710] =	vst v6;
	v4 =	vld.idx.msk [tilespmem:v4+s4+$0x0], $0xffff  }
0x15c: {  	v58 =	vor.u32 v1, v18;
	v63 =	vand.u32 $0x3F, v62;
	v9 =	vsub.s32 $0x14, v34;
	[tilespmem:s24+$0xFFFFF790] =	vst v60;
	v5 =	vld.idx.msk [tilespmem:v5+s4+$0x0], $0xffff  }
0x15d: {  	v1 =	vor.u32 v2, v18;
	[tilespmem:s22+$0xB80] =	vst v57;
	v62 =	vand.u32 $0x3F, v9;
	v6 =	vor.u32 v63, v36;
	v55 =	vld.idx.msk [tilespmem:v55+s4+$0x0], $0xffff  }
0x15e: {  	v0 =	vor.u32 v0, v18;
	v56 =	vor.u32 v62, v36;
	v62 =	vld.idx.msk [tilespmem:v7+s4+$0x0], $0xffff;
	[tilespmem:$0x1FF10] =	vst v1  }
0x15f: {  	v1 =	vld.idx.msk [tilespmem:v8+s4+$0x0], $0xffff;
	[tilespmem:$0x1FF20] =	vst v0;
	v0 =	vor.u32 v19, v18  }
0x160: {  	v25 =	vand.u32 $0x3F, v25;
	v63 =	vsub.s32 $0x15, v34;
	[tilespmem:$0x1FF30] =	vst v0;
	v0 =	vor.u32 v28, v18  }
0x161: {  	v9 =	vsub.s32 $0x16, v34;
	v59 =	vand.u32 $0x3F, v63;
	v63 =	vsub.s32 $0x17, v34;
	[tilespmem:$0x1FF40] =	vst v0  }
0x162: {  	v59 =	vor.u32 v59, v36;
	v7 =	vand.u32 $0x3F, v9;
	v0 =	vld.idx.msk [tilespmem:v6+s4+$0x0], $0xffff;
	v6 =	vor.u32 v17, v18  }
0x163: {  	v9 =	vor.u32 v7, v36;
	v7 =	vand.u32 $0x3F, v63;
	[tilespmem:$0x1FF50] =	vst v6;
	v6 =	vor.u32 v25, v18  }
0x164: {  	v2 =	vor.u32 v7, v36;
	[tilespmem:$0x1FF60] =	vst v6  }
0x165: {  	[tilespmem:s23+$0xE10] =	vst v48  }
0x166: {  	v17 =	vld.idx.msk [tilespmem:v56+s4+$0x0], $0xffff;
	[tilespmem:s23+$0xE90] =	vst v49  }
0x167: {  	v19 =	vsub.s32 $0xA, v24;
	v25 =	vld.idx.msk [tilespmem:v59+s4+$0x0], $0xffff;
	[tilespmem:s24+$0xFFFFF000] =	vst v61  }
0x168: {  	v60 =	vsub.s32 $0xC, v24;
	v28 =	vsub.s32 $0xB, v24;
	v19 =	vand.u32 $0x3F, v19;
	v48 =	vld.idx.msk [tilespmem:v9+s4+$0x0], $0xffff;
	[tilespmem:s24+$0xFFFFF080] =	vst v47  }
0x169: {  	v63 =	vsub.s32 $0xF, v24;
	v28 =	vand.u32 $0x3F, v28;
	v19 =	vor.u32 v19, v35;
	v2 =	vld.idx.msk [tilespmem:v2+s4+$0x0], $0xffff;
	[tilespmem:s24+$0xFFFFF810] =	vst v62  }
0x16a: {  	v61 =	vsub.s32 $0xD, v24;
	v45 =	vld.idx.msk [tilespmem:v45+s4+$0x0], $0xffff;
	v49 =	vand.u32 $0x3F, v60;
	v62 =	vsub.s32 $0xE, v24;
	[tilespmem:s24+$0xFFFFF890] =	vst v55  }
0x16b: {  	v9 =	vsub.s32 $0x18, v34;
	[tilespmem:s24+$0xFFFFF910] =	vst v1;
	v1 =	vld.idx.msk [tilespmem:v44+s4+$0x0], $0xffff;
	v44 =	vand.u32 $0x3F, v63;
	v63 =	vsub.s32 $0x1A, v34  }
0x16c: {  	v46 =	vld.idx.msk [tilespmem:v46+s4+$0x0], $0xffff;
	[tilespmem:s24+$0xFFFFF100] =	vst v54;
	v47 =	vand.u32 $0x3F, v61;
	v60 =	vand.u32 $0x3F, v9;
	v61 =	vsub.s32 $0x19, v34  }
0x16d: {  	v55 =	vand.u32 $0x3F, v62;
	[tilespmem:s24+$0xFFFFF990] =	vst v0;
	v0 =	vld.idx.msk [tilespmem:v43+s4+$0x0], $0xffff;
	v43 =	vor.u32 v60, v36;
	v62 =	vand.u32 $0x3F, v61  }
0x16e: {  	v42 =	vld.idx.msk [tilespmem:v42+s4+$0x0], $0xffff;
	v9 =	vand.u32 $0x3F, v63;
	v60 =	vsub.s32 $0x1B, v34;
	[tilespmem:s24+$0xFFFFFA10] =	vst v17;
	v17 =	vor.u32 v62, v36  }
0x16f: {  	v28 =	vor.u32 v28, v35;
	v61 =	vand.u32 $0x3F, v60;
	[tilespmem:s24+$0xFFFFFA90] =	vst v25;
	v25 =	vld.idx.msk [tilespmem:v41+s4+$0x0], $0xffff;
	v41 =	vor.u32 v9, v36  }
0x170: {  	v18 =	vsub.s32 $0x9, v24;
	v40 =	vld.idx.msk [tilespmem:v40+s4+$0x0], $0xffff;
	v62 =	vsub.s32 $0x1C, v34;
	[tilespmem:s24+$0xFFFFFB10] =	vst v48;
	v48 =	vor.u32 v61, v36  }
0x171: {  	v6 =	vsub.s32 $0x8, v24;
	v39 =	vld.idx.msk [tilespmem:v39+s4+$0x0], $0xffff;
	v9 =	vsub.s32 $0x1D, v34;
	[tilespmem:s24+$0xFFFFFB90] =	vst v2;
	v63 =	vand.u32 $0x3F, v62  }
0x172: {  	[tilespmem:s24+$0xFFFFF180] =	vst v52;
	v61 =	vsub.s32 $0x1E, v34;
	v60 =	vand.u32 $0x3F, v9;
	v2 =	vor.u32 v63, v36;
	v43 =	vld.idx.msk [tilespmem:v43+s4+$0x0], $0xffff  }
0x173: {  	[tilespmem:s24+$0xFFFFF200] =	vst v3;
	v62 =	vand.u32 $0x3F, v61;
	v54 =	vor.u32 v60, v36;
	v63 =	vsub.s32 $0x1F, v34;
	v17 =	vld.idx.msk [tilespmem:v17+s4+$0x0], $0xffff  }
0x174: {  	v18 =	vand.u32 $0x3F, v18;
	[tilespmem:s24+$0xFFFFF280] =	vst v53;
	v9 =	vor.u32 v62, v36;
	v60 =	vand.u32 $0x3F, v63;
	v41 =	vld.idx.msk [tilespmem:v41+s4+$0x0], $0xffff  }
0x175: {  	v6 =	vand.u32 $0x3F, v6;
	v18 =	vor.u32 v18, v35;
	[tilespmem:s24+$0xFFFFF300] =	vst v4;
	v56 =	vor.u32 v60, v36;
	v3 =	vld.idx.msk [tilespmem:v48+s4+$0x0], $0xffff  }
0x176: {  	[tilespmem:s24+$0xFFFFF380] =	vst v5;
	v59 =	vsub.s32 $0x14, v24;
	v6 =	vor.u32 v6, v35;
	v57 =	vor.u32 v49, v35;
	v48 =	vld.idx.msk [tilespmem:v15+s4+$0x0], $0xffff  }
0x177: {  	[tilespmem:s23+$0xF10] =	vst v38;
	v53 =	vor.u32 v55, v35;
	v61 =	vsub.s32 $0x10, v24;
	v62 =	vsub.s32 $0x11, v24;
	v2 =	vld.idx.msk [tilespmem:v2+s4+$0x0], $0xffff  }
0x178: {  	[tilespmem:s23+$0x0] =	vst v45;
	v4 =	vand.u32 $0x3F, v61;
	v61 =	vsub.s32 $0x16, v24;
	v63 =	vsub.s32 $0x12, v24;
	v54 =	vld.idx.msk [tilespmem:v54+s4+$0x0], $0xffff  }
0x179: {  	[tilespmem:s23+$0x80] =	vst v46;
	v5 =	vand.u32 $0x3F, v62;
	v62 =	vsub.s32 $0x22, v34;
	v52 =	vld.idx.msk [tilespmem:v9+s4+$0x0], $0xffff;
	v9 =	vsub.s32 $0x13, v24  }
0x17a: {  	v60 =	vsub.s32 $0x15, v24;
	v15 =	vsub.s32 $0x21, v34;
	v45 =	vand.u32 $0x3F, v9;
	v56 =	vld.idx.msk [tilespmem:v56+s4+$0x0], $0xffff;
	[tilespmem:s24+$0xFFFFFC10] =	vst v43  }
0x17b: {  	v14 =	vld.idx.msk [tilespmem:v14+s4+$0x0], $0xffff;
	v9 =	vsub.s32 $0x25, v34;
	[tilespmem:s24+$0xFFFFFC90] =	vst v17;
	v17 =	vor.u32 v4, v35;
	v4 =	vsub.s32 $0x20, v34  }
0x17c: {  	v26 =	vld.idx.msk [tilespmem:v13+s4+$0x0], $0xffff;
	v43 =	vand.u32 $0x3F, v59;
	v59 =	vand.u32 $0x3F, v60;
	[tilespmem:s24+$0xFFFFFD10] =	vst v41;
	v4 =	vand.u32 $0x3F, v4  }
0x17d: {  	v29 =	vld.idx.msk [tilespmem:v12+s4+$0x0], $0xffff;
	v60 =	vand.u32 $0x3F, v61;
	v61 =	vand.u32 $0x3F, v9;
	[tilespmem:s24+$0xFFFFFD90] =	vst v3;
	v3 =	vor.u32 v4, v36  }
0x17e: {  	v49 =	vld.idx.msk [tilespmem:v16+s4+$0x0], $0xffff;
	v41 =	vor.u32 v61, v36;
	v4 =	vand.u32 $0x3F, v15;
	v15 =	vand.u32 $0x3F, v62;
	[tilespmem:s24+$0xFFFFFE10] =	vst v2  }
0x17f: {  	v19 =	vld.idx.msk [tilespmem:v19+s4+$0x0], $0xffff;
	[tilespmem:s24+$0xFFFFFE90] =	vst v54;
	v2 =	vor.u32 v4, v36;
	v4 =	vor.u32 v15, v36;
	v15 =	vsub.s32 $0x23, v34  }
0x180: {  	v28 =	vld.idx.msk [tilespmem:v28+s4+$0x0], $0xffff;
	v55 =	vand.u32 $0x3F, v63;
	v63 =	vsub.s32 $0x24, v34;
	[tilespmem:s24+$0xFFFFFF10] =	vst v52;
	v16 =	vand.u32 $0x3F, v15  }
0x181: {  	v18 =	vld.idx.msk [tilespmem:v18+s4+$0x0], $0xffff;
	v62 =	vsub.s32 $0x26, v34;
	[tilespmem:s24+$0xFFFFFF90] =	vst v56;
	v12 =	vor.u32 v16, v36;
	v16 =	vand.u32 $0x3F, v63  }
0x182: {  	[tilespmem:s23+$0x100] =	vst v1;
	v9 =	vsub.s32 $0x27, v34;
	v16 =	vor.u32 v16, v36;
	v46 =	vld.idx.msk [tilespmem:v3+s4+$0x0], $0xffff;
	v3 =	vand.u32 $0x3F, v62  }
0x183: {  	v44 =	vor.u32 v44, v35;
	[tilespmem:s23+$0x280] =	vst v25;
	v1 =	vand.u32 $0x3F, v9;
	v25 =	vld.idx.msk [tilespmem:v41+s4+$0x0], $0xffff;
	v61 =	vor.u32 v3, v36  }
0x184: {  	v47 =	vor.u32 v47, v35;
	v56 =	vld.idx.msk [tilespmem:v2+s4+$0x0], $0xffff;
	v3 =	vor.u32 v55, v35;
	v55 =	vor.u32 v1, v36  }
0x185: {  	[tilespmem:s23+$0x200] =	vst v42;
	v5 =	vor.u32 v5, v35;
	v9 =	vor.u32 v43, v35;
	v63 =	vsub.s32 $0x17, v24;
	v54 =	vld.idx.msk [tilespmem:v4+s4+$0x0], $0xffff  }
0x186: {  	[tilespmem:s23+$0x300] =	vst v40;
	v13 =	vor.u32 v60, v35;
	v52 =	vand.u32 $0x3F, v63;
	v63 =	vsub.s32 $0x2A, v34;
	v43 =	vld.idx.msk [tilespmem:v12+s4+$0x0], $0xffff  }
0x187: {  	[tilespmem:s23+$0x380] =	vst v39;
	v62 =	vsub.s32 $0x29, v34;
	v4 =	vor.u32 v45, v35;
	v2 =	vor.u32 v59, v35;
	v16 =	vld.idx.msk [tilespmem:v16+s4+$0x0], $0xffff  }
0x188: {  	[tilespmem:s23+$0x180] =	vst v0;
	v42 =	vand.u32 $0x3F, v62;
	v59 =	vsub.s32 $0x2B, v34;
	v45 =	vand.u32 $0x3F, v63;
	v40 =	vld.idx.msk [tilespmem:v61+s4+$0x0], $0xffff  }
0x189: {  	v62 =	vsub.s32 $0x2E, v34;
	v42 =	vor.u32 v42, v36;
	v12 =	vsub.s32 $0x28, v34;
	v39 =	vld.idx.msk [tilespmem:v55+s4+$0x0], $0xffff;
	[tilespmem:s24+$0x10] =	vst v46  }
0x18a: {  	v6 =	vld.idx.msk [tilespmem:v6+s4+$0x0], $0xffff;
	v45 =	vor.u32 v45, v36;
	v60 =	vand.u32 $0x3F, v12;
	v12 =	vor.u32 v52, v35;
	[tilespmem:s24+$0x90] =	vst v56  }
0x18b: {  	v37 =	vld.idx.msk [tilespmem:v37+s4+$0x0], $0xffff;
	v52 =	vand.u32 $0x3F, v59;
	v59 =	vand.u32 $0x3F, v62;
	v62 =	vsub.s32 $0x30, v34;
	[tilespmem:s24+$0x110] =	vst v54  }
0x18c: {  	v31 =	vld.idx.msk [tilespmem:v31+s4+$0x0], $0xffff;
	v41 =	vor.u32 v60, v36;
	v60 =	vsub.s32 $0x2C, v34;
	v46 =	vor.u32 v52, v36;
	[tilespmem:s24+$0x290] =	vst v25  }
0x18d: {  	v52 =	vand.u32 $0x3F, v60;
	v61 =	vsub.s32 $0x2D, v34;
	v55 =	vor.u32 v59, v36;
	v25 =	vld.idx.msk [tilespmem:v53+s4+$0x0], $0xffff;
	[tilespmem:s24+$0x190] =	vst v43  }
0x18e: {  	v60 =	vsub.s32 $0x2F, v34;
	v53 =	vsub.s32 $0x35, v34;
	v52 =	vor.u32 v52, v36;
	v43 =	vld.idx.msk [tilespmem:v57+s4+$0x0], $0xffff;
	[tilespmem:s24+$0x210] =	vst v16  }
0x18f: {  	v63 =	vand.u32 $0x3F, v61;
	v61 =	vand.u32 $0x3F, v60;
	v60 =	vand.u32 $0x3F, v62;
	v16 =	vld.idx.msk [tilespmem:v47+s4+$0x0], $0xffff;
	[tilespmem:s24+$0x310] =	vst v40  }
0x190: {  	v62 =	vsub.s32 $0x32, v34;
	v54 =	vor.u32 v63, v36;
	v63 =	vsub.s32 $0x31, v34;
	v40 =	vld.idx.msk [tilespmem:v44+s4+$0x0], $0xffff;
	[tilespmem:s24+$0x390] =	vst v39  }
0x191: {  	v47 =	vor.u32 v61, v36;
	v61 =	vand.u32 $0x3F, v63;
	v63 =	vand.u32 $0x3F, v62;
	[tilespmem:s24+$0xFFFFF400] =	vst v6;
	v38 =	vld.idx.msk [tilespmem:v41+s4+$0x0], $0xffff  }
0x192: {  	v56 =	vor.u32 v61, v36;
	v61 =	vsub.s32 $0x34, v34;
	v44 =	vor.u32 v60, v36;
	[tilespmem:s24+$0xFFFFF480] =	vst v18;
	v6 =	vld.idx.msk [tilespmem:v42+s4+$0x0], $0xffff  }
0x193: {  	v60 =	vsub.s32 $0x33, v34;
	v18 =	vand.u32 $0x3F, v53;
	[tilespmem:s24+$0xFFFFF500] =	vst v19;
	v41 =	vor.u32 v63, v36;
	v42 =	vld.idx.msk [tilespmem:v45+s4+$0x0], $0xffff  }
0x194: {  	[tilespmem:s24+$0xFFFFF580] =	vst v28;
	v62 =	vand.u32 $0x3F, v60;
	v63 =	vand.u32 $0x3F, v61;
	v60 =	vsub.s32 $0x36, v34;
	v19 =	vld.idx.msk [tilespmem:v46+s4+$0x0], $0xffff  }
0x195: {  	[tilespmem:s24+$0xFFFFF700] =	vst v25;
	v61 =	vsub.s32 $0x37, v34;
	v46 =	vor.u32 v18, v36;
	v28 =	vld.idx.msk [tilespmem:v52+s4+$0x0], $0xffff;
	v52 =	vsub.s32 $0x39, v34  }
0x196: {  	v53 =	vld.idx.msk [tilespmem:v55+s4+$0x0], $0xffff;
	v55 =	vsub.s32 $0x3B, v34;
	v57 =	vor.u32 v62, v36;
	v59 =	vor.u32 v63, v36;
	[tilespmem:s24+$0xFFFFF600] =	vst v43  }
0x197: {  	v18 =	vand.u32 $0x3F, v60;
	v62 =	vand.u32 $0x3F, v61;
	v39 =	vld.idx.msk [tilespmem:v54+s4+$0x0], $0xffff;
	v63 =	vand.u32 $0x3F, v34;
	[tilespmem:s24+$0xFFFFF680] =	vst v16  }
0x198: {  	v54 =	vsub.s32 $0x3A, v34;
	v43 =	vsub.s32 $0x1D, v24;
	v45 =	vor.u32 v18, v36;
	v25 =	vld.idx.msk [tilespmem:v47+s4+$0x0], $0xffff;
	[tilespmem:s24+$0x410] =	vst v38  }
0x199: {  	v30 =	vld.idx.msk [tilespmem:v30+s4+$0x0], $0xffff;
	v60 =	vor.u32 v62, v36;
	v18 =	vsub.s32 $0x38, v34;
	v61 =	vor.u32 v63, v36;
	[tilespmem:s24+$0x490] =	vst v6  }
0x19a: {  	v21 =	vld.idx.msk [tilespmem:v21+s4+$0x0], $0xffff;
	v16 =	vand.u32 $0x3F, v52;
	v62 =	vand.u32 $0x3F, v55;
	v63 =	vsub.s32 $0x3C, v34;
	[tilespmem:s24+$0x510] =	vst v42  }
0x19b: {  	v18 =	vand.u32 $0x3F, v18;
	v16 =	vor.u32 v16, v36;
	v47 =	vor.u32 v62, v36;
	v6 =	vld.idx.msk [tilespmem:v33+s4+$0x0], $0xffff;
	[tilespmem:s24+$0x590] =	vst v19  }
0x19c: {  	v62 =	vand.u32 $0x3F, v63;
	v63 =	vsub.s32 $0x3D, v34;
	v34 =	vsub.s32 $0x3E, v34;
	v19 =	vld.idx.msk [tilespmem:v23+s4+$0x0], $0xffff;
	[tilespmem:s24+$0x610] =	vst v28  }
0x19d: {  	v18 =	vor.u32 v18, v36;
	v34 =	vand.u32 $0x3F, v34;
	v33 =	vor.u32 v62, v36;
	v62 =	vld.idx.msk [tilespmem:v22+s4+$0x0], $0xffff;
	[tilespmem:s24+$0x710] =	vst v53  }
0x19e: {  	v38 =	vand.u32 $0x3F, v54;
	v23 =	vand.u32 $0x3F, v63;
	v42 =	vsub.s32 $0x18, v24;
	v63 =	vld.idx.msk [tilespmem:v20+s4+$0x0], $0xffff;
	[tilespmem:s24+$0x690] =	vst v39  }
0x19f: {  	v52 =	vor.u32 v34, v36;
	v28 =	vsub.s32 $0x1A, v24;
	v22 =	vsub.s32 $0x1B, v24;
	v53 =	vld.idx.msk [tilespmem:v11+s4+$0x0], $0xffff;
	[tilespmem:s24+$0x790] =	vst v25  }
0x1a0: {  	v20 =	vsub.s32 $0x1C, v24;
	v11 =	vand.u32 $0x3F, v43;
	[tilespmem:s23+$0x480] =	vst v31;
	v31 =	vsub.s32 $0x21, v24;
	v43 =	vld.idx.msk [tilespmem:v44+s4+$0x0], $0xffff  }
0x1a1: {  	v54 =	vor.u32 v38, v36;
	v55 =	vor.u32 v23, v36;
	v22 =	vand.u32 $0x3F, v22;
	v56 =	vld.idx.msk [tilespmem:v56+s4+$0x0], $0xffff  }
0x1a2: {  	[tilespmem:s24+$0xFFFFF780] =	vst v40;
	v23 =	vsub.s32 $0x19, v24;
	v34 =	vand.u32 $0x3F, v42;
	v39 =	vor.u32 v22, v35;
	v22 =	vld.idx.msk [tilespmem:v41+s4+$0x0], $0xffff  }
0x1a3: {  	[tilespmem:s23+$0x400] =	vst v37;
	v36 =	vand.u32 $0x3F, v28;
	v20 =	vand.u32 $0x3F, v20;
	v38 =	vor.u32 v11, v35;
	v11 =	vld.idx.msk [tilespmem:v57+s4+$0x0], $0xffff  }
0x1a4: {  	[tilespmem:s23+$0x580] =	vst v30;
	v28 =	vsub.s32 $0x1E, v24;
	v23 =	vand.u32 $0x3F, v23;
	v40 =	vor.u32 v20, v35;
	v20 =	vld.idx.msk [tilespmem:v59+s4+$0x0], $0xffff  }
0x1a5: {  	v27 =	vor.u32 v34, v35;
	v34 =	vand.u32 $0x3F, v28;
	v42 =	vor.u32 v36, v35;
	v59 =	vld.idx.msk [tilespmem:v46+s4+$0x0], $0xffff;
	[tilespmem:s23+$0x500] =	vst v6  }
0x1a6: {  	v44 =	vsub.s32 $0x1F, v24;
	v28 =	vor.u32 v23, v35;
	v37 =	vor.u32 v34, v35;
	v0 =	vld.idx.msk [tilespmem:v45+s4+$0x0], $0xffff;
	[tilespmem:s23+$0x600] =	vst v19  }
0x1a7: {  	v23 =	vsub.s32 $0x20, v24;
	v60 =	vld.idx.msk [tilespmem:v60+s4+$0x0], $0xffff;
	v57 =	vsub.s32 $0x25, v24;
	v41 =	vsub.s32 $0x27, v24;
	[tilespmem:s24+$0x810] =	vst v43  }
0x1a8: {  	v44 =	vand.u32 $0x3F, v44;
	v34 =	vand.u32 $0x3F, v57;
	v57 =	vld.idx.msk [tilespmem:v10+s4+$0x0], $0xffff;
	v10 =	vsub.s32 $0x26, v24;
	[tilespmem:s24+$0x890] =	vst v56  }
0x1a9: {  	v6 =	vand.u32 $0x3F, v23;
	v23 =	vand.u32 $0x3F, v31;
	v31 =	vsub.s32 $0x22, v24;
	v1 =	vld [tilespmem:$0x1FF70];
	[tilespmem:s24+$0x910] =	vst v22  }
0x1aa: {  	v5 =	vld.idx.msk [tilespmem:v5+s4+$0x0], $0xffff;
	v36 =	vor.u32 v44, v35;
	v30 =	vand.u32 $0x3F, v31;
	v45 =	vor.u32 v6, v35;
	[tilespmem:s24+$0x990] =	vst v11  }
0x1ab: {  	v15 =	vld.idx.msk [tilespmem:v4+s4+$0x0], $0xffff;
	v6 =	vand.u32 $0x3F, v10;
	v10 =	vand.u32 $0x3F, v41;
	v44 =	vor.u32 v30, v35;
	[tilespmem:s24+$0xA10] =	vst v20  }
0x1ac: {  	v4 =	vld.idx.msk [tilespmem:v2+s4+$0x0], $0xffff;
	v30 =	vor.u32 v10, v35;
	v10 =	vxor.u32 $0x3F, v61;
	v61 =	vsub.s32 $0x29, v24;
	[tilespmem:s24+$0xA90] =	vst v59  }
0x1ad: {  	v11 =	vand.u32 $0x3F, v61;
	v61 =	vld.idx.msk [tilespmem:v9+s4+$0x0], $0xffff;
	[tilespmem:s24+$0xB10] =	vst v0  }
0x1ae: {  	v31 =	vsub.s32 $0x23, v24;
	[tilespmem:s24+$0xB90] =	vst v60;
	v60 =	vld.idx.msk [tilespmem:v13+s4+$0x0], $0xffff  }
0x1af: {  	v2 =	vsub.s32 $0x2C, v24;
	v46 =	vsub.s32 $0x24, v24;
	v19 =	vand.u32 $0x3F, v31;
	[tilespmem:s23+$0x700] =	vst v62;
	v62 =	vld.idx.msk [tilespmem:v16+s4+$0x0], $0xffff  }
0x1b0: {  	v2 =	vand.u32 $0x3F, v2;
	v31 =	vand.u32 $0x3F, v46;
	v43 =	vor.u32 v19, v35;
	[tilespmem:s23+$0x780] =	vst v63;
	v63 =	vld.idx.msk [tilespmem:v54+s4+$0x0], $0xffff  }
0x1b1: {  	v41 =	vor.u32 v31, v35;
	v31 =	vor.u32 v6, v35;
	v19 =	vor.u32 v2, v35;
	v47 =	vld.idx.msk [tilespmem:v47+s4+$0x0], $0xffff  }
0x1b2: {  	v2 =	vsub.s32 $0x31, v24;
	v59 =	vsub.s32 $0x2B, v24;
	v13 =	vsub.s32 $0x2E, v24;
	v54 =	vld.idx.msk [tilespmem:v33+s4+$0x0], $0xffff  }
0x1b3: {  	[tilespmem:s23+$0x680] =	vst v21;
	v2 =	vand.u32 $0x3F, v2;
	v0 =	vand.u32 $0x3F, v59;
	v59 =	vsub.s32 $0x2D, v24;
	v10 =	vld.idx.msk [tilespmem:v10+s4+$0x0], $0xffff  }
0x1b4: {  	v33 =	vsub.s32 $0x33, v24;
	v20 =	vor.u32 v0, v35;
	v0 =	vsub.s32 $0x30, v24;
	v56 =	vld.idx.msk [tilespmem:v1+s4+$0x0], $0xffff;
	[tilespmem:s22+$0xC00] =	vst v48  }
0x1b5: {  	v2 =	vor.u32 v2, v35;
	v9 =	vand.u32 $0x3F, v59;
	v0 =	vand.u32 $0x3F, v0;
	v1 =	vld.idx.msk [tilespmem:v17+s4+$0x0], $0xffff;
	[tilespmem:s22+$0xC80] =	vst v49  }
0x1b6: {  	v55 =	vld.idx.msk [tilespmem:v55+s4+$0x0], $0xffff;
	v0 =	vor.u32 v0, v35;
	v17 =	vsub.s32 $0x28, v24;
	[tilespmem:s22+$0xD00] =	vst v14;
	v48 =	vand.u32 $0x3F, v33  }
0x1b7: {  	v59 =	vld.idx.msk [tilespmem:v18+s4+$0x0], $0xffff;
	[tilespmem:s22+$0xD80] =	vst v26;
	v26 =	vsub.s32 $0x36, v24;
	v6 =	vand.u32 $0x3F, v17;
	v17 =	vsub.s32 $0x2A, v24  }
0x1b8: {  	v33 =	vld.idx.msk [tilespmem:v52+s4+$0x0], $0xffff;
	[tilespmem:s24+$0xF90] =	vst v10;
	v17 =	vand.u32 $0x3F, v17;
	v22 =	vor.u32 v6, v35;
	v6 =	vand.u32 $0x3F, v13  }
0x1b9: {  	v3 =	vld.idx.msk [tilespmem:v3+s4+$0x0], $0xffff;
	[tilespmem:$0x1FF80] =	vst v0;
	v21 =	vor.u32 v17, v35;
	v17 =	vor.u32 v6, v35;
	v6 =	vsub.s32 $0x32, v24  }
0x1ba: {  	v0 =	vand.u32 $0x3F, v26;
	v13 =	vsub.s32 $0x2F, v24;
	v26 =	vld.idx.msk [tilespmem:v12+s4+$0x0], $0xffff;
	v6 =	vand.u32 $0x3F, v6;
	[tilespmem:s24+$0xFFFFF800] =	vst v1  }
0x1bb: {  	v13 =	vand.u32 $0x3F, v13;
	[tilespmem:$0x1FF90] =	vst v2;
	v2 =	vor.u32 v6, v35  }
0x1bc: {  	v16 =	vor.u32 v13, v35;
	v13 =	vsub.s32 $0x35, v24;
	[tilespmem:$0x1FFA0] =	vst v2  }
0x1bd: {  	v13 =	vand.u32 $0x3F, v13;
	v2 =	vor.u32 v48, v35;
	[tilespmem:s24+$0xFFFFF880] =	vst v5  }
0x1be: {  	[tilespmem:$0x1FFB0] =	vst v2;
	v2 =	vor.u32 v13, v35  }
0x1bf: {  	[tilespmem:$0x1FFC0] =	vst v2  }
0x1c0: {  	[tilespmem:s24+$0xFFFFF900] =	vst v3  }
0x1c1: {  	[tilespmem:s24+$0xFFFFF980] =	vst v15  }
0x1c2: {  	[tilespmem:s24+$0xFFFFFA00] =	vst v61  }
0x1c3: {  	[tilespmem:s24+$0xFFFFFA80] =	vst v4  }
0x1c4: {  	[tilespmem:s24+$0xFFFFFB00] =	vst v60  }
0x1c5: {  	v34 =	vor.u32 v34, v35;
	v46 =	vor.u32 v23, v35;
	v6 =	vsub.s32 $0x39, v24;
	v4 =	vld [tilespmem:$0x1FFD0];
	[tilespmem:s24+$0xFFFFFB80] =	vst v26  }
0x1c6: {  	v23 =	vor.u32 v11, v35;
	v52 =	vsub.s32 $0x37, v24;
	v6 =	vand.u32 $0x3F, v6;
	v7 =	vld [tilespmem:$0x1FFE0]  }
0x1c7: {  	v18 =	vor.u32 v9, v35;
	v1 =	vand.u32 $0x3F, v52;
	v52 =	vor.u32 v6, v35;
	v6 =	vld [tilespmem:$0x1FFF0]  }
0x1c8: {  	v9 =	vsub.s32 $0x3E, v24;
	v49 =	vsub.s32 $0x34, v24;
	v10 =	vand.u32 $0x3F, v24  }
0x1c9: {  	v14 =	vand.u32 $0x3F, v49;
	v2 =	vor.u32 v0, v35;
	v0 =	vor.u32 v1, v35;
	v1 =	vld.idx.msk [tilespmem:v51+s4+$0x0], $0xffff  }
0x1ca: {  	v49 =	vsub.s32 $0x3D, v24;
	v5 =	vsub.s32 $0x38, v24;
	v15 =	vsub.s32 $0x3A, v24;
	v3 =	vld.idx.msk [tilespmem:v32+s4+$0x0], $0xffff  }
0x1cb: {  	v25 =	vor.u32 v10, v35;
	v11 =	vand.u32 $0x3F, v5;
	v5 =	vld.idx.msk [tilespmem:v50+s4+$0x0], $0xffff;
	v15 =	vand.u32 $0x3F, v15  }
0x1cc: {  	v26 =	vand.u32 $0x3F, v49;
	v49 =	vor.u32 v15, v35;
	v15 =	vxor.u32 $0x3F, v58;
	v58 =	vld.idx.msk [tilespmem:v28+s4+$0x0], $0xffff  }
0x1cd: {  	v14 =	vor.u32 v14, v35;
	v48 =	vsub.s32 $0x3B, v24;
	v32 =	vsub.s32 $0x3C, v24;
	v4 =	vld.idx.msk [tilespmem:v4+s4+$0x0], $0xffff  }
0x1ce: {  	s25 =	sshll.u32 s21, $0xD;
	v48 =	vand.u32 $0x3F, v48;
	v51 =	vor.u32 v11, v35;
	v32 =	vand.u32 $0x3F, v32;
	v60 =	vld.idx.msk [tilespmem:v7+s4+$0x0], $0xffff  }
0x1cf: {  	s25 =	sand.u32 $0x2000, s25;
	v24 =	vand.u32 $0x3F, v9;
	v50 =	vor.u32 v48, v35;
	v48 =	vor.u32 v32, v35;
	v61 =	vld.idx.msk [tilespmem:v6+s4+$0x0], $0xffff  }
0x1d0: {  	s26 =	simm.s32 $0x4;
	s25 =	sor.u32 $0x10400, s25;
	s28 =	sadd.s32 $0x20, s28;
	v25 =	vxor.u32 $0x3F, v25;
	[tilespmem:s22+$0xE00] =	vst v29;
	v6 =	vld.idx.msk [tilespmem:v27+s4+$0x0], $0xffff;
	v27 =	vor.u32 v26, v35;
	v26 =	vor.u32 v24, v35  }
.LBB2_4:
0x1d1: {  	v29 =	vld [tilespmem:s28+$0x0]  }
0x1d2: {  	v7 =	vld [tilespmem:$0x1FEA0]  }
0x1d3: {  	[tilespmem:s22+$0xE80] =	vst v53;
	v8 =	vmov v2;
	v2 =	vld [tilespmem:$0x1FEB0]  }
0x1d4: {  	v24 =	vld [tilespmem:s28+$0xFFFFFFF0];
	[tilespmem:s22+$0xF00] =	vst v57  }
0x1d5: {  	v28 =	vld.idx.msk [tilespmem:v42+s4+$0x0], $0xffff;
	[tilespmem:s22+$0xF80] =	vst v56  }
0x1d6: {  	[tilespmem:s24+$0xC10] =	vst v59;
	v39 =	vld.idx.msk [tilespmem:v39+s4+$0x0], $0xffff  }
0x1d7: {  	[tilespmem:s24+$0xC90] =	vst v62;
	v40 =	vld.idx.msk [tilespmem:v40+s4+$0x0], $0xffff  }
0x1d8: {  	[tilespmem:s24+$0xD10] =	vst v63;
	v38 =	vld.idx.msk [tilespmem:v38+s4+$0x0], $0xffff;
	v35 =	vsub.s32 $0x0, v29  }
0x1d9: {  	[tilespmem:s24+$0xD90] =	vst v47;
	v37 =	vld.idx.msk [tilespmem:v37+s4+$0x0], $0xffff;
	v32 =	vshll.u32 v29, $0x6;
	v57 =	vsub.s32 $0x1, v29;
	v35 =	vand.u32 $0x3F, v35  }
0x1da: {  	v36 =	vld.idx.msk [tilespmem:v36+s4+$0x0], $0xffff;
	[tilespmem:s24+$0xFFFFFC00] =	vst v6;
	v62 =	vsub.s32 $0x2, v29;
	v59 =	vand.u32 $0x3F, v57;
	v47 =	vor.u32 v35, v32  }
0x1db: {  	[tilespmem:s24+$0xFFFFFC80] =	vst v58;
	v63 =	vsub.s32 $0x3, v29;
	v42 =	vand.u32 $0x3F, v62;
	v6 =	vor.u32 v59, v32  }
0x1dc: {  	v11 =	vsub.s32 $0x4, v29;
	v53 =	vand.u32 $0x3F, v63;
	v42 =	vor.u32 v42, v32;
	v35 =	vld.idx.msk [tilespmem:v7+s4+$0x0], $0xffff;
	[tilespmem:s24+$0xFFFFFD00] =	vst v28  }
0x1dd: {  	v58 =	vsub.s32 $0x5, v29;
	v7 =	vmovc v0;
	v0 =	vor.u32 v53, v32;
	v28 =	vand.u32 $0x3F, v11;
	v2 =	vld.idx.msk [tilespmem:v2+s4+$0x0], $0xffff;
	[tilespmem:s24+$0xFFFFFD80] =	vst v39  }
0x1de: {  	v9 =	vsub.s32 $0x7, v29;
	v59 =	vand.u32 $0x3F, v58;
	v28 =	vor.u32 v28, v32;
	[tilespmem:s24+$0xFFFFFE00] =	vst v40  }
0x1df: {  	v62 =	vsub.s32 $0x6, v29;
	v53 =	vand.u32 $0x3F, v9;
	v39 =	vor.u32 v59, v32;
	[tilespmem:s24+$0xFFFFFE80] =	vst v38;
	v40 =	vld.idx.msk [tilespmem:v47+s4+$0x0], $0xffff  }
0x1e0: {  	v63 =	vand.u32 $0x3F, v62;
	[tilespmem:s24+$0xFFFFFF00] =	vst v37;
	v53 =	vor.u32 v53, v32;
	v6 =	vld.idx.msk [tilespmem:v6+s4+$0x0], $0xffff  }
0x1e1: {  	s22 =	smov.u32 s23;
	v10 =	vsub.s32 $0x0, v24;
	v57 =	vsub.s32 $0x4, v24;
	[tilespmem:s24+$0xFFFFFF80] =	vst v36;
	v47 =	vor.u32 v63, v32;
	v42 =	vld.idx.msk [tilespmem:v42+s4+$0x0], $0xffff  }
0x1e2: {  	v58 =	vsub.s32 $0x5, v24;
	v11 =	vsub.s32 $0x2, v24;
	v9 =	vsub.s32 $0x6, v24;
	[tilespmem:s22+$0x800] =	vst v1;
	v0 =	vld.idx.msk [tilespmem:v0+s4+$0x0], $0xffff  }
0x1e3: {  	v37 =	vsub.s32 $0x1, v24;
	v36 =	vsub.s32 $0x3, v24;
	v1 =	vand.u32 $0x3F, v10;
	[tilespmem:s22+$0x880] =	vst v3;
	v62 =	vld.idx.msk [tilespmem:v28+s4+$0x0], $0xffff  }
0x1e4: {  	v10 =	vsub.s32 $0x7, v24;
	v11 =	vand.u32 $0x3F, v11;
	[tilespmem:s22+$0x900] =	vst v5;
	v5 =	vand.u32 $0x3F, v57;
	v63 =	vld.idx.msk [tilespmem:v39+s4+$0x0], $0xffff  }
0x1e5: {  	s23 =	smov.u32 s24;
	v57 =	vand.u32 $0x3F, v58;
	v58 =	vand.u32 $0x3F, v9;
	s24 =	sadd.s32 $0x20, s24;
	[tilespmem:s22+$0x980] =	vst v4;
	v9 =	vsub.s32 $0x9, v29;
	v53 =	vld.idx.msk [tilespmem:v53+s4+$0x0], $0xffff  }
0x1e6: {  	v3 =	vand.u32 $0x3F, v37;
	v4 =	vand.u32 $0x3F, v10;
	v28 =	vshll.u32 v24, $0x6;
	v47 =	vld.idx.msk [tilespmem:v47+s4+$0x0], $0xffff;
	[tilespmem:s24+$0xFFFFF010] =	vst v40  }
0x1e7: {  	v10 =	vsub.s32 $0xA, v29;
	v37 =	vld.idx.msk [tilespmem:v44+s4+$0x0], $0xffff;
	v1 =	vor.u32 v1, v28;
	v3 =	vor.u32 v3, v28;
	[tilespmem:s24+$0xFFFFF090] =	vst v6  }
0x1e8: {  	v39 =	vld.idx.msk [tilespmem:v45+s4+$0x0], $0xffff;
	v45 =	vor.u32 v11, v28;
	v11 =	vand.u32 $0x3F, v10;
	v6 =	vsub.s32 $0x8, v29;
	[tilespmem:s24+$0xFFFFF110] =	vst v42  }
0x1e9: {  	v38 =	vld.idx.msk [tilespmem:v43+s4+$0x0], $0xffff;
	v42 =	vor.u32 v11, v32;
	v11 =	vsub.s32 $0xD, v29;
	v6 =	vand.u32 $0x3F, v6;
	[tilespmem:s24+$0xFFFFF190] =	vst v0  }
0x1ea: {  	v56 =	vand.u32 $0x3F, v36;
	v36 =	vld.idx.msk [tilespmem:v41+s4+$0x0], $0xffff;
	v44 =	vand.u32 $0x3F, v11;
	v0 =	vor.u32 v6, v32;
	[tilespmem:s24+$0xFFFFF210] =	vst v62  }
0x1eb: {  	v40 =	vld.idx.msk [tilespmem:v46+s4+$0x0], $0xffff;
	v6 =	vand.u32 $0x3F, v9;
	v62 =	vsub.s32 $0xB, v29;
	[tilespmem:s24+$0xFFFFF290] =	vst v63;
	v44 =	vor.u32 v44, v32  }
0x1ec: {  	v9 =	vsub.s32 $0xC, v29;
	[tilespmem:s24+$0xFFFFF390] =	vst v53;
	v6 =	vor.u32 v6, v32;
	v63 =	vand.u32 $0x3F, v62;
	v41 =	vld.idx.msk [tilespmem:v1+s4+$0x0], $0xffff  }
0x1ed: {  	v10 =	vand.u32 $0x3F, v9;
	v3 =	vld.idx.msk [tilespmem:v3+s4+$0x0], $0xffff;
	v62 =	vsub.s32 $0xE, v29;
	v1 =	vor.u32 v63, v32;
	[tilespmem:s24+$0xFFFFF310] =	vst v47  }
0x1ee: {  	[tilespmem:$0x1FEB0] =	vst v7;
	v43 =	vor.u32 v10, v32;
	v46 =	vand.u32 $0x3F, v62;
	v63 =	vsub.s32 $0xF, v29;
	v42 =	vld.idx.msk [tilespmem:v42+s4+$0x0], $0xffff  }
0x1ef: {  	[tilespmem:s22+$0xA00] =	vst v60;
	v46 =	vor.u32 v46, v32;
	v47 =	vand.u32 $0x3F, v63;
	v0 =	vld.idx.msk [tilespmem:v0+s4+$0x0], $0xffff  }
0x1f0: {  	[tilespmem:s22+$0xA80] =	vst v61;
	v47 =	vor.u32 v47, v32;
	v44 =	vld.idx.msk [tilespmem:v44+s4+$0x0], $0xffff  }
0x1f1: {  	[tilespmem:s22+$0xB00] =	vst v35;
	v6 =	vld.idx.msk [tilespmem:v6+s4+$0x0], $0xffff  }
0x1f2: {  	v5 =	vor.u32 v5, v28;
	[tilespmem:s22+$0xB80] =	vst v2;
	v1 =	vld.idx.msk [tilespmem:v1+s4+$0x0], $0xffff  }
0x1f3: {  	v53 =	vor.u32 v56, v28;
	v43 =	vld.idx.msk [tilespmem:v43+s4+$0x0], $0xffff;
	[tilespmem:s23+$0xE10] =	vst v54  }
0x1f4: {  	v59 =	vsub.s32 $0x8, v24;
	v46 =	vld.idx.msk [tilespmem:v46+s4+$0x0], $0xffff;
	[tilespmem:s23+$0xE90] =	vst v55  }
0x1f5: {  	v4 =	vor.u32 v4, v28;
	v11 =	vand.u32 $0x3F, v59;
	v56 =	vor.u32 v57, v28;
	v47 =	vld.idx.msk [tilespmem:v47+s4+$0x0], $0xffff;
	[tilespmem:s24+$0xFFFFF510] =	vst v42  }
0x1f6: {  	v57 =	vor.u32 v58, v28;
	v61 =	vsub.s32 $0xC, v24;
	v9 =	vsub.s32 $0xE, v24;
	[tilespmem:s24+$0xFFFFF410] =	vst v0  }
0x1f7: {  	v10 =	vsub.s32 $0xF, v24;
	v59 =	vand.u32 $0x3F, v61;
	v5 =	vld.idx.msk [tilespmem:v5+s4+$0x0], $0xffff;
	v62 =	vsub.s32 $0x12, v29;
	[tilespmem:s24+$0xFFFFF690] =	vst v44  }
0x1f8: {  	v61 =	vand.u32 $0x3F, v10;
	v10 =	vsub.s32 $0x15, v29;
	v53 =	vld.idx.msk [tilespmem:v53+s4+$0x0], $0xffff;
	v54 =	vsub.s32 $0x11, v29;
	[tilespmem:s24+$0xFFFFF490] =	vst v6  }
0x1f9: {  	v63 =	vsub.s32 $0x13, v29;
	v42 =	vand.u32 $0x3F, v10;
	v0 =	vld.idx.msk [tilespmem:v45+s4+$0x0], $0xffff;
	[tilespmem:s24+$0xFFFFF590] =	vst v1;
	v1 =	vand.u32 $0x3F, v54  }
0x1fa: {  	v45 =	vand.u32 $0x3F, v9;
	v54 =	vld.idx.msk [tilespmem:v56+s4+$0x0], $0xffff;
	[tilespmem:s24+$0xFFFFF610] =	vst v43;
	v43 =	vor.u32 v1, v32;
	v1 =	vand.u32 $0x3F, v62  }
0x1fb: {  	v9 =	vsub.s32 $0x14, v29;
	v56 =	vld.idx.msk [tilespmem:v57+s4+$0x0], $0xffff;
	[tilespmem:s24+$0xFFFFF710] =	vst v46;
	v44 =	vor.u32 v1, v32;
	v1 =	vand.u32 $0x3F, v63  }
0x1fc: {  	v57 =	vld.idx.msk [tilespmem:v4+s4+$0x0], $0xffff;
	v62 =	vor.u32 v42, v32;
	[tilespmem:s24+$0xFFFFF790] =	vst v47;
	v4 =	vor.u32 v1, v32;
	v1 =	vand.u32 $0x3F, v9  }
0x1fd: {  	v60 =	vsub.s32 $0xB, v24;
	v46 =	vor.u32 v1, v32;
	v1 =	vld.idx.msk [tilespmem:v34+s4+$0x0], $0xffff;
	[tilespmem:s24+$0xFFFFF000] =	vst v41  }
0x1fe: {  	v2 =	vsub.s32 $0xD, v24;
	v55 =	vand.u32 $0x3F, v60;
	v6 =	vsub.s32 $0x10, v29;
	[tilespmem:s24+$0xFFFFF080] =	vst v3  }
0x1ff: {  	v60 =	vand.u32 $0x3F, v2;
	v2 =	vor.u32 v11, v28;
	v6 =	vand.u32 $0x3F, v6;
	[tilespmem:s24+$0xFFFFF100] =	vst v0  }
0x200: {  	v11 =	vsub.s32 $0x16, v29;
	v10 =	vsub.s32 $0x17, v29;
	v6 =	vor.u32 v6, v32;
	[tilespmem:s24+$0xFFFFF180] =	vst v53  }
0x201: {  	v9 =	vand.u32 $0x3F, v11;
	v3 =	vand.u32 $0x3F, v10;
	[tilespmem:s24+$0xFFFFF280] =	vst v54;
	v54 =	vld.idx.msk [tilespmem:v62+s4+$0x0], $0xffff  }
0x202: {  	v11 =	vor.u32 v9, v32;
	[tilespmem:s24+$0xFFFFF200] =	vst v5;
	v7 =	vor.u32 v3, v32;
	v63 =	vld.idx.msk [tilespmem:v44+s4+$0x0], $0xffff  }
0x203: {  	[tilespmem:s24+$0xFFFFF300] =	vst v56;
	v56 =	vsub.s32 $0x15, v24;
	v44 =	vor.u32 v55, v28;
	v55 =	vld.idx.msk [tilespmem:v4+s4+$0x0], $0xffff;
	v4 =	vsub.s32 $0x12, v24  }
0x204: {  	[tilespmem:$0x1FEA0] =	vst v8;
	v8 =	vand.u32 $0x3F, v4;
	v4 =	vld.idx.msk [tilespmem:v31+s4+$0x0], $0xffff;
	v31 =	vand.u32 $0x3F, v56;
	v56 =	vsub.s32 $0x19, v29  }
0x205: {  	v6 =	vld.idx.msk [tilespmem:v6+s4+$0x0], $0xffff  }
0x206: {  	v58 =	vsub.s32 $0x9, v24;
	v47 =	vld.idx.msk [tilespmem:v43+s4+$0x0], $0xffff  }
0x207: {  	v58 =	vand.u32 $0x3F, v58;
	v3 =	vor.u32 v45, v28;
	v45 =	vld.idx.msk [tilespmem:v46+s4+$0x0], $0xffff;
	v62 =	vand.u32 $0x3F, v56;
	v56 =	vmovc v51  }
0x208: {  	v42 =	vor.u32 v58, v28;
	v58 =	vld.idx.msk [tilespmem:v11+s4+$0x0], $0xffff  }
0x209: {  	v9 =	vsub.s32 $0x10, v24;
	v7 =	vld.idx.msk [tilespmem:v7+s4+$0x0], $0xffff;
	[tilespmem:s24+$0xFFFFFA90] =	vst v54  }
0x20a: {  	v0 =	vor.u32 v61, v28;
	v61 =	vand.u32 $0x3F, v9;
	v9 =	vld [tilespmem:$0x1FEC0];
	[tilespmem:$0x1FEC0] =	vst v56;
	v56 =	vmov v52  }
0x20b: {  	[tilespmem:s24+$0xFFFFF910] =	vst v63;
	v63 =	vsub.s32 $0x1A, v29  }
0x20c: {  	v51 =	vld [tilespmem:$0x1FF10];
	[tilespmem:s24+$0xFFFFFA10] =	vst v45;
	v45 =	vor.u32 v62, v32;
	v62 =	vand.u32 $0x3F, v63;
	v63 =	vsub.s32 $0x1B, v29  }
0x20d: {  	v54 =	vor.u32 v62, v32;
	v62 =	vand.u32 $0x3F, v63;
	v52 =	vld [tilespmem:$0x1FF20];
	[tilespmem:$0x1FF10] =	vst v56;
	v56 =	vmov v49  }
0x20e: {  	[tilespmem:$0x1FF20] =	vst v56;
	v56 =	vor.u32 v62, v32;
	v62 =	vld [tilespmem:$0x1FF30];
	_ =	sdelay $0x4  }
0x20f: {  	v5 =	vsub.s32 $0x13, v24  }
0x210: {  	[tilespmem:s24+$0xFFFFF810] =	vst v6;
	v6 =	vand.u32 $0x3F, v5;
	v5 =	vsub.s32 $0x18, v29  }
0x211: {  	v11 =	vand.u32 $0x3F, v5;
	v5 =	vld.idx.msk [tilespmem:v30+s4+$0x0], $0xffff  }
0x212: {  	v30 =	vor.u32 v11, v32;
	v49 =	vld.idx.msk [tilespmem:v62+s4+$0x0], $0xffff  }
0x213: {  	[tilespmem:s24+$0xFFFFF890] =	vst v47;
	v62 =	vld [tilespmem:$0x1FF40]  }
0x214: {  	[tilespmem:s24+$0xFFFFF990] =	vst v55  }
0x215: {  	v35 =	vsub.s32 $0xA, v24;
	[tilespmem:s24+$0xFFFFFB10] =	vst v58;
	v63 =	vsub.s32 $0x1C, v29  }
0x216: {  	v35 =	vand.u32 $0x3F, v35;
	v41 =	vor.u32 v59, v28;
	v47 =	vld.idx.msk [tilespmem:v9+s4+$0x0], $0xffff;
	[tilespmem:s24+$0xFFFFFB90] =	vst v7  }
0x217: {  	v10 =	vsub.s32 $0x11, v24;
	v43 =	vor.u32 v35, v28;
	v35 =	vand.u32 $0x3F, v63;
	v30 =	vld.idx.msk [tilespmem:v30+s4+$0x0], $0xffff  }
0x218: {  	v59 =	vsub.s32 $0x16, v24;
	v58 =	vsub.s32 $0x1D, v29;
	v7 =	vor.u32 v35, v32;
	v63 =	vmovc v50;
	v45 =	vld.idx.msk [tilespmem:v45+s4+$0x0], $0xffff  }
0x219: {  	v53 =	vand.u32 $0x3F, v10;
	v50 =	vand.u32 $0x3F, v58;
	v58 =	vsub.s32 $0x1E, v29;
	v51 =	vld.idx.msk [tilespmem:v51+s4+$0x0], $0xffff  }
0x21a: {  	v11 =	vsub.s32 $0x1F, v29;
	[tilespmem:$0x1FF30] =	vst v63;
	v50 =	vor.u32 v50, v32;
	v10 =	vand.u32 $0x3F, v58;
	v52 =	vld.idx.msk [tilespmem:v52+s4+$0x0], $0xffff  }
0x21b: {  	v58 =	vor.u32 v10, v32;
	v63 =	vmovc v48;
	v35 =	vld.idx.msk [tilespmem:v62+s4+$0x0], $0xffff;
	[tilespmem:s24+$0xFFFFF380] =	vst v57;
	v57 =	vand.u32 $0x3F, v59;
	v59 =	vand.u32 $0x3F, v11  }
0x21c: {  	v9 =	vld.idx.msk [tilespmem:v54+s4+$0x0], $0xffff;
	[tilespmem:$0x1FF40] =	vst v63;
	v10 =	vor.u32 v59, v32  }
0x21d: {  	v34 =	vor.u32 v60, v28;
	v60 =	vsub.s32 $0x17, v24;
	v7 =	vld.idx.msk [tilespmem:v7+s4+$0x0], $0xffff;
	[tilespmem:s23+$0x0] =	vst v39  }
0x21e: {  	v39 =	vand.u32 $0x3F, v60;
	[tilespmem:s23+$0x80] =	vst v40;
	v60 =	vor.u32 v6, v28;
	v6 =	vld.idx.msk [tilespmem:v56+s4+$0x0], $0xffff  }
0x21f: {  	[tilespmem:s23+$0x100] =	vst v37;
	v48 =	vor.u32 v39, v28;
	v39 =	vld.idx.msk [tilespmem:v50+s4+$0x0], $0xffff  }
0x220: {  	v46 =	vsub.s32 $0x14, v24;
	[tilespmem:s23+$0x180] =	vst v38;
	v50 =	vld.idx.msk [tilespmem:v58+s4+$0x0], $0xffff  }
0x221: {  	v55 =	vor.u32 v31, v28;
	v31 =	vsub.s32 $0x19, v24;
	v63 =	vor.u32 v53, v28;
	v10 =	vld.idx.msk [tilespmem:v10+s4+$0x0], $0xffff;
	[tilespmem:s24+$0xFFFFFC10] =	vst v30  }
0x222: {  	v53 =	vsub.s32 $0x1A, v24;
	v2 =	vld.idx.msk [tilespmem:v2+s4+$0x0], $0xffff;
	v58 =	vand.u32 $0x3F, v31;
	v31 =	vsub.s32 $0x20, v29;
	[tilespmem:s24+$0xFFFFFC90] =	vst v45  }
0x223: {  	v37 =	vand.u32 $0x3F, v53;
	v41 =	vld.idx.msk [tilespmem:v41+s4+$0x0], $0xffff;
	v53 =	vand.u32 $0x3F, v31;
	[tilespmem:s24+$0xFFFFFD10] =	vst v9;
	v45 =	vsub.s32 $0x21, v29  }
0x224: {  	v11 =	vsub.s32 $0x22, v29;
	v34 =	vld.idx.msk [tilespmem:v34+s4+$0x0], $0xffff;
	[tilespmem:s24+$0xFFFFFD90] =	vst v6;
	v6 =	vor.u32 v53, v32;
	v53 =	vand.u32 $0x3F, v45  }
0x225: {  	v31 =	vld.idx.msk [tilespmem:v43+s4+$0x0], $0xffff;
	[tilespmem:s24+$0xFFFFFE10] =	vst v7;
	v45 =	vand.u32 $0x3F, v11;
	v7 =	vor.u32 v53, v32;
	v53 =	vsub.s32 $0x23, v29  }
0x226: {  	v43 =	vld.idx.msk [tilespmem:v44+s4+$0x0], $0xffff;
	[tilespmem:s24+$0xFFFFFE90] =	vst v39;
	v9 =	vor.u32 v45, v32;
	v45 =	vand.u32 $0x3F, v53;
	v53 =	vsub.s32 $0x24, v29  }
0x227: {  	v30 =	vld.idx.msk [tilespmem:v42+s4+$0x0], $0xffff;
	[tilespmem:s24+$0xFFFFFF10] =	vst v50;
	v11 =	vsub.s32 $0x25, v29;
	v39 =	vor.u32 v45, v32;
	v42 =	vand.u32 $0x3F, v53  }
0x228: {  	v50 =	vsub.s32 $0x26, v29;
	v53 =	vld.idx.msk [tilespmem:v3+s4+$0x0], $0xffff;
	v45 =	vand.u32 $0x3F, v11;
	[tilespmem:s24+$0xFFFFFF90] =	vst v10;
	v3 =	vor.u32 v42, v32  }
0x229: {  	v11 =	vsub.s32 $0x27, v29;
	v10 =	vor.u32 v45, v32;
	v42 =	vand.u32 $0x3F, v50;
	v6 =	vld.idx.msk [tilespmem:v6+s4+$0x0], $0xffff  }
0x22a: {  	v46 =	vand.u32 $0x3F, v46;
	v50 =	vand.u32 $0x3F, v11;
	v45 =	vor.u32 v42, v32;
	v7 =	vld.idx.msk [tilespmem:v7+s4+$0x0], $0xffff  }
0x22b: {  	v59 =	vor.u32 v46, v28;
	v46 =	vsub.s32 $0x1C, v24;
	[tilespmem:s23+$0x200] =	vst v36;
	v44 =	vor.u32 v50, v32;
	v9 =	vld.idx.msk [tilespmem:v9+s4+$0x0], $0xffff  }
0x22c: {  	v56 =	vsub.s32 $0x1E, v24;
	[tilespmem:s23+$0x280] =	vst v1;
	v1 =	vand.u32 $0x3F, v46;
	v46 =	vld.idx.msk [tilespmem:v39+s4+$0x0], $0xffff  }
0x22d: {  	v40 =	vsub.s32 $0x1B, v24;
	[tilespmem:s23+$0x300] =	vst v4;
	v4 =	vand.u32 $0x3F, v56;
	v56 =	vld.idx.msk [tilespmem:v3+s4+$0x0], $0xffff  }
0x22e: {  	v36 =	vand.u32 $0x3F, v40;
	[tilespmem:s23+$0x380] =	vst v5;
	v40 =	vor.u32 v1, v28;
	v1 =	vld.idx.msk [tilespmem:v10+s4+$0x0], $0xffff  }
0x22f: {  	v45 =	vld.idx.msk [tilespmem:v45+s4+$0x0], $0xffff;
	[tilespmem:s23+$0xF10] =	vst v33  }
0x230: {  	v44 =	vld.idx.msk [tilespmem:v44+s4+$0x0], $0xffff;
	[tilespmem:s24+$0x10] =	vst v6  }
0x231: {  	v13 =	vld [tilespmem:$0x1FF50];
	[tilespmem:s24+$0x90] =	vst v7  }
0x232: {  	v5 =	vsub.s32 $0x29, v29;
	v3 =	vld.idx.msk [tilespmem:v0+s4+$0x0], $0xffff;
	v0 =	vsub.s32 $0x28, v29;
	[tilespmem:s24+$0x110] =	vst v9  }
0x233: {  	v21 =	vld.idx.msk [tilespmem:v21+s4+$0x0], $0xffff;
	v42 =	vor.u32 v37, v28;
	v37 =	vor.u32 v4, v28;
	v0 =	vand.u32 $0x3F, v0;
	[tilespmem:s24+$0x190] =	vst v46  }
0x234: {  	v4 =	vld.idx.msk [tilespmem:v22+s4+$0x0], $0xffff;
	v22 =	vsub.s32 $0x2A, v29;
	v9 =	vor.u32 v0, v32;
	v0 =	vand.u32 $0x3F, v5;
	[tilespmem:s24+$0x210] =	vst v56  }
0x235: {  	v5 =	vld.idx.msk [tilespmem:v23+s4+$0x0], $0xffff;
	v23 =	vor.u32 v0, v32;
	v0 =	vand.u32 $0x3F, v22;
	v22 =	vsub.s32 $0x2B, v29;
	[tilespmem:s24+$0x290] =	vst v1  }
0x236: {  	v20 =	vld.idx.msk [tilespmem:v20+s4+$0x0], $0xffff;
	v1 =	vor.u32 v0, v32;
	v0 =	vand.u32 $0x3F, v22;
	v22 =	vsub.s32 $0x2C, v29;
	[tilespmem:s24+$0x310] =	vst v45  }
0x237: {  	v19 =	vld.idx.msk [tilespmem:v19+s4+$0x0], $0xffff;
	v45 =	vor.u32 v0, v32;
	v0 =	vand.u32 $0x3F, v22;
	[tilespmem:s24+$0x390] =	vst v44  }
0x238: {  	v12 =	vsub.s32 $0x26, v24;
	v44 =	vor.u32 v0, v32;
	v0 =	vld.idx.msk [tilespmem:v18+s4+$0x0], $0xffff;
	[tilespmem:s24+$0xFFFFF400] =	vst v2  }
0x239: {  	v62 =	vor.u32 v61, v28;
	v61 =	vor.u32 v8, v28;
	v8 =	vsub.s32 $0x18, v24;
	[tilespmem:s24+$0xFFFFF480] =	vst v30  }
0x23a: {  	v38 =	vsub.s32 $0x1D, v24;
	v54 =	vor.u32 v57, v28;
	v8 =	vand.u32 $0x3F, v8;
	[tilespmem:s24+$0xFFFFF500] =	vst v31  }
0x23b: {  	v57 =	vsub.s32 $0x1F, v24;
	v11 =	vsub.s32 $0x24, v24;
	v50 =	vor.u32 v8, v28;
	[tilespmem:s24+$0xFFFFF580] =	vst v43  }
0x23c: {  	v8 =	vand.u32 $0x3F, v57;
	v57 =	vsub.s32 $0x23, v24;
	v11 =	vand.u32 $0x3F, v11;
	[tilespmem:s24+$0xFFFFF600] =	vst v41  }
0x23d: {  	v39 =	vor.u32 v36, v28;
	v36 =	vor.u32 v8, v28;
	v22 =	vsub.s32 $0x2D, v29;
	[tilespmem:s24+$0xFFFFF680] =	vst v34;
	v2 =	vld.idx.msk [tilespmem:v9+s4+$0x0], $0xffff  }
0x23e: {  	v8 =	vsub.s32 $0x20, v24;
	v56 =	vsub.s32 $0x2E, v29;
	v22 =	vand.u32 $0x3F, v22;
	[tilespmem:s24+$0xFFFFF700] =	vst v53;
	v23 =	vld.idx.msk [tilespmem:v23+s4+$0x0], $0xffff  }
0x23f: {  	v18 =	vand.u32 $0x3F, v56;
	v9 =	vor.u32 v22, v32;
	v22 =	vsub.s32 $0x2F, v29;
	v53 =	vld.idx.msk [tilespmem:v13+s4+$0x0], $0xffff;
	v13 =	vmovc v27  }
0x240: {  	v33 =	vsub.s32 $0x22, v24;
	v18 =	vor.u32 v18, v32;
	v22 =	vand.u32 $0x3F, v22;
	[tilespmem:$0x1FF50] =	vst v13;
	v13 =	vld [tilespmem:$0x1FF60]  }
0x241: {  	v10 =	vsub.s32 $0x21, v24;
	v30 =	vand.u32 $0x3F, v33;
	v33 =	vld.idx.msk [tilespmem:v1+s4+$0x0], $0xffff;
	v1 =	vor.u32 v22, v32  }
0x242: {  	v8 =	vand.u32 $0x3F, v8;
	v10 =	vand.u32 $0x3F, v10;
	v6 =	vsub.s32 $0x25, v24;
	v56 =	vld.idx.msk [tilespmem:v45+s4+$0x0], $0xffff  }
0x243: {  	v7 =	vsub.s32 $0x27, v24;
	v45 =	vor.u32 v8, v28;
	v8 =	vand.u32 $0x3F, v12;
	v12 =	vld.idx.msk [tilespmem:v44+s4+$0x0], $0xffff  }
0x244: {  	v6 =	vand.u32 $0x3F, v6;
	v7 =	vand.u32 $0x3F, v7;
	v46 =	vor.u32 v10, v28;
	v9 =	vld.idx.msk [tilespmem:v9+s4+$0x0], $0xffff  }
0x245: {  	v10 =	vsub.s32 $0x28, v24;
	v41 =	vor.u32 v11, v28;
	v11 =	vsub.s32 $0x29, v24;
	v18 =	vld.idx.msk [tilespmem:v18+s4+$0x0], $0xffff  }
0x246: {  	v34 =	vor.u32 v6, v28;
	v22 =	vand.u32 $0x3F, v57;
	v31 =	vor.u32 v8, v28;
	v8 =	vld.idx.msk [tilespmem:v1+s4+$0x0], $0xffff;
	[tilespmem:s24+$0x410] =	vst v2  }
0x247: {  	v6 =	vsub.s32 $0x2A, v24;
	v43 =	vor.u32 v22, v28;
	[tilespmem:s24+$0x490] =	vst v23;
	v2 =	vsub.s32 $0x30, v29  }
0x248: {  	v44 =	vor.u32 v30, v28;
	[tilespmem:s24+$0x510] =	vst v33;
	v23 =	vsub.s32 $0x31, v29;
	v22 =	vand.u32 $0x3F, v2  }
0x249: {  	v2 =	vld.idx.msk [tilespmem:v16+s4+$0x0], $0xffff;
	[tilespmem:s24+$0x590] =	vst v56;
	v16 =	vor.u32 v22, v32;
	v22 =	vand.u32 $0x3F, v23;
	v23 =	vsub.s32 $0x32, v29  }
0x24a: {  	[tilespmem:s24+$0x610] =	vst v12;
	v12 =	vor.u32 v22, v32;
	v22 =	vand.u32 $0x3F, v23;
	v23 =	vsub.s32 $0x33, v29  }
0x24b: {  	v1 =	vld.idx.msk [tilespmem:v17+s4+$0x0], $0xffff;
	[tilespmem:s24+$0x690] =	vst v9;
	v33 =	vor.u32 v22, v32;
	v22 =	vand.u32 $0x3F, v23;
	v23 =	vsub.s32 $0x34, v29  }
0x24c: {  	v56 =	vld.idx.msk [tilespmem:v15+s4+$0x0], $0xffff;
	[tilespmem:s24+$0x710] =	vst v18;
	v18 =	vor.u32 v22, v32;
	v22 =	vand.u32 $0x3F, v23;
	v23 =	vsub.s32 $0x35, v29  }
0x24d: {  	v57 =	vld.idx.msk [tilespmem:v13+s4+$0x0], $0xffff;
	[tilespmem:s24+$0x790] =	vst v8;
	v8 =	vor.u32 v22, v32;
	v22 =	vand.u32 $0x3F, v23;
	v23 =	vsub.s32 $0x36, v29  }
0x24e: {  	[tilespmem:s24+$0xFFFFF780] =	vst v3;
	v3 =	vld.idx.msk [tilespmem:v16+s4+$0x0], $0xffff;
	v16 =	vor.u32 v22, v32;
	v22 =	vand.u32 $0x3F, v23;
	v23 =	vsub.s32 $0x37, v29  }
0x24f: {  	v6 =	vand.u32 $0x3F, v6;
	v13 =	vmovc v26;
	[tilespmem:s23+$0x400] =	vst v4;
	v12 =	vld.idx.msk [tilespmem:v12+s4+$0x0], $0xffff;
	v26 =	vor.u32 v22, v32;
	v22 =	vand.u32 $0x3F, v23  }
0x250: {  	v30 =	vor.u32 v7, v28;
	v7 =	vsub.s32 $0x2B, v24;
	[tilespmem:s23+$0x480] =	vst v5;
	v9 =	vld.idx.msk [tilespmem:v33+s4+$0x0], $0xffff;
	v27 =	vor.u32 v22, v32  }
0x251: {  	v7 =	vand.u32 $0x3F, v7;
	v17 =	vsub.s32 $0x2C, v24;
	v15 =	vmovc v25;
	v25 =	vsub.s32 $0x2D, v24;
	[tilespmem:s23+$0x500] =	vst v21;
	v33 =	vld.idx.msk [tilespmem:v18+s4+$0x0], $0xffff  }
0x252: {  	v17 =	vand.u32 $0x3F, v17;
	v4 =	vsub.s32 $0x2E, v24;
	v5 =	vand.u32 $0x3F, v10;
	[tilespmem:s23+$0x580] =	vst v20;
	v8 =	vld.idx.msk [tilespmem:v8+s4+$0x0], $0xffff  }
0x253: {  	v10 =	vand.u32 $0x3F, v11;
	[tilespmem:s23+$0x600] =	vst v19;
	v21 =	vor.u32 v6, v28;
	v18 =	vand.u32 $0x3F, v25;
	v25 =	vld.idx.msk [tilespmem:v16+s4+$0x0], $0xffff  }
0x254: {  	v20 =	vor.u32 v7, v28;
	[tilespmem:$0x1FF60] =	vst v13;
	v4 =	vand.u32 $0x3F, v4;
	v23 =	vsub.s32 $0x2F, v24;
	v6 =	vld.idx.msk [tilespmem:v26+s4+$0x0], $0xffff  }
0x255: {  	v22 =	vor.u32 v5, v28;
	v5 =	vand.u32 $0x3F, v23;
	v23 =	vor.u32 v10, v28;
	v10 =	vld.idx.msk [tilespmem:v27+s4+$0x0], $0xffff;
	[tilespmem:s24+$0x810] =	vst v3  }
0x256: {  	v19 =	vor.u32 v17, v28;
	v13 =	vld.idx.msk [tilespmem:v54+s4+$0x0], $0xffff;
	v17 =	vor.u32 v4, v28;
	v4 =	vsub.s32 $0x38, v29;
	[tilespmem:s24+$0x890] =	vst v12  }
0x257: {  	v4 =	vand.u32 $0x3F, v4;
	v16 =	vor.u32 v5, v28;
	v5 =	vld.idx.msk [tilespmem:v63+s4+$0x0], $0xffff;
	v63 =	vsub.s32 $0x39, v29;
	[tilespmem:s24+$0x990] =	vst v33  }
0x258: {  	v7 =	vsub.s32 $0x30, v24;
	v4 =	vor.u32 v4, v32;
	v26 =	vld.idx.msk [tilespmem:v61+s4+$0x0], $0xffff;
	[tilespmem:s24+$0xA10] =	vst v8;
	v8 =	vand.u32 $0x3F, v63  }
0x259: {  	v61 =	vld.idx.msk [tilespmem:v55+s4+$0x0], $0xffff;
	v33 =	vsub.s32 $0x3A, v29;
	[tilespmem:s24+$0xA90] =	vst v25;
	v8 =	vor.u32 v8, v32;
	v25 =	vsub.s32 $0x3B, v29  }
0x25a: {  	v3 =	vld.idx.msk [tilespmem:v62+s4+$0x0], $0xffff;
	[tilespmem:s24+$0x910] =	vst v9;
	v11 =	vand.u32 $0x3F, v33;
	v33 =	vand.u32 $0x3F, v25;
	v25 =	vsub.s32 $0x3C, v29  }
0x25b: {  	v27 =	vld.idx.msk [tilespmem:v60+s4+$0x0], $0xffff;
	[tilespmem:s24+$0xB10] =	vst v6;
	v6 =	vor.u32 v11, v32;
	v63 =	vand.u32 $0x3F, v25;
	v25 =	vsub.s32 $0x3D, v29  }
0x25c: {  	v60 =	vld.idx.msk [tilespmem:v59+s4+$0x0], $0xffff;
	[tilespmem:s23+$0x700] =	vst v1;
	v55 =	vor.u32 v33, v32;
	v33 =	vand.u32 $0x3F, v25;
	v25 =	vsub.s32 $0x3E, v29  }
0x25d: {  	v62 =	vand.u32 $0x3F, v29;
	v1 =	vsub.s32 $0x33, v24;
	[tilespmem:s24+$0xB90] =	vst v10;
	v25 =	vand.u32 $0x3F, v25  }
0x25e: {  	[tilespmem:s23+$0x680] =	vst v0;
	v9 =	vor.u32 v62, v32;
	v1 =	vand.u32 $0x3F, v1;
	v62 =	vld.idx.msk [tilespmem:v8+s4+$0x0], $0xffff;
	v8 =	vor.u32 v25, v32  }
0x25f: {  	v12 =	vsub.s32 $0x31, v24;
	v0 =	vsub.s32 $0x32, v24;
	[tilespmem:s22+$0xD00] =	vst v52;
	v52 =	vor.u32 v1, v28;
	v1 =	vld [tilespmem:$0x1FF80]  }
0x260: {  	[tilespmem:s23+$0x780] =	vst v2;
	v2 =	vsub.s32 $0x35, v24;
	v0 =	vand.u32 $0x3F, v0;
	v59 =	vld.idx.msk [tilespmem:v4+s4+$0x0], $0xffff;
	v4 =	vor.u32 v63, v32  }
0x261: {  	[tilespmem:s22+$0xC00] =	vst v47;
	v2 =	vand.u32 $0x3F, v2;
	v29 =	vsub.s32 $0x34, v24;
	v11 =	vor.u32 v33, v32;
	v63 =	vld.idx.msk [tilespmem:v6+s4+$0x0], $0xffff  }
0x262: {  	[tilespmem:s22+$0xC80] =	vst v51;
	v9 =	vxor.u32 $0x3F, v9;
	v51 =	vor.u32 v0, v28;
	v10 =	vand.u32 $0x3F, v29;
	v47 =	vld.idx.msk [tilespmem:v55+s4+$0x0], $0xffff  }
0x263: {  	[tilespmem:s22+$0xD80] =	vst v49;
	v29 =	vsub.s32 $0x39, v24;
	v32 =	vsub.s32 $0x37, v24;
	v6 =	vand.u32 $0x3F, v7;
	v33 =	vld.idx.msk [tilespmem:v8+s4+$0x0], $0xffff  }
0x264: {  	v7 =	vand.u32 $0x3F, v12;
	v12 =	vand.u32 $0x3F, v32;
	v32 =	vor.u32 v2, v28;
	v8 =	vld.idx.msk [tilespmem:v48+s4+$0x0], $0xffff;
	[tilespmem:s24+$0xFFFFF800] =	vst v3  }
0x265: {  	v25 =	vsub.s32 $0x36, v24;
	v7 =	vor.u32 v7, v28;
	v54 =	vld.idx.msk [tilespmem:v4+s4+$0x0], $0xffff;
	v4 =	vor.u32 v6, v28;
	[tilespmem:s24+$0xFFFFF880] =	vst v5  }
0x266: {  	v0 =	vor.u32 v12, v28;
	v12 =	vsub.s32 $0x3C, v24;
	v6 =	vand.u32 $0x3F, v25;
	v55 =	vld.idx.msk [tilespmem:v11+s4+$0x0], $0xffff;
	[tilespmem:s24+$0xFFFFF900] =	vst v26;
	v3 =	vmovc v4  }
0x267: {  	v25 =	vsub.s32 $0x38, v24;
	v2 =	vor.u32 v6, v28;
	v6 =	vsub.s32 $0x3B, v24;
	v1 =	vld.idx.msk [tilespmem:v1+s4+$0x0], $0xffff;
	[tilespmem:$0x1FF80] =	vst v3  }
0x268: {  	v5 =	vsub.s32 $0x3A, v24;
	v4 =	vsub.s32 $0x3D, v24;
	v26 =	vsub.s32 $0x3E, v24;
	[tilespmem:s24+$0xFFFFF980] =	vst v27;
	v3 =	vld [tilespmem:$0x1FF90];
	v27 =	vmovc v7  }
0x269: {  	v7 =	vand.u32 $0x3F, v25;
	v25 =	vand.u32 $0x3F, v29;
	v29 =	vmovc v51;
	[tilespmem:$0x1FF90] =	vst v27;
	v27 =	vand.u32 $0x3F, v5;
	v5 =	vld [tilespmem:$0x1FFA0]  }
0x26a: {  	v24 =	vand.u32 $0x3F, v24;
	v11 =	vand.u32 $0x3F, v6;
	[tilespmem:$0x1FFA0] =	vst v29;
	v29 =	vand.u32 $0x3F, v4;
	v4 =	vld [tilespmem:$0x1FFB0];
	v6 =	vmovc v52  }
0x26b: {  	[tilespmem:$0x1FFB0] =	vst v6;
	v6 =	vor.u32 v24, v28  }
0x26c: {  	v52 =	vor.u32 v25, v28;
	v25 =	vxor.u32 $0x3F, v6;
	v6 =	vld [tilespmem:$0x1FFC0];
	_ =	sdelay $0x2  }
0x26d: {  	v9 =	vld.idx.msk [tilespmem:v9+s4+$0x0], $0xffff  }
0x26e: {  	s26 =	sadd.s32 $0x2, s26;
	v38 =	vand.u32 $0x3F, v38;
	v3 =	vld.idx.msk [tilespmem:v3+s4+$0x0], $0xffff;
	[tilespmem:s24+$0xFFFFFA00] =	vst v60  }
0x26f: {  	p2 =	slt.u32 s26, $0x6;
	v58 =	vor.u32 v58, v28;
	v51 =	vor.u32 v7, v28;
	v7 =	vand.u32 $0x3F, v26;
	v5 =	vld.idx.msk [tilespmem:v5+s4+$0x0], $0xffff;
	[tilespmem:s24+$0xFFFFFA80] =	vst v61  }
.Ltmp0:
0x270: {  	v38 =	vor.u32 v38, v28;
	v4 =	vld.idx.msk [tilespmem:v4+s4+$0x0], $0xffff;
	[tilespmem:s24+$0xFFFFFB00] =	vst v13;
	(pc) =	sbr.rel @p2 .LBB2_4-.Ltmp0, $4  }
0x271: {  	v18 =	vor.u32 v18, v28;
	v10 =	vor.u32 v10, v28;
	v60 =	vld.idx.msk [tilespmem:v14+s4+$0x0], $0xffff;
	[tilespmem:s24+$0xFFFFFB80] =	vst v8  }
0x272: {  	v12 =	vand.u32 $0x3F, v12;
	[tilespmem:s24+$0xF90] =	vst v9;
	v26 =	vor.u32 v7, v28;
	v7 =	vmov v32;
	v61 =	vld.idx.msk [tilespmem:v6+s4+$0x0], $0xffff  }
0x273: {  	v48 =	vor.u32 v12, v28;
	v49 =	vor.u32 v27, v28;
	[tilespmem:$0x1FFC0] =	vst v7;
	v6 =	vld.idx.msk [tilespmem:v50+s4+$0x0], $0xffff  }
0x274: {  	s28 =	sadd.s32 $0x20, s28;
	v27 =	vor.u32 v29, v28;
	v14 =	vmov v10;
	v50 =	vor.u32 v11, v28;
	v58 =	vld.idx.msk [tilespmem:v58+s4+$0x0], $0xffff;
	[tilespmem:s22+$0xE00] =	vst v35  }
0x275: {  	_ =	sdelay $0x3  }
0x276: {  	v7 =	vld.idx.msk [tilespmem:v42+s4+$0x0], $0xffff  }
0x277: {  	v8 =	vld.idx.msk [tilespmem:v39+s4+$0x0], $0xffff  }
0x278: {  	v9 =	vld.idx.msk [tilespmem:v40+s4+$0x0], $0xffff  }
0x279: {  	v10 =	vld.idx.msk [tilespmem:v38+s4+$0x0], $0xffff  }
0x27a: {  	v11 =	vld.idx.msk [tilespmem:v37+s4+$0x0], $0xffff  }
0x27b: {  	v12 =	vld.idx.msk [tilespmem:v36+s4+$0x0], $0xffff;
	[tilespmem:s24+$0xFFFFFC00] =	vst v6  }
0x27c: {  	[tilespmem:s24+$0xFFFFFC80] =	vst v58  }
0x27d: {  	[tilespmem:s24+$0xFFFFFD00] =	vst v7  }
0x27e: {  	[tilespmem:s24+$0xFFFFFD80] =	vst v8  }
0x27f: {  	[tilespmem:s24+$0xFFFFFE00] =	vst v9  }
0x280: {  	[tilespmem:s24+$0xFFFFFE80] =	vst v10  }
0x281: {  	[tilespmem:s24+$0xFFFFFF00] =	vst v11  }
0x282: {  	[tilespmem:s24+$0xFFFFFF80] =	vst v12  }
0x283: {  	v6 =	vld.idx.msk [tilespmem:v45+s4+$0x0], $0xffff  }
0x284: {  	v7 =	vld.idx.msk [tilespmem:v46+s4+$0x0], $0xffff  }
0x285: {  	v8 =	vld.idx.msk [tilespmem:v44+s4+$0x0], $0xffff  }
0x286: {  	v9 =	vld.idx.msk [tilespmem:v43+s4+$0x0], $0xffff  }
0x287: {  	v10 =	vld.idx.msk [tilespmem:v41+s4+$0x0], $0xffff  }
0x288: {  	[tilespmem:s22+$0xE80] =	vst v53;
	v11 =	vld.idx.msk [tilespmem:v34+s4+$0x0], $0xffff  }
0x289: {  	[tilespmem:s22+$0xF00] =	vst v57;
	v12 =	vld.idx.msk [tilespmem:v31+s4+$0x0], $0xffff  }
0x28a: {  	v13 =	vld.idx.msk [tilespmem:v30+s4+$0x0], $0xffff;
	[tilespmem:s24+$0x0] =	vst v6  }
0x28b: {  	[tilespmem:s24+$0x80] =	vst v7  }
0x28c: {  	[tilespmem:s24+$0x100] =	vst v8  }
0x28d: {  	[tilespmem:s24+$0x180] =	vst v9  }
0x28e: {  	[tilespmem:s24+$0x200] =	vst v10  }
0x28f: {  	[tilespmem:s24+$0x280] =	vst v11  }
0x290: {  	[tilespmem:s24+$0x300] =	vst v12  }
0x291: {  	v6 =	vld [tilespmem:$0x1FEA0];
	[tilespmem:s24+$0x380] =	vst v13  }
0x292: {  	v7 =	vld [tilespmem:$0x1FEB0]  }
0x293: {  	v8 =	vld.idx.msk [tilespmem:v22+s4+$0x0], $0xffff  }
0x294: {  	v9 =	vld.idx.msk [tilespmem:v23+s4+$0x0], $0xffff  }
0x295: {  	[tilespmem:s22+$0xF80] =	vst v56;
	v10 =	vld.idx.msk [tilespmem:v21+s4+$0x0], $0xffff  }
0x296: {  	[tilespmem:s24+$0xC10] =	vst v59;
	v11 =	vld.idx.msk [tilespmem:v20+s4+$0x0], $0xffff  }
0x297: {  	[tilespmem:s24+$0xC90] =	vst v62;
	v12 =	vld.idx.msk [tilespmem:v19+s4+$0x0], $0xffff  }
0x298: {  	[tilespmem:s24+$0xD10] =	vst v63;
	v45 =	vld.idx.msk [tilespmem:v18+s4+$0x0], $0xffff  }
0x299: {  	[tilespmem:s24+$0xD90] =	vst v47;
	v46 =	vld.idx.msk [tilespmem:v17+s4+$0x0], $0xffff  }
0x29a: {  	v47 =	vld.idx.msk [tilespmem:v16+s4+$0x0], $0xffff;
	[tilespmem:s24+$0x400] =	vst v8  }
0x29b: {  	[tilespmem:s24+$0x480] =	vst v9  }
0x29c: {  	[tilespmem:s24+$0x500] =	vst v10  }
0x29d: {  	[tilespmem:s24+$0x580] =	vst v11  }
0x29e: {  	[tilespmem:s24+$0x600] =	vst v12  }
0x29f: {  	[tilespmem:s24+$0x680] =	vst v45  }
0x2a0: {  	[tilespmem:s24+$0x700] =	vst v46  }
0x2a1: {  	[tilespmem:s24+$0x780] =	vst v47;
	v6 =	vld.idx.msk [tilespmem:v6+s4+$0x0], $0xffff  }
0x2a2: {  	v7 =	vld.idx.msk [tilespmem:v7+s4+$0x0], $0xffff;
	[tilespmem:s23+$0x800] =	vst v1  }
0x2a3: {  	[tilespmem:s23+$0x880] =	vst v3  }
0x2a4: {  	[tilespmem:s23+$0x900] =	vst v5  }
0x2a5: {  	[tilespmem:s23+$0x980] =	vst v4  }
0x2a6: {  	v1 =	vld [tilespmem:$0x1FF80];
	[tilespmem:s23+$0xA00] =	vst v60  }
0x2a7: {  	v3 =	vld [tilespmem:$0x1FF90];
	[tilespmem:s23+$0xA80] =	vst v61  }
0x2a8: {  	v4 =	vld [tilespmem:$0x1FFA0];
	[tilespmem:s23+$0xB00] =	vst v6  }
0x2a9: {  	v5 =	vld [tilespmem:$0x1FFB0];
	[tilespmem:s23+$0xB80] =	vst v7  }
0x2aa: {  	[tilespmem:s24+$0xE10] =	vst v54  }
0x2ab: {  	v7 =	vld [tilespmem:$0x1FFC0]  }
0x2ac: {  	v53 =	vld.idx.msk [tilespmem:v14+s4+$0x0], $0xffff  }
0x2ad: {  	v2 =	vld.idx.msk [tilespmem:v2+s4+$0x0], $0xffff  }
0x2ae: {  	v1 =	vld.idx.msk [tilespmem:v1+s4+$0x0], $0xffff  }
0x2af: {  	v3 =	vld.idx.msk [tilespmem:v3+s4+$0x0], $0xffff  }
0x2b0: {  	v4 =	vld.idx.msk [tilespmem:v4+s4+$0x0], $0xffff  }
0x2b1: {  	[tilespmem:s24+$0xE90] =	vst v55;
	v5 =	vld.idx.msk [tilespmem:v5+s4+$0x0], $0xffff  }
0x2b2: {  	v0 =	vld.idx.msk [tilespmem:v0+s4+$0x0], $0xffff;
	[tilespmem:s24+$0xF10] =	vst v33  }
0x2b3: {  	v7 =	vld.idx.msk [tilespmem:v7+s4+$0x0], $0xffff;
	[tilespmem:s24+$0x800] =	vst v1  }
0x2b4: {  	v1 =	vld [tilespmem:$0x1FEC0];
	[tilespmem:s24+$0x880] =	vst v3  }
0x2b5: {  	v3 =	vld [tilespmem:$0x1FF10];
	[tilespmem:s24+$0x900] =	vst v4  }
0x2b6: {  	v4 =	vld [tilespmem:$0x1FF20];
	[tilespmem:s24+$0x980] =	vst v5  }
0x2b7: {  	v5 =	vld [tilespmem:$0x1FF30];
	[tilespmem:s24+$0xA00] =	vst v53  }
0x2b8: {  	v6 =	vld [tilespmem:$0x1FF40];
	[tilespmem:s24+$0xA80] =	vst v7  }
0x2b9: {  	v7 =	vld [tilespmem:$0x1FF50];
	[tilespmem:s24+$0xB00] =	vst v2  }
0x2ba: {  	v2 =	vld [tilespmem:$0x1FF60];
	[tilespmem:s24+$0xB80] =	vst v0  }
0x2bb: {  	v56 =	vld.idx.msk [tilespmem:v51+s4+$0x0], $0xffff  }
0x2bc: {  	v57 =	vld.idx.msk [tilespmem:v52+s4+$0x0], $0xffff  }
0x2bd: {  	v58 =	vld.idx.msk [tilespmem:v49+s4+$0x0], $0xffff  }
0x2be: {  	v59 =	vld.idx.msk [tilespmem:v50+s4+$0x0], $0xffff  }
0x2bf: {  	v60 =	vld.idx.msk [tilespmem:v48+s4+$0x0], $0xffff  }
0x2c0: {  	v61 =	vld.idx.msk [tilespmem:v27+s4+$0x0], $0xffff  }
0x2c1: {  	v62 =	vld.idx.msk [tilespmem:v26+s4+$0x0], $0xffff  }
0x2c2: {  	v63 =	vld.idx.msk [tilespmem:v25+s4+$0x0], $0xffff;
	[tilespmem:s24+$0xC00] =	vst v56  }
0x2c3: {  	v55 =	vld.idx.msk [tilespmem:v15+s4+$0x0], $0xffff;
	[tilespmem:s24+$0xC80] =	vst v57  }
0x2c4: {  	v1 =	vld.idx.msk [tilespmem:v1+s4+$0x0], $0xffff;
	[tilespmem:s24+$0xD00] =	vst v58  }
0x2c5: {  	v3 =	vld.idx.msk [tilespmem:v3+s4+$0x0], $0xffff;
	[tilespmem:s24+$0xD80] =	vst v59  }
0x2c6: {  	v4 =	vld.idx.msk [tilespmem:v4+s4+$0x0], $0xffff;
	[tilespmem:s24+$0xE00] =	vst v60  }
0x2c7: {  	v5 =	vld.idx.msk [tilespmem:v5+s4+$0x0], $0xffff;
	[tilespmem:s24+$0xE80] =	vst v61  }
0x2c8: {  	v6 =	vld.idx.msk [tilespmem:v6+s4+$0x0], $0xffff;
	[tilespmem:s24+$0xF00] =	vst v62  }
0x2c9: {  	[tilespmem:s24+$0xF80] =	vst v63;
	v7 =	vld.idx.msk [tilespmem:v7+s4+$0x0], $0xffff  }
0x2ca: {  	v2 =	vld.idx.msk [tilespmem:v2+s4+$0x0], $0xffff;
	[tilespmem:s23+$0xC00] =	vst v1  }
0x2cb: {  	[tilespmem:s23+$0xC80] =	vst v3  }
0x2cc: {  	s31 =	sadd.s32 s18, s21;
	s21 =	sadd.s32 $0x1, s21;
	[tilespmem:s23+$0xD00] =	vst v4  }
0x2cd: {  	p2 =	sne.s32 s21, $0x8;
	[tilespmem:s23+$0xF80] =	vst v55  }
.Ltmp1:
0x2ce: {  	[tilespmem:s23+$0xD80] =	vst v5;
	(pc) =	sbr.rel @p2 .LBB2_3-.Ltmp1, $4  }
0x2cf: {  	s22 =	sshll.u32 s31, $0x11;
	[tilespmem:s23+$0xE00] =	vst v6  }
0x2d0: {  	s22 =	sadd.s32 s2, s22;
	[tilespmem:s23+$0xE80] =	vst v7  }
0x2d1: {  	p1 =	por !p1, !p1;
	s17 =	sadd.s32 $0x80, s17;
	s22 =	sadd.s32 s20, s22;
	[tilespmem:s23+$0xF00] =	vst v2  }
0x2d2: {  	[hbm4b:s22+s12] =	stream.strided.scatter [tilespmem:s25], [sflag:$0x2], $0x2000, s13, s12, $0x38;
	[tilespmem:$0x14400] =	vst v63  }
0x2d3: {  	s16 =	sadd.s32 $0x1, s16  }
0x2d4: {  	p1 =	sne.s32 s16, $0x64  }
.Ltmp2:
0x2d5: {  	_ = 	snop;
	(pc) =	sbr.rel @p1 .LBB2_2-.Ltmp2, $2  }
0x2d6: {  	_ =	sdelay $0x2  }
0x2d7: {  	p0 =	por !p0, !p0  }
0x2d8: {  	s15 =	sadd.s32 $0x1, s15  }
0x2d9: {  	_ =	swait.ge [sflag:s14], $0x2000;
	p0 =	sne.s32 s15, s8  }
.Ltmp3:
0x2da: {  	[sflag:s14] =	ssyncset.done $0x0;
	(pc) =	sbr.rel @p0 .LBB2_1-.Ltmp3, $4  }
0x2db: {  	[sflag:s14] =	ssyncadd.s32 $0xFFFFE000  }
0x2dc: {  	_ =	swait.ge [sflag:s14], $0x2000  }
0x2dd: {  	[sflag:s14] =	ssyncset.done $0x0  }
0x2de: {  	[sflag:s14] =	ssyncadd.s32 $0xFFFFE000  }
0x2df: {  	_ =	sfence.sel $0x180000  }
0x2e0: {  	[bflag:$0x0] =	sbarrier.arrive $0xFFFF  }
0x2e1: {  	p0 =	sne.s32 s3, $0x0;
	_ =	strace $0x9000004A  }
0x2e2: {  	s0 =	sadd.s32 @!p0 $0x100000, s0;
	[bflag:$0x2] =	sbarrier.arrive $0xFFFF  }
0x2e3: {  	[sflag:s0] =	ssyncadd.tile.s32 @!p0 $0x1;
	_ =	shalt  }
.Lfunc_end2:
_tile_overlayer_lowered:
.L_overlay_start_2:
0x2e4: {  	(tag) =	ssettag $0x2  }
0x2e5: {  	s0 =	rddreg [dreg:$0x0];
	s2 =	stileid.u32  }
0x2e6: {  	s1 =	rddreg [dreg:$0x1];
	p0 =	sne.s32 s2, $0x0  }
0x2e7: {  	s3 =	rddreg [dreg:$0x2];
	[bflag:$0x3] =	sbarrier.arrive $0xFFFF;
	s2 =	simm.s32 @!p0 $0x1C03  }
0x2e8: {  	[timem:s3], [sflag:s2] =	dma.local @!p0 [hbm:s0], s1  }
0x2e9: {  	s0 =	simm.s32 @!p0 $0x3  }
0x2ea: {  	_ =	swait.ge @!p0 [sflag:s0], s1  }
0x2eb: {  	s1 =	ssub.s32 @!p0 $0x0, s1;
	[sflag:s0] =	ssyncset.done @!p0 $0x0  }
0x2ec: {  	[sflag:s0] =	ssyncadd.s32 @!p0 s1  }
0x2ed: {  	[bflag:$0x3] =	sbarrier.arrive $0xFFFF  }
0x2ee: {  	_ =	shalt  }

</sc_bundles>
